<compile_context>
chip_gen: v7x
topology: tpu7x:2x2x1
jax: 0.10.2.dev20260603
libtpu: 0.0.44.dev20260713+nightly
codegen_flags: <defaults>
</compile_context>

<pallas_src>
import functools

import jax
import jax.numpy as jnp
from jax import lax
from jax.experimental import pallas as pl
from jax.experimental.pallas import tpu as pltpu
from jax.experimental.pallas import tpu_sc as plsc

NC = 2
NS = 16
NW = NC * NS
K = 128
LANES = 16


def _sc_aggregate(table, ei, acc_rows, with_counts):
    G = 2
    _, d = table.shape
    C = ei.shape[2]
    CH = -(-C // 2)
    rpt = acc_rows // NS
    nblk = rpt // K

    out_type = [jax.ShapeDtypeStruct((NC, acc_rows, d), jnp.float32)]
    if with_counts:
        out_type.append(jax.ShapeDtypeStruct((NC, acc_rows), jnp.float32))

    scratch = (
        [pltpu.VMEM((CH, K), jnp.int32),
         pltpu.VMEM((CH, K), jnp.int32)]
        + [pltpu.VMEM((K, d), jnp.float32) for _ in range(G)]
        + [pltpu.VMEM((K,), jnp.float32),
           pltpu.VMEM((K,), jnp.float32),
           pltpu.VMEM_SHARED((acc_rows, d), jnp.float32),
           pltpu.VMEM_SHARED((acc_rows,), jnp.float32)]
        + [pltpu.SemaphoreType.DMA for _ in range(2 * G + 1)]
    )
    mesh = plsc.VectorSubcoreMesh(core_axis_name="c", subcore_axis_name="s")

    def body(table_hbm, ei_hbm, *refs):
        if with_counts:
            sum_out, cnt_out = refs[0], refs[1]
            refs = refs[2:]
        else:
            sum_out = refs[0]
            refs = refs[1:]
        src_v, dst_v = refs[0], refs[1]
        rows = refs[2:2 + G]
        ones_v, zeros_v, acc, acc_cnt = refs[2 + G:6 + G]
        sems = refs[6 + G:]
        c = lax.axis_index("c")
        s = lax.axis_index("s")
        w = s * NC + c

        zero16 = jnp.zeros((LANES,), jnp.float32)
        one16 = jnp.ones((LANES,), jnp.float32)

        def zrow(i, carry):
            r = i // (d // LANES)
            cc = (i % (d // LANES)) * LANES
            rows[0][r, pl.ds(cc, LANES)] = zero16
            return carry

        lax.fori_loop(0, K * (d // LANES), zrow, 0)
        for i in range(K // LANES):
            ones_v[pl.ds(i * LANES, LANES)] = one16
            zeros_v[pl.ds(i * LANES, LANES)] = zero16

        r0 = pl.multiple_of(s * rpt, K)
        for b in range(nblk):
            pltpu.sync_copy(rows[0], acc.at[pl.ds(r0 + b * K, K)])
        if with_counts:
            for b in range(nblk):
                pltpu.sync_copy(zeros_v, acc_cnt.at[pl.ds(r0 + b * K, K)])
        plsc.subcore_barrier()

        def group(i, carry):
            hs = [pltpu.async_copy(table_hbm.at[src_v.at[i * G + g]], rows[g],
                                   sems[g]) for g in range(G)]
            ss = []
            for g in range(G):
                hs[g].wait()
                ss.append(pltpu.async_copy(
                    rows[g], acc.at[dst_v.at[i * G + g]], sems[G + g],
                    add=True))
                if with_counts:
                    ss.append(pltpu.async_copy(
                        ones_v, acc_cnt.at[dst_v.at[i * G + g]], sems[2 * G],
                        add=True))
            for h in ss:
                h.wait()
            return carry

        for p, span in enumerate([CH, C - CH]):
            pltpu.sync_copy(ei_hbm.at[0, w, pl.ds(p * CH, span)],
                            src_v.at[pl.ds(0, span)])
            pltpu.sync_copy(ei_hbm.at[1, w, pl.ds(p * CH, span)],
                            dst_v.at[pl.ds(0, span)])
            lax.fori_loop(0, span // G, group, 0)
            for j in range(span - span % G, span):
                pltpu.async_copy(table_hbm.at[src_v.at[j]], rows[0],
                                 sems[0]).wait()
                pltpu.sync_copy(rows[0], acc.at[dst_v.at[j]], add=True)
                if with_counts:
                    pltpu.sync_copy(ones_v, acc_cnt.at[dst_v.at[j]], add=True)
        plsc.subcore_barrier()

        for b in range(nblk):
            sl = pl.ds(r0 + b * K, K)
            pltpu.sync_copy(acc.at[sl], sum_out.at[c, sl])
        if with_counts:
            for b in range(nblk):
                sl = pl.ds(r0 + b * K, K)
                pltpu.sync_copy(acc_cnt.at[sl], cnt_out.at[c, sl])

    fn = pl.kernel(
        body,
        mesh=mesh,
        out_type=tuple(out_type) if with_counts else out_type[0],
        scratch_types=scratch,
    )
    return fn(table, ei)


def _matT(a, w):
    return lax.dot_general(a, w, (((1,), (1,)), ((), ())),
                           preferred_element_type=jnp.float32)


def _tc_project(x, Wp, bp, bn):
    n, d = x.shape

    def body(x_ref, w_ref, b_ref, o_ref):
        o_ref[...] = jnp.maximum(_matT(x_ref[...], w_ref[...]) + b_ref[...], 0.0)

    return pl.pallas_call(
        body,
        grid=(n // bn,),
        in_specs=[pl.BlockSpec((bn, d), lambda i: (i, 0)),
                  pl.BlockSpec((d, d), lambda i: (0, 0)),
                  pl.BlockSpec((1, d), lambda i: (0, 0))],
        out_specs=pl.BlockSpec((bn, d), lambda i: (i, 0)),
        out_shape=jax.ShapeDtypeStruct((n, d), jnp.float32),
    )(x, Wp, bp.reshape(1, d))


def _tc_layer1(sums, cnts, x, Wl1, bl1, Wr1, ln_g, ln_b, bn):
    n, d = x.shape

    def body(s_ref, c_ref, x_ref, wl_ref, bl_ref, wr_ref, g_ref, b_ref, o_ref):
        sarr = s_ref[...]
        carr = c_ref[...]
        cnt = jnp.maximum(carr[0] + carr[1], 1.0)
        aggr = (sarr[0] + sarr[1]) / cnt[:, None]
        out = _matT(aggr, wl_ref[...]) + bl_ref[...] + _matT(x_ref[...], wr_ref[...])
        nrm = jnp.sqrt(jnp.sum(out * out, axis=1, keepdims=True))
        out = out / jnp.maximum(nrm, 1e-12)
        out = jnp.maximum(out, 0.0)
        mu = jnp.mean(out, axis=1, keepdims=True)
        var = jnp.mean((out - mu) ** 2, axis=1, keepdims=True)
        o_ref[...] = (out - mu) * lax.rsqrt(var + 1e-5) * g_ref[...] + b_ref[...]

    return pl.pallas_call(
        body,
        grid=(n // bn,),
        in_specs=[pl.BlockSpec((NC, bn, d), lambda i: (0, i, 0)),
                  pl.BlockSpec((NC, bn), lambda i: (0, i)),
                  pl.BlockSpec((bn, d), lambda i: (i, 0)),
                  pl.BlockSpec((d, d), lambda i: (0, 0)),
                  pl.BlockSpec((1, d), lambda i: (0, 0)),
                  pl.BlockSpec((d, d), lambda i: (0, 0)),
                  pl.BlockSpec((1, d), lambda i: (0, 0)),
                  pl.BlockSpec((1, d), lambda i: (0, 0))],
        out_specs=pl.BlockSpec((bn, d), lambda i: (i, 0)),
        out_shape=jax.ShapeDtypeStruct((n, d), jnp.float32),
    )(sums, cnts, x, Wl1, bl1.reshape(1, d), Wr1,
      ln_g.reshape(1, d), ln_b.reshape(1, d))


def _tc_layer2(sums, cnts, y, Wl2, bl2, Wr2, bn):
    n, d = y.shape

    def body(s_ref, c_ref, y_ref, wl_ref, bl_ref, wr_ref, o_ref):
        sarr = s_ref[...]
        carr = c_ref[...]
        cnt = jnp.maximum(carr[0] + carr[1], 1.0)
        aggr = (sarr[0] + sarr[1]) / cnt[:, None]
        o_ref[...] = (_matT(aggr, wl_ref[...]) + bl_ref[...]
                      + _matT(y_ref[...], wr_ref[...]))

    return pl.pallas_call(
        body,
        grid=(n // bn,),
        in_specs=[pl.BlockSpec((NC, bn, d), lambda i: (0, i, 0)),
                  pl.BlockSpec((NC, bn), lambda i: (0, i)),
                  pl.BlockSpec((bn, d), lambda i: (i, 0)),
                  pl.BlockSpec((d, d), lambda i: (0, 0)),
                  pl.BlockSpec((1, d), lambda i: (0, 0)),
                  pl.BlockSpec((d, d), lambda i: (0, 0))],
        out_specs=pl.BlockSpec((bn, d), lambda i: (i, 0)),
        out_shape=jax.ShapeDtypeStruct((n, d), jnp.float32),
    )(sums, cnts, y, Wl2, bl2.reshape(1, d), Wr2)


def kernel(x, edge_index, Wp, bp, Wl1, bl1, Wr1, ln_g, ln_b, Wl2, bl2, Wr2):
    n, d = x.shape
    e = edge_index.shape[1]

    C = (-(-e // (NW * K)) + 1) // 2 * 2
    e_pad = NW * K * C
    pad_i = jnp.arange(e_pad - e, dtype=jnp.int32)
    pad_blk = jnp.stack([pad_i % n, n + pad_i % 128])
    ei = jnp.concatenate([edge_index, pad_blk], axis=1).reshape(2, NW, C, K)

    acc_rows = -(-(n + 128) // (NS * K)) * (NS * K)
    bn = acc_rows // 4
    xp = jnp.pad(x, ((0, acc_rows - n), (0, 0)))

    h = _tc_project(xp, Wp, bp, bn)
    sums, cnts = _sc_aggregate(h, ei, acc_rows, True)
    out = _tc_layer1(sums, cnts, xp, Wl1, bl1, Wr1, ln_g, ln_b, bn)
    sums2 = _sc_aggregate(out, ei, acc_rows, False)
    out2 = _tc_layer2(sums2, cnts, out, Wl2, bl2, Wr2, bn)
    return out2[:n]

# --- scband reference (transcript-rebuilt; emitter-appended) ---
"""Pipeline reference for scband-encoding-gnn-42683384988260 (READ-ONLY COPY).

The authoritative reference and input builder live on the scoring server;
editing this copy changes nothing except your own understanding.
"""

import jax, jax.numpy as jnp
import numpy as np

N = 10000
E = 320000
D = 128


def setup_inputs(seed: int = 0) -> dict:
    key = jax.random.key(seed)
    ks = jax.random.split(key, 16)
    x = jax.random.normal(ks[0], (N, D), dtype=jnp.float32)
    edge_index = jax.random.randint(ks[1], (2, E), 0, N, dtype=jnp.int32)
    s = 0.05
    Wp = jax.random.normal(ks[2], (D, D), dtype=jnp.float32) * s
    bp = jax.random.normal(ks[3], (D,), dtype=jnp.float32) * s
    Wl1 = jax.random.normal(ks[4], (D, D), dtype=jnp.float32) * s
    bl1 = jax.random.normal(ks[5], (D,), dtype=jnp.float32) * s
    Wr1 = jax.random.normal(ks[6], (D, D), dtype=jnp.float32) * s
    ln_g = jnp.ones((D,), dtype=jnp.float32)
    ln_b = jnp.zeros((D,), dtype=jnp.float32)
    Wl2 = jax.random.normal(ks[7], (D, D), dtype=jnp.float32) * s
    bl2 = jax.random.normal(ks[8], (D,), dtype=jnp.float32) * s
    Wr2 = jax.random.normal(ks[9], (D, D), dtype=jnp.float32) * s
    return {"x": x, "edge_index": edge_index, "Wp": Wp, "bp": bp, "Wl1": Wl1, "bl1": bl1, "Wr1": Wr1, "ln_g": ln_g, "ln_b": ln_b, "Wl2": Wl2, "bl2": bl2, "Wr2": Wr2}


def _mean_aggr(msgs, dst, dtype):
    summed = jax.ops.segment_sum(msgs, dst, num_segments=N)
    cnt = jax.ops.segment_sum(jnp.ones((E,), dtype), dst, num_segments=N)
    cnt = jnp.maximum(cnt, 1.0)
    return summed / cnt[:, None]


def reference(x, edge_index, Wp, bp, Wl1, bl1, Wr1, ln_g, ln_b, Wl2, bl2, Wr2):
    src = edge_index[0]
    dst = edge_index[1]
    # ---- layer 1: SAGEConv(project=True, normalize=True) ----
    h = jax.nn.relu(x @ Wp.T + bp)  # project applied to source features
    aggr = _mean_aggr(h[src], dst, x.dtype)
    out = aggr @ Wl1.T + bl1 + x @ Wr1.T  # lin_r on (unprojected) root, no bias
    nrm = jnp.linalg.norm(out, ord=2, axis=-1, keepdims=True)
    out = out / jnp.maximum(nrm, 1e-12)  # F.normalize
    # HeteroConv mean over single edge type = identity
    out = jax.nn.relu(out)
    mu = jnp.mean(out, axis=-1, keepdims=True)
    var = jnp.var(out, axis=-1, keepdims=True)
    out = (out - mu) / jnp.sqrt(var + 1e-5) * ln_g + ln_b
    # dropout p=0.0 (eval) -> identity
    # ---- layer 2: SAGEConv (default) ----
    aggr2 = _mean_aggr(out[src], dst, x.dtype)
    out2 = aggr2 @ Wl2.T + bl2 + out @ Wr2.T
    return out2

if __name__ == "__main__":
    import jax
    _d = setup_inputs()
    print(jax.jit(kernel)(*tuple(_d.values())))

</pallas_src>

<mosaic_0001>
#map = affine_map<(d0, d1) -> (0, 0)>
#map1 = affine_map<(d0, d1) -> (0, 0, 0, 0)>
#map2 = affine_map<(d0, d1) -> (0, 0, 0)>
module attributes {stable_mosaic.version = 14 : i64} {
  func.func @body(%arg0: i32, %arg1: i32, %arg2: memref<10240x128xf32, #tpu.memory_space<hbm>>, %arg3: memref<2x32x80x128xi32, #tpu.memory_space<hbm>>, %arg4: memref<2x10240x128xf32, #tpu.memory_space<hbm>>, %arg5: memref<40x128xi32, #tpu.memory_space<vmem>>, %arg6: memref<40x128xi32, #tpu.memory_space<vmem>>, %arg7: memref<128x128xf32, #tpu.memory_space<vmem>>, %arg8: memref<128x128xf32, #tpu.memory_space<vmem>>, %arg9: memref<128xf32, #tpu.memory_space<vmem>>, %arg10: memref<128xf32, #tpu.memory_space<vmem>>, %arg11: memref<10240x128xf32, #tpu.memory_space<vmem_shared>>, %arg12: memref<10240xf32, #tpu.memory_space<vmem_shared>>, %arg13: memref<!tpu.dma_semaphore, #tpu.memory_space<semaphore_mem>>, %arg14: memref<!tpu.dma_semaphore, #tpu.memory_space<semaphore_mem>>, %arg15: memref<!tpu.dma_semaphore, #tpu.memory_space<semaphore_mem>>, %arg16: memref<!tpu.dma_semaphore, #tpu.memory_space<semaphore_mem>>, %arg17: memref<!tpu.dma_semaphore, #tpu.memory_space<semaphore_mem>>) attributes {dimension_semantics = [#tpu.dimension_semantics<core_parallel>, #tpu.dimension_semantics<subcore_parallel>], iteration_bounds = array<i64: 2, 16>, scalar_prefetch = 0 : i64, scratch_operands = 13 : i64, tpu.core_type = #tpu.core_type<sc_vector_subcore>, window_params = [{transform_indices = #map}, {transform_indices = #map1}, {transform_indices = #map2}]} {
    %mul3A = arith.constant 2 : i32
    %mul3A_0 = arith.muli %arg1, %mul3A : i32
    %add3A = arith.addi %mul3A_0, %arg0 : i32
    %broadcast_in_dim3A = arith.constant 0.000000e+00 : f32
    %broadcast_in_dim3A_1 = vector.broadcast %broadcast_in_dim3A : f32 to vector<16xf32>
    %broadcast_in_dim3A_2 = arith.constant 1.000000e+00 : f32
    %broadcast_in_dim3A_3 = vector.broadcast %broadcast_in_dim3A_2 : f32 to vector<16xf32>
    %scan3A = arith.constant 0 : i32
    %scan3A_4 = arith.constant 0 : i32
    %scan3A_5 = arith.constant 1024 : i32
    %scan3A_6 = arith.addi %scan3A_4, %scan3A_5 : i32
    %scan3A_7 = arith.constant 1 : i32
    scf.for %scan3A_110 = %scan3A_4 to %scan3A_6 step %scan3A_7  : i32 {
      %jit3A = arith.constant 8 : i32
      %div3A = arith.divsi %scan3A_110, %jit3A : i32
      %sign3A = arith.constant 0 : i32
      %sign3A_111 = arith.cmpi sgt, %scan3A_110, %sign3A : i32
      %sign3A_112 = arith.extui %sign3A_111 : i1 to i32
      %sign3A_113 = arith.constant 0 : i32
      %sign3A_114 = arith.cmpi slt, %scan3A_110, %sign3A_113 : i32
      %sign3A_115 = arith.extui %sign3A_114 : i1 to i32
      %sign3A_116 = arith.subi %sign3A_112, %sign3A_115 : i32
      %sign3A_117 = arith.constant 0 : i32
      %sign3A_118 = arith.cmpi sgt, %jit3A, %sign3A_117 : i32
      %sign3A_119 = arith.extui %sign3A_118 : i1 to i32
      %sign3A_120 = arith.constant 0 : i32
      %sign3A_121 = arith.cmpi slt, %jit3A, %sign3A_120 : i32
      %sign3A_122 = arith.extui %sign3A_121 : i1 to i32
      %sign3A_123 = arith.subi %sign3A_119, %sign3A_122 : i32
      %ne3A = arith.cmpi ne, %sign3A_116, %sign3A_123 : i32
      %rem3A = arith.remsi %scan3A_110, %jit3A : i32
      %ne3A_124 = arith.constant 0 : i32
      %ne3A_125 = arith.cmpi ne, %rem3A, %ne3A_124 : i32
      %and3A = arith.andi %ne3A, %ne3A_125 : i1
      %sub3A = arith.constant 1 : i32
      %sub3A_126 = arith.subi %div3A, %sub3A : i32
      %select_n3A = arith.select %and3A, %sub3A_126, %div3A : i32
      %jit3A_127 = arith.constant 8 : i32
      %eq3A = arith.constant 0 : i32
      %eq3A_128 = arith.cmpi eq, %jit3A_127, %eq3A : i32
      %jit3A_129 = arith.constant 1 : i32
      %select_n3A_130 = arith.select %eq3A_128, %jit3A_129, %jit3A_127 : i32
      %rem3A_131 = arith.remsi %scan3A_110, %select_n3A_130 : i32
      %ne3A_132 = arith.constant 0 : i32
      %ne3A_133 = arith.cmpi ne, %rem3A_131, %ne3A_132 : i32
      %lt3A = arith.constant 0 : i32
      %lt3A_134 = arith.cmpi slt, %rem3A_131, %lt3A : i32
      %lt3A_135 = arith.constant 0 : i32
      %lt3A_136 = arith.cmpi slt, %select_n3A_130, %lt3A_135 : i32
      %ne3A_137 = arith.xori %lt3A_134, %lt3A_136 : i1
      %and3A_138 = arith.andi %ne3A_137, %ne3A_133 : i1
      %add3A_139 = arith.addi %rem3A_131, %select_n3A_130 : i32
      %select_n3A_140 = arith.select %and3A_138, %add3A_139, %rem3A_131 : i32
      %mul3A_141 = arith.constant 16 : i32
      %mul3A_142 = arith.muli %select_n3A_140, %mul3A_141 : i32
      %swap3A_143 = arith.index_cast %select_n3A : i32 to index
      %swap3A_144 = arith.index_cast %mul3A_142 : i32 to index
      %swap3A_145 = tpu.vector_load %arg7[%swap3A_143, %swap3A_144] {strides = array<i32>} : memref<128x128xf32, #tpu.memory_space<vmem>>, vector<1x16xf32>,
      %swap3A_146 = vector.shape_cast %swap3A_145 : vector<1x16xf32> to vector<16xf32>
      %swap3A_147 = vector.shape_cast %broadcast_in_dim3A_1 : vector<16xf32> to vector<1x16xf32>
      tpu.vector_store %arg7[%swap3A_143, %swap3A_144], %swap3A_147 {strides = array<i32>} : memref<128x128xf32, #tpu.memory_space<vmem>>, vector<1x16xf32>,
    }
    %scan3A_8 = arith.constant 1024 : i32
    %swap3A = arith.constant 0 : index
    %swap3A_9 = tpu.vector_load %arg9[%swap3A] {strides = array<i32>} : memref<128xf32, #tpu.memory_space<vmem>>, vector<16xf32>,
    %swap3A_10 = vector.shape_cast %swap3A_9 : vector<16xf32> to vector<16xf32>
    %swap3A_11 = vector.shape_cast %broadcast_in_dim3A_3 : vector<16xf32> to vector<16xf32>
    tpu.vector_store %arg9[%swap3A], %swap3A_11 {strides = array<i32>} : memref<128xf32, #tpu.memory_space<vmem>>, vector<16xf32>,
    %swap3A_12 = arith.constant 0 : index
    %swap3A_13 = tpu.vector_load %arg10[%swap3A_12] {strides = array<i32>} : memref<128xf32, #tpu.memory_space<vmem>>, vector<16xf32>,
    %swap3A_14 = vector.shape_cast %swap3A_13 : vector<16xf32> to vector<16xf32>
    %swap3A_15 = vector.shape_cast %broadcast_in_dim3A_1 : vector<16xf32> to vector<16xf32>
    tpu.vector_store %arg10[%swap3A_12], %swap3A_15 {strides = array<i32>} : memref<128xf32, #tpu.memory_space<vmem>>, vector<16xf32>,
    %swap3A_16 = arith.constant 16 : index
    %swap3A_17 = tpu.vector_load %arg9[%swap3A_16] {strides = array<i32>} : memref<128xf32, #tpu.memory_space<vmem>>, vector<16xf32>,
    %swap3A_18 = vector.shape_cast %swap3A_17 : vector<16xf32> to vector<16xf32>
    %swap3A_19 = vector.shape_cast %broadcast_in_dim3A_3 : vector<16xf32> to vector<16xf32>
    tpu.vector_store %arg9[%swap3A_16], %swap3A_19 {strides = array<i32>} : memref<128xf32, #tpu.memory_space<vmem>>, vector<16xf32>,
    %swap3A_20 = arith.constant 16 : index
    %swap3A_21 = tpu.vector_load %arg10[%swap3A_20] {strides = array<i32>} : memref<128xf32, #tpu.memory_space<vmem>>, vector<16xf32>,
    %swap3A_22 = vector.shape_cast %swap3A_21 : vector<16xf32> to vector<16xf32>
    %swap3A_23 = vector.shape_cast %broadcast_in_dim3A_1 : vector<16xf32> to vector<16xf32>
    tpu.vector_store %arg10[%swap3A_20], %swap3A_23 {strides = array<i32>} : memref<128xf32, #tpu.memory_space<vmem>>, vector<16xf32>,
    %swap3A_24 = arith.constant 32 : index
    %swap3A_25 = tpu.vector_load %arg9[%swap3A_24] {strides = array<i32>} : memref<128xf32, #tpu.memory_space<vmem>>, vector<16xf32>,
    %swap3A_26 = vector.shape_cast %swap3A_25 : vector<16xf32> to vector<16xf32>
    %swap3A_27 = vector.shape_cast %broadcast_in_dim3A_3 : vector<16xf32> to vector<16xf32>
    tpu.vector_store %arg9[%swap3A_24], %swap3A_27 {strides = array<i32>} : memref<128xf32, #tpu.memory_space<vmem>>, vector<16xf32>,
    %swap3A_28 = arith.constant 32 : index
    %swap3A_29 = tpu.vector_load %arg10[%swap3A_28] {strides = array<i32>} : memref<128xf32, #tpu.memory_space<vmem>>, vector<16xf32>,
    %swap3A_30 = vector.shape_cast %swap3A_29 : vector<16xf32> to vector<16xf32>
    %swap3A_31 = vector.shape_cast %broadcast_in_dim3A_1 : vector<16xf32> to vector<16xf32>
    tpu.vector_store %arg10[%swap3A_28], %swap3A_31 {strides = array<i32>} : memref<128xf32, #tpu.memory_space<vmem>>, vector<16xf32>,
    %swap3A_32 = arith.constant 48 : index
    %swap3A_33 = tpu.vector_load %arg9[%swap3A_32] {strides = array<i32>} : memref<128xf32, #tpu.memory_space<vmem>>, vector<16xf32>,
    %swap3A_34 = vector.shape_cast %swap3A_33 : vector<16xf32> to vector<16xf32>
    %swap3A_35 = vector.shape_cast %broadcast_in_dim3A_3 : vector<16xf32> to vector<16xf32>
    tpu.vector_store %arg9[%swap3A_32], %swap3A_35 {strides = array<i32>} : memref<128xf32, #tpu.memory_space<vmem>>, vector<16xf32>,
    %swap3A_36 = arith.constant 48 : index
    %swap3A_37 = tpu.vector_load %arg10[%swap3A_36] {strides = array<i32>} : memref<128xf32, #tpu.memory_space<vmem>>, vector<16xf32>,
    %swap3A_38 = vector.shape_cast %swap3A_37 : vector<16xf32> to vector<16xf32>
    %swap3A_39 = vector.shape_cast %broadcast_in_dim3A_1 : vector<16xf32> to vector<16xf32>
    tpu.vector_store %arg10[%swap3A_36], %swap3A_39 {strides = array<i32>} : memref<128xf32, #tpu.memory_space<vmem>>, vector<16xf32>,
    %swap3A_40 = arith.constant 64 : index
    %swap3A_41 = tpu.vector_load %arg9[%swap3A_40] {strides = array<i32>} : memref<128xf32, #tpu.memory_space<vmem>>, vector<16xf32>,
    %swap3A_42 = vector.shape_cast %swap3A_41 : vector<16xf32> to vector<16xf32>
    %swap3A_43 = vector.shape_cast %broadcast_in_dim3A_3 : vector<16xf32> to vector<16xf32>
    tpu.vector_store %arg9[%swap3A_40], %swap3A_43 {strides = array<i32>} : memref<128xf32, #tpu.memory_space<vmem>>, vector<16xf32>,
    %swap3A_44 = arith.constant 64 : index
    %swap3A_45 = tpu.vector_load %arg10[%swap3A_44] {strides = array<i32>} : memref<128xf32, #tpu.memory_space<vmem>>, vector<16xf32>,
    %swap3A_46 = vector.shape_cast %swap3A_45 : vector<16xf32> to vector<16xf32>
    %swap3A_47 = vector.shape_cast %broadcast_in_dim3A_1 : vector<16xf32> to vector<16xf32>
    tpu.vector_store %arg10[%swap3A_44], %swap3A_47 {strides = array<i32>} : memref<128xf32, #tpu.memory_space<vmem>>, vector<16xf32>,
    %swap3A_48 = arith.constant 80 : index
    %swap3A_49 = tpu.vector_load %arg9[%swap3A_48] {strides = array<i32>} : memref<128xf32, #tpu.memory_space<vmem>>, vector<16xf32>,
    %swap3A_50 = vector.shape_cast %swap3A_49 : vector<16xf32> to vector<16xf32>
    %swap3A_51 = vector.shape_cast %broadcast_in_dim3A_3 : vector<16xf32> to vector<16xf32>
    tpu.vector_store %arg9[%swap3A_48], %swap3A_51 {strides = array<i32>} : memref<128xf32, #tpu.memory_space<vmem>>, vector<16xf32>,
    %swap3A_52 = arith.constant 80 : index
    %swap3A_53 = tpu.vector_load %arg10[%swap3A_52] {strides = array<i32>} : memref<128xf32, #tpu.memory_space<vmem>>, vector<16xf32>,
    %swap3A_54 = vector.shape_cast %swap3A_53 : vector<16xf32> to vector<16xf32>
    %swap3A_55 = vector.shape_cast %broadcast_in_dim3A_1 : vector<16xf32> to vector<16xf32>
    tpu.vector_store %arg10[%swap3A_52], %swap3A_55 {strides = array<i32>} : memref<128xf32, #tpu.memory_space<vmem>>, vector<16xf32>,
    %swap3A_56 = arith.constant 96 : index
    %swap3A_57 = tpu.vector_load %arg9[%swap3A_56] {strides = array<i32>} : memref<128xf32, #tpu.memory_space<vmem>>, vector<16xf32>,
    %swap3A_58 = vector.shape_cast %swap3A_57 : vector<16xf32> to vector<16xf32>
    %swap3A_59 = vector.shape_cast %broadcast_in_dim3A_3 : vector<16xf32> to vector<16xf32>
    tpu.vector_store %arg9[%swap3A_56], %swap3A_59 {strides = array<i32>} : memref<128xf32, #tpu.memory_space<vmem>>, vector<16xf32>,
    %swap3A_60 = arith.constant 96 : index
    %swap3A_61 = tpu.vector_load %arg10[%swap3A_60] {strides = array<i32>} : memref<128xf32, #tpu.memory_space<vmem>>, vector<16xf32>,
    %swap3A_62 = vector.shape_cast %swap3A_61 : vector<16xf32> to vector<16xf32>
    %swap3A_63 = vector.shape_cast %broadcast_in_dim3A_1 : vector<16xf32> to vector<16xf32>
    tpu.vector_store %arg10[%swap3A_60], %swap3A_63 {strides = array<i32>} : memref<128xf32, #tpu.memory_space<vmem>>, vector<16xf32>,
    %swap3A_64 = arith.constant 112 : index
    %swap3A_65 = tpu.vector_load %arg9[%swap3A_64] {strides = array<i32>} : memref<128xf32, #tpu.memory_space<vmem>>, vector<16xf32>,
    %swap3A_66 = vector.shape_cast %swap3A_65 : vector<16xf32> to vector<16xf32>
    %swap3A_67 = vector.shape_cast %broadcast_in_dim3A_3 : vector<16xf32> to vector<16xf32>
    tpu.vector_store %arg9[%swap3A_64], %swap3A_67 {strides = array<i32>} : memref<128xf32, #tpu.memory_space<vmem>>, vector<16xf32>,
    %swap3A_68 = arith.constant 112 : index
    %swap3A_69 = tpu.vector_load %arg10[%swap3A_68] {strides = array<i32>} : memref<128xf32, #tpu.memory_space<vmem>>, vector<16xf32>,
    %swap3A_70 = vector.shape_cast %swap3A_69 : vector<16xf32> to vector<16xf32>
    %swap3A_71 = vector.shape_cast %broadcast_in_dim3A_1 : vector<16xf32> to vector<16xf32>
    tpu.vector_store %arg10[%swap3A_68], %swap3A_71 {strides = array<i32>} : memref<128xf32, #tpu.memory_space<vmem>>, vector<16xf32>,
    %mul3A_72 = arith.constant 640 : i32
    %mul3A_73 = arith.muli %arg1, %mul3A_72 : i32
    %multiple_of3A = tpu.assume_multiple %mul3A_73, 128 : i32
    %add3A_74 = arith.constant 0 : i32
    %add3A_75 = arith.addi %multiple_of3A, %add3A_74 : i32
    "tpu.region"() ({
      %run_scoped3A_110 = tpu.sem_alloc : memref<!tpu.dma_semaphore, #tpu.memory_space<semaphore_mem>>
      %dma_start3A = arith.constant 0 : i32
      %dma_start3A_111 = tpu.memref_slice %arg11[%add3A_75, %dma_start3A] : memref<10240x128xf32, #tpu.memory_space<vmem_shared>> -> memref<128x128xf32, #tpu.memory_space<vmem_shared>>
      %dma_start3A_112 = arith.constant 0 : i32
      %dma_start3A_113 = tpu.memref_slice %arg11[%add3A_75, %dma_start3A_112] : memref<10240x128xf32, #tpu.memory_space<vmem_shared>> -> memref<128x128xf32, #tpu.memory_space<vmem_shared>>
      tpu.enqueue_dma source(%arg7 : memref<128x128xf32, #tpu.memory_space<vmem>>) target(%dma_start3A_113 : memref<128x128xf32, #tpu.memory_space<vmem_shared>>) target_semaphore(%run_scoped3A_110 : memref<!tpu.dma_semaphore, #tpu.memory_space<semaphore_mem>>)
      %dma_wait3A = arith.constant 0 : i32
      %dma_wait3A_114 = tpu.memref_slice %arg11[%add3A_75, %dma_wait3A] : memref<10240x128xf32, #tpu.memory_space<vmem_shared>> -> memref<128x128xf32, #tpu.memory_space<vmem_shared>>
      %dma_wait3A_115 = arith.constant 0 : i32
      %dma_wait3A_116 = tpu.memref_slice %arg11[%add3A_75, %dma_wait3A_115] : memref<10240x128xf32, #tpu.memory_space<vmem_shared>> -> memref<128x128xf32, #tpu.memory_space<vmem_shared>>
      tpu.wait_dma2 semaphore(%run_scoped3A_110 : memref<!tpu.dma_semaphore, #tpu.memory_space<semaphore_mem>>) src(%arg7 : memref<128x128xf32, #tpu.memory_space<vmem>>) dst(%dma_wait3A_116 : memref<128x128xf32, #tpu.memory_space<vmem_shared>>)
      tpu.yield
    }) : () -> ()
    %add3A_76 = arith.constant 128 : i32
    %add3A_77 = arith.addi %multiple_of3A, %add3A_76 : i32
    "tpu.region"() ({
      %run_scoped3A_110 = tpu.sem_alloc : memref<!tpu.dma_semaphore, #tpu.memory_space<semaphore_mem>>
      %dma_start3A = arith.constant 0 : i32
      %dma_start3A_111 = tpu.memref_slice %arg11[%add3A_77, %dma_start3A] : memref<10240x128xf32, #tpu.memory_space<vmem_shared>> -> memref<128x128xf32, #tpu.memory_space<vmem_shared>>
      %dma_start3A_112 = arith.constant 0 : i32
      %dma_start3A_113 = tpu.memref_slice %arg11[%add3A_77, %dma_start3A_112] : memref<10240x128xf32, #tpu.memory_space<vmem_shared>> -> memref<128x128xf32, #tpu.memory_space<vmem_shared>>
      tpu.enqueue_dma source(%arg7 : memref<128x128xf32, #tpu.memory_space<vmem>>) target(%dma_start3A_113 : memref<128x128xf32, #tpu.memory_space<vmem_shared>>) target_semaphore(%run_scoped3A_110 : memref<!tpu.dma_semaphore, #tpu.memory_space<semaphore_mem>>)
      %dma_wait3A = arith.constant 0 : i32
      %dma_wait3A_114 = tpu.memref_slice %arg11[%add3A_77, %dma_wait3A] : memref<10240x128xf32, #tpu.memory_space<vmem_shared>> -> memref<128x128xf32, #tpu.memory_space<vmem_shared>>
      %dma_wait3A_115 = arith.constant 0 : i32
      %dma_wait3A_116 = tpu.memref_slice %arg11[%add3A_77, %dma_wait3A_115] : memref<10240x128xf32, #tpu.memory_space<vmem_shared>> -> memref<128x128xf32, #tpu.memory_space<vmem_shared>>
      tpu.wait_dma2 semaphore(%run_scoped3A_110 : memref<!tpu.dma_semaphore, #tpu.memory_space<semaphore_mem>>) src(%arg7 : memref<128x128xf32, #tpu.memory_space<vmem>>) dst(%dma_wait3A_116 : memref<128x128xf32, #tpu.memory_space<vmem_shared>>)
      tpu.yield
    }) : () -> ()
    %add3A_78 = arith.constant 256 : i32
    %add3A_79 = arith.addi %multiple_of3A, %add3A_78 : i32
    "tpu.region"() ({
      %run_scoped3A_110 = tpu.sem_alloc : memref<!tpu.dma_semaphore, #tpu.memory_space<semaphore_mem>>
      %dma_start3A = arith.constant 0 : i32
      %dma_start3A_111 = tpu.memref_slice %arg11[%add3A_79, %dma_start3A] : memref<10240x128xf32, #tpu.memory_space<vmem_shared>> -> memref<128x128xf32, #tpu.memory_space<vmem_shared>>
      %dma_start3A_112 = arith.constant 0 : i32
      %dma_start3A_113 = tpu.memref_slice %arg11[%add3A_79, %dma_start3A_112] : memref<10240x128xf32, #tpu.memory_space<vmem_shared>> -> memref<128x128xf32, #tpu.memory_space<vmem_shared>>
      tpu.enqueue_dma source(%arg7 : memref<128x128xf32, #tpu.memory_space<vmem>>) target(%dma_start3A_113 : memref<128x128xf32, #tpu.memory_space<vmem_shared>>) target_semaphore(%run_scoped3A_110 : memref<!tpu.dma_semaphore, #tpu.memory_space<semaphore_mem>>)
      %dma_wait3A = arith.constant 0 : i32
      %dma_wait3A_114 = tpu.memref_slice %arg11[%add3A_79, %dma_wait3A] : memref<10240x128xf32, #tpu.memory_space<vmem_shared>> -> memref<128x128xf32, #tpu.memory_space<vmem_shared>>
      %dma_wait3A_115 = arith.constant 0 : i32
      %dma_wait3A_116 = tpu.memref_slice %arg11[%add3A_79, %dma_wait3A_115] : memref<10240x128xf32, #tpu.memory_space<vmem_shared>> -> memref<128x128xf32, #tpu.memory_space<vmem_shared>>
      tpu.wait_dma2 semaphore(%run_scoped3A_110 : memref<!tpu.dma_semaphore, #tpu.memory_space<semaphore_mem>>) src(%arg7 : memref<128x128xf32, #tpu.memory_space<vmem>>) dst(%dma_wait3A_116 : memref<128x128xf32, #tpu.memory_space<vmem_shared>>)
      tpu.yield
    }) : () -> ()
    %add3A_80 = arith.constant 384 : i32
    %add3A_81 = arith.addi %multiple_of3A, %add3A_80 : i32
    "tpu.region"() ({
      %run_scoped3A_110 = tpu.sem_alloc : memref<!tpu.dma_semaphore, #tpu.memory_space<semaphore_mem>>
      %dma_start3A = arith.constant 0 : i32
      %dma_start3A_111 = tpu.memref_slice %arg11[%add3A_81, %dma_start3A] : memref<10240x128xf32, #tpu.memory_space<vmem_shared>> -> memref<128x128xf32, #tpu.memory_space<vmem_shared>>
      %dma_start3A_112 = arith.constant 0 : i32
      %dma_start3A_113 = tpu.memref_slice %arg11[%add3A_81, %dma_start3A_112] : memref<10240x128xf32, #tpu.memory_space<vmem_shared>> -> memref<128x128xf32, #tpu.memory_space<vmem_shared>>
      tpu.enqueue_dma source(%arg7 : memref<128x128xf32, #tpu.memory_space<vmem>>) target(%dma_start3A_113 : memref<128x128xf32, #tpu.memory_space<vmem_shared>>) target_semaphore(%run_scoped3A_110 : memref<!tpu.dma_semaphore, #tpu.memory_space<semaphore_mem>>)
      %dma_wait3A = arith.constant 0 : i32
      %dma_wait3A_114 = tpu.memref_slice %arg11[%add3A_81, %dma_wait3A] : memref<10240x128xf32, #tpu.memory_space<vmem_shared>> -> memref<128x128xf32, #tpu.memory_space<vmem_shared>>
      %dma_wait3A_115 = arith.constant 0 : i32
      %dma_wait3A_116 = tpu.memref_slice %arg11[%add3A_81, %dma_wait3A_115] : memref<10240x128xf32, #tpu.memory_space<vmem_shared>> -> memref<128x128xf32, #tpu.memory_space<vmem_shared>>
      tpu.wait_dma2 semaphore(%run_scoped3A_110 : memref<!tpu.dma_semaphore, #tpu.memory_space<semaphore_mem>>) src(%arg7 : memref<128x128xf32, #tpu.memory_space<vmem>>) dst(%dma_wait3A_116 : memref<128x128xf32, #tpu.memory_space<vmem_shared>>)
      tpu.yield
    }) : () -> ()
    %add3A_82 = arith.constant 512 : i32
    %add3A_83 = arith.addi %multiple_of3A, %add3A_82 : i32
    "tpu.region"() ({
      %run_scoped3A_110 = tpu.sem_alloc : memref<!tpu.dma_semaphore, #tpu.memory_space<semaphore_mem>>
      %dma_start3A = arith.constant 0 : i32
      %dma_start3A_111 = tpu.memref_slice %arg11[%add3A_83, %dma_start3A] : memref<10240x128xf32, #tpu.memory_space<vmem_shared>> -> memref<128x128xf32, #tpu.memory_space<vmem_shared>>
      %dma_start3A_112 = arith.constant 0 : i32
      %dma_start3A_113 = tpu.memref_slice %arg11[%add3A_83, %dma_start3A_112] : memref<10240x128xf32, #tpu.memory_space<vmem_shared>> -> memref<128x128xf32, #tpu.memory_space<vmem_shared>>
      tpu.enqueue_dma source(%arg7 : memref<128x128xf32, #tpu.memory_space<vmem>>) target(%dma_start3A_113 : memref<128x128xf32, #tpu.memory_space<vmem_shared>>) target_semaphore(%run_scoped3A_110 : memref<!tpu.dma_semaphore, #tpu.memory_space<semaphore_mem>>)
      %dma_wait3A = arith.constant 0 : i32
      %dma_wait3A_114 = tpu.memref_slice %arg11[%add3A_83, %dma_wait3A] : memref<10240x128xf32, #tpu.memory_space<vmem_shared>> -> memref<128x128xf32, #tpu.memory_space<vmem_shared>>
      %dma_wait3A_115 = arith.constant 0 : i32
      %dma_wait3A_116 = tpu.memref_slice %arg11[%add3A_83, %dma_wait3A_115] : memref<10240x128xf32, #tpu.memory_space<vmem_shared>> -> memref<128x128xf32, #tpu.memory_space<vmem_shared>>
      tpu.wait_dma2 semaphore(%run_scoped3A_110 : memref<!tpu.dma_semaphore, #tpu.memory_space<semaphore_mem>>) src(%arg7 : memref<128x128xf32, #tpu.memory_space<vmem>>) dst(%dma_wait3A_116 : memref<128x128xf32, #tpu.memory_space<vmem_shared>>)
      tpu.yield
    }) : () -> ()
    %barrier3A = arith.constant 0 : index
    tpu.barrier barrier_id(%barrier3A)
    %run_scoped3A = arith.constant 0 : i32
    "tpu.region"() ({
      %run_scoped3A_110 = tpu.sem_alloc : memref<!tpu.dma_semaphore, #tpu.memory_space<semaphore_mem>>
      %dma_start3A = arith.constant 0 : i32
      %dma_start3A_111 = arith.constant 0 : i32
      %dma_start3A_112 = tpu.memref_slice %arg5[%dma_start3A, %dma_start3A_111] : memref<40x128xi32, #tpu.memory_space<vmem>> -> memref<40x128xi32, #tpu.memory_space<vmem>>
      %dma_start3A_113 = arith.constant 0 : i32
      %dma_start3A_114 = arith.constant 0 : i32
      %dma_start3A_115 = tpu.memref_slice %arg3[%run_scoped3A, %add3A, %dma_start3A_113, %dma_start3A_114] : memref<2x32x80x128xi32, #tpu.memory_space<hbm>> -> memref<1x1x40x128xi32, #tpu.memory_space<hbm>>
      %dma_start3A_116 = tpu.memref_squeeze %dma_start3A_115 : memref<1x1x40x128xi32, #tpu.memory_space<hbm>> -> memref<40x128xi32, #tpu.memory_space<hbm>>
      %dma_start3A_117 = arith.constant 0 : i32
      %dma_start3A_118 = arith.constant 0 : i32
      %dma_start3A_119 = tpu.memref_slice %arg5[%dma_start3A_117, %dma_start3A_118] : memref<40x128xi32, #tpu.memory_space<vmem>> -> memref<40x128xi32, #tpu.memory_space<vmem>>
      %dma_start3A_120 = arith.constant 0 : i32
      %dma_start3A_121 = arith.constant 0 : i32
      %dma_start3A_122 = tpu.memref_slice %arg3[%run_scoped3A, %add3A, %dma_start3A_120, %dma_start3A_121] : memref<2x32x80x128xi32, #tpu.memory_space<hbm>> -> memref<1x1x40x128xi32, #tpu.memory_space<hbm>>
      %dma_start3A_123 = tpu.memref_squeeze %dma_start3A_122 : memref<1x1x40x128xi32, #tpu.memory_space<hbm>> -> memref<40x128xi32, #tpu.memory_space<hbm>>
      tpu.enqueue_dma source(%dma_start3A_123 : memref<40x128xi32, #tpu.memory_space<hbm>>) target(%dma_start3A_119 : memref<40x128xi32, #tpu.memory_space<vmem>>) target_semaphore(%run_scoped3A_110 : memref<!tpu.dma_semaphore, #tpu.memory_space<semaphore_mem>>)
      %dma_wait3A = arith.constant 0 : i32
      %dma_wait3A_124 = arith.constant 0 : i32
      %dma_wait3A_125 = tpu.memref_slice %arg5[%dma_wait3A, %dma_wait3A_124] : memref<40x128xi32, #tpu.memory_space<vmem>> -> memref<40x128xi32, #tpu.memory_space<vmem>>
      %dma_wait3A_126 = arith.constant 0 : i32
      %dma_wait3A_127 = arith.constant 0 : i32
      %dma_wait3A_128 = tpu.memref_slice %arg3[%run_scoped3A, %add3A, %dma_wait3A_126, %dma_wait3A_127] : memref<2x32x80x128xi32, #tpu.memory_space<hbm>> -> memref<1x1x40x128xi32, #tpu.memory_space<hbm>>
      %dma_wait3A_129 = tpu.memref_squeeze %dma_wait3A_128 : memref<1x1x40x128xi32, #tpu.memory_space<hbm>> -> memref<40x128xi32, #tpu.memory_space<hbm>>
      %dma_wait3A_130 = arith.constant 0 : i32
      %dma_wait3A_131 = arith.constant 0 : i32
      %dma_wait3A_132 = tpu.memref_slice %arg5[%dma_wait3A_130, %dma_wait3A_131] : memref<40x128xi32, #tpu.memory_space<vmem>> -> memref<40x128xi32, #tpu.memory_space<vmem>>
      %dma_wait3A_133 = arith.constant 0 : i32
      %dma_wait3A_134 = arith.constant 0 : i32
      %dma_wait3A_135 = tpu.memref_slice %arg3[%run_scoped3A, %add3A, %dma_wait3A_133, %dma_wait3A_134] : memref<2x32x80x128xi32, #tpu.memory_space<hbm>> -> memref<1x1x40x128xi32, #tpu.memory_space<hbm>>
      %dma_wait3A_136 = tpu.memref_squeeze %dma_wait3A_135 : memref<1x1x40x128xi32, #tpu.memory_space<hbm>> -> memref<40x128xi32, #tpu.memory_space<hbm>>
      tpu.wait_dma2 semaphore(%run_scoped3A_110 : memref<!tpu.dma_semaphore, #tpu.memory_space<semaphore_mem>>) src(%dma_wait3A_136 : memref<40x128xi32, #tpu.memory_space<hbm>>) dst(%dma_wait3A_132 : memref<40x128xi32, #tpu.memory_space<vmem>>)
      tpu.yield
    }) : () -> ()
    %run_scoped3A_84 = arith.constant 1 : i32
    "tpu.region"() ({
      %run_scoped3A_110 = tpu.sem_alloc : memref<!tpu.dma_semaphore, #tpu.memory_space<semaphore_mem>>
      %dma_start3A = arith.constant 0 : i32
      %dma_start3A_111 = arith.constant 0 : i32
      %dma_start3A_112 = tpu.memref_slice %arg6[%dma_start3A, %dma_start3A_111] : memref<40x128xi32, #tpu.memory_space<vmem>> -> memref<40x128xi32, #tpu.memory_space<vmem>>
      %dma_start3A_113 = arith.constant 0 : i32
      %dma_start3A_114 = arith.constant 0 : i32
      %dma_start3A_115 = tpu.memref_slice %arg3[%run_scoped3A_84, %add3A, %dma_start3A_113, %dma_start3A_114] : memref<2x32x80x128xi32, #tpu.memory_space<hbm>> -> memref<1x1x40x128xi32, #tpu.memory_space<hbm>>
      %dma_start3A_116 = tpu.memref_squeeze %dma_start3A_115 : memref<1x1x40x128xi32, #tpu.memory_space<hbm>> -> memref<40x128xi32, #tpu.memory_space<hbm>>
      %dma_start3A_117 = arith.constant 0 : i32
      %dma_start3A_118 = arith.constant 0 : i32
      %dma_start3A_119 = tpu.memref_slice %arg6[%dma_start3A_117, %dma_start3A_118] : memref<40x128xi32, #tpu.memory_space<vmem>> -> memref<40x128xi32, #tpu.memory_space<vmem>>
      %dma_start3A_120 = arith.constant 0 : i32
      %dma_start3A_121 = arith.constant 0 : i32
      %dma_start3A_122 = tpu.memref_slice %arg3[%run_scoped3A_84, %add3A, %dma_start3A_120, %dma_start3A_121] : memref<2x32x80x128xi32, #tpu.memory_space<hbm>> -> memref<1x1x40x128xi32, #tpu.memory_space<hbm>>
      %dma_start3A_123 = tpu.memref_squeeze %dma_start3A_122 : memref<1x1x40x128xi32, #tpu.memory_space<hbm>> -> memref<40x128xi32, #tpu.memory_space<hbm>>
      tpu.enqueue_dma source(%dma_start3A_123 : memref<40x128xi32, #tpu.memory_space<hbm>>) target(%dma_start3A_119 : memref<40x128xi32, #tpu.memory_space<vmem>>) target_semaphore(%run_scoped3A_110 : memref<!tpu.dma_semaphore, #tpu.memory_space<semaphore_mem>>)
      %dma_wait3A = arith.constant 0 : i32
      %dma_wait3A_124 = arith.constant 0 : i32
      %dma_wait3A_125 = tpu.memref_slice %arg6[%dma_wait3A, %dma_wait3A_124] : memref<40x128xi32, #tpu.memory_space<vmem>> -> memref<40x128xi32, #tpu.memory_space<vmem>>
      %dma_wait3A_126 = arith.constant 0 : i32
      %dma_wait3A_127 = arith.constant 0 : i32
      %dma_wait3A_128 = tpu.memref_slice %arg3[%run_scoped3A_84, %add3A, %dma_wait3A_126, %dma_wait3A_127] : memref<2x32x80x128xi32, #tpu.memory_space<hbm>> -> memref<1x1x40x128xi32, #tpu.memory_space<hbm>>
      %dma_wait3A_129 = tpu.memref_squeeze %dma_wait3A_128 : memref<1x1x40x128xi32, #tpu.memory_space<hbm>> -> memref<40x128xi32, #tpu.memory_space<hbm>>
      %dma_wait3A_130 = arith.constant 0 : i32
      %dma_wait3A_131 = arith.constant 0 : i32
      %dma_wait3A_132 = tpu.memref_slice %arg6[%dma_wait3A_130, %dma_wait3A_131] : memref<40x128xi32, #tpu.memory_space<vmem>> -> memref<40x128xi32, #tpu.memory_space<vmem>>
      %dma_wait3A_133 = arith.constant 0 : i32
      %dma_wait3A_134 = arith.constant 0 : i32
      %dma_wait3A_135 = tpu.memref_slice %arg3[%run_scoped3A_84, %add3A, %dma_wait3A_133, %dma_wait3A_134] : memref<2x32x80x128xi32, #tpu.memory_space<hbm>> -> memref<1x1x40x128xi32, #tpu.memory_space<hbm>>
      %dma_wait3A_136 = tpu.memref_squeeze %dma_wait3A_135 : memref<1x1x40x128xi32, #tpu.memory_space<hbm>> -> memref<40x128xi32, #tpu.memory_space<hbm>>
      tpu.wait_dma2 semaphore(%run_scoped3A_110 : memref<!tpu.dma_semaphore, #tpu.memory_space<semaphore_mem>>) src(%dma_wait3A_136 : memref<40x128xi32, #tpu.memory_space<hbm>>) dst(%dma_wait3A_132 : memref<40x128xi32, #tpu.memory_space<vmem>>)
      tpu.yield
    }) : () -> ()
    %scan3A_85 = arith.constant 0 : i32
    %scan3A_86 = arith.constant 0 : i32
    %scan3A_87 = arith.constant 20 : i32
    %scan3A_88 = arith.addi %scan3A_86, %scan3A_87 : i32
    %scan3A_89 = arith.constant 1 : i32
    scf.for %scan3A_110 = %scan3A_86 to %scan3A_88 step %scan3A_89  : i32 {
      %mul3A_111 = arith.constant 2 : i32
      %mul3A_112 = arith.muli %scan3A_110, %mul3A_111 : i32
      %add3A_113 = arith.constant 0 : i32
      %add3A_114 = arith.addi %mul3A_112, %add3A_113 : i32
      %dma_start3A = arith.constant 0 : i32
      %dma_start3A_115 = tpu.memref_slice %arg5[%add3A_114, %dma_start3A] : memref<40x128xi32, #tpu.memory_space<vmem>> -> memref<1x128xi32, #tpu.memory_space<vmem>>
      %dma_start3A_116 = tpu.memref_squeeze %dma_start3A_115 : memref<1x128xi32, #tpu.memory_space<vmem>> -> memref<128xi32, #tpu.memory_space<vmem>>
      %dma_start3A_117 = arith.constant 0 : i32
      %dma_start3A_118 = arith.constant 0 : i32
      %dma_start3A_119 = tpu.memref_slice %arg2[%dma_start3A_117, %dma_start3A_118] : memref<10240x128xf32, #tpu.memory_space<hbm>> -> memref<10240x128xf32, #tpu.memory_space<hbm>>
      tpu.enqueue_indirect_dma source(%dma_start3A_119 : memref<10240x128xf32, #tpu.memory_space<hbm>>) target(%arg7 : memref<128x128xf32, #tpu.memory_space<vmem>>) offsets(%dma_start3A_116 : memref<128xi32, #tpu.memory_space<vmem>>) semaphore(%arg13 : memref<!tpu.dma_semaphore, #tpu.memory_space<semaphore_mem>>)
      %mul3A_120 = arith.constant 2 : i32
      %mul3A_121 = arith.muli %scan3A_110, %mul3A_120 : i32
      %add3A_122 = arith.constant 1 : i32
      %add3A_123 = arith.addi %mul3A_121, %add3A_122 : i32
      %dma_start3A_124 = arith.constant 0 : i32
      %dma_start3A_125 = tpu.memref_slice %arg5[%add3A_123, %dma_start3A_124] : memref<40x128xi32, #tpu.memory_space<vmem>> -> memref<1x128xi32, #tpu.memory_space<vmem>>
      %dma_start3A_126 = tpu.memref_squeeze %dma_start3A_125 : memref<1x128xi32, #tpu.memory_space<vmem>> -> memref<128xi32, #tpu.memory_space<vmem>>
      %dma_start3A_127 = arith.constant 0 : i32
      %dma_start3A_128 = arith.constant 0 : i32
      %dma_start3A_129 = tpu.memref_slice %arg2[%dma_start3A_127, %dma_start3A_128] : memref<10240x128xf32, #tpu.memory_space<hbm>> -> memref<10240x128xf32, #tpu.memory_space<hbm>>
      tpu.enqueue_indirect_dma source(%dma_start3A_129 : memref<10240x128xf32, #tpu.memory_space<hbm>>) target(%arg8 : memref<128x128xf32, #tpu.memory_space<vmem>>) offsets(%dma_start3A_126 : memref<128xi32, #tpu.memory_space<vmem>>) semaphore(%arg14 : memref<!tpu.dma_semaphore, #tpu.memory_space<semaphore_mem>>)
      %dma_wait3A = arith.constant 0 : i32
      %dma_wait3A_130 = tpu.memref_slice %arg5[%add3A_114, %dma_wait3A] : memref<40x128xi32, #tpu.memory_space<vmem>> -> memref<1x128xi32, #tpu.memory_space<vmem>>
      %dma_wait3A_131 = tpu.memref_squeeze %dma_wait3A_130 : memref<1x128xi32, #tpu.memory_space<vmem>> -> memref<128xi32, #tpu.memory_space<vmem>>
      %dma_wait3A_132 = arith.constant 0 : i32
      %dma_wait3A_133 = arith.constant 0 : i32
      %dma_wait3A_134 = tpu.memref_slice %arg2[%dma_wait3A_132, %dma_wait3A_133] : memref<10240x128xf32, #tpu.memory_space<hbm>> -> memref<10240x128xf32, #tpu.memory_space<hbm>>
      tpu.wait_indirect_dma semaphore(%arg13 : memref<!tpu.dma_semaphore, #tpu.memory_space<semaphore_mem>>) src(%dma_wait3A_134 : memref<10240x128xf32, #tpu.memory_space<hbm>>) dst(%arg7 : memref<128x128xf32, #tpu.memory_space<vmem>>)
      %mul3A_135 = arith.constant 2 : i32
      %mul3A_136 = arith.muli %scan3A_110, %mul3A_135 : i32
      %add3A_137 = arith.constant 0 : i32
      %add3A_138 = arith.addi %mul3A_136, %add3A_137 : i32
      %dma_start3A_139 = arith.constant 0 : i32
      %dma_start3A_140 = tpu.memref_slice %arg6[%add3A_138, %dma_start3A_139] : memref<40x128xi32, #tpu.memory_space<vmem>> -> memref<1x128xi32, #tpu.memory_space<vmem>>
      %dma_start3A_141 = tpu.memref_squeeze %dma_start3A_140 : memref<1x128xi32, #tpu.memory_space<vmem>> -> memref<128xi32, #tpu.memory_space<vmem>>
      %dma_start3A_142 = arith.constant 0 : i32
      %dma_start3A_143 = arith.constant 0 : i32
      %dma_start3A_144 = tpu.memref_slice %arg11[%dma_start3A_142, %dma_start3A_143] : memref<10240x128xf32, #tpu.memory_space<vmem_shared>> -> memref<10240x128xf32, #tpu.memory_space<vmem_shared>>
      tpu.enqueue_indirect_dma source(%arg7 : memref<128x128xf32, #tpu.memory_space<vmem>>) target(%dma_start3A_144 : memref<10240x128xf32, #tpu.memory_space<vmem_shared>>) offsets(%dma_start3A_141 : memref<128xi32, #tpu.memory_space<vmem>>) semaphore(%arg15 : memref<!tpu.dma_semaphore, #tpu.memory_space<semaphore_mem>>) {add = true}
      %dma_wait3A_145 = arith.constant 0 : i32
      %dma_wait3A_146 = tpu.memref_slice %arg5[%add3A_123, %dma_wait3A_145] : memref<40x128xi32, #tpu.memory_space<vmem>> -> memref<1x128xi32, #tpu.memory_space<vmem>>
      %dma_wait3A_147 = tpu.memref_squeeze %dma_wait3A_146 : memref<1x128xi32, #tpu.memory_space<vmem>> -> memref<128xi32, #tpu.memory_space<vmem>>
      %dma_wait3A_148 = arith.constant 0 : i32
      %dma_wait3A_149 = arith.constant 0 : i32
      %dma_wait3A_150 = tpu.memref_slice %arg2[%dma_wait3A_148, %dma_wait3A_149] : memref<10240x128xf32, #tpu.memory_space<hbm>> -> memref<10240x128xf32, #tpu.memory_space<hbm>>
      tpu.wait_indirect_dma semaphore(%arg14 : memref<!tpu.dma_semaphore, #tpu.memory_space<semaphore_mem>>) src(%dma_wait3A_150 : memref<10240x128xf32, #tpu.memory_space<hbm>>) dst(%arg8 : memref<128x128xf32, #tpu.memory_space<vmem>>)
      %mul3A_151 = arith.constant 2 : i32
      %mul3A_152 = arith.muli %scan3A_110, %mul3A_151 : i32
      %add3A_153 = arith.constant 1 : i32
      %add3A_154 = arith.addi %mul3A_152, %add3A_153 : i32
      %dma_start3A_155 = arith.constant 0 : i32
      %dma_start3A_156 = tpu.memref_slice %arg6[%add3A_154, %dma_start3A_155] : memref<40x128xi32, #tpu.memory_space<vmem>> -> memref<1x128xi32, #tpu.memory_space<vmem>>
      %dma_start3A_157 = tpu.memref_squeeze %dma_start3A_156 : memref<1x128xi32, #tpu.memory_space<vmem>> -> memref<128xi32, #tpu.memory_space<vmem>>
      %dma_start3A_158 = arith.constant 0 : i32
      %dma_start3A_159 = arith.constant 0 : i32
      %dma_start3A_160 = tpu.memref_slice %arg11[%dma_start3A_158, %dma_start3A_159] : memref<10240x128xf32, #tpu.memory_space<vmem_shared>> -> memref<10240x128xf32, #tpu.memory_space<vmem_shared>>
      tpu.enqueue_indirect_dma source(%arg8 : memref<128x128xf32, #tpu.memory_space<vmem>>) target(%dma_start3A_160 : memref<10240x128xf32, #tpu.memory_space<vmem_shared>>) offsets(%dma_start3A_157 : memref<128xi32, #tpu.memory_space<vmem>>) semaphore(%arg16 : memref<!tpu.dma_semaphore, #tpu.memory_space<semaphore_mem>>) {add = true}
      %dma_wait3A_161 = arith.constant 0 : i32
      %dma_wait3A_162 = tpu.memref_slice %arg6[%add3A_138, %dma_wait3A_161] : memref<40x128xi32, #tpu.memory_space<vmem>> -> memref<1x128xi32, #tpu.memory_space<vmem>>
      %dma_wait3A_163 = tpu.memref_squeeze %dma_wait3A_162 : memref<1x128xi32, #tpu.memory_space<vmem>> -> memref<128xi32, #tpu.memory_space<vmem>>
      %dma_wait3A_164 = arith.constant 0 : i32
      %dma_wait3A_165 = arith.constant 0 : i32
      %dma_wait3A_166 = tpu.memref_slice %arg11[%dma_wait3A_164, %dma_wait3A_165] : memref<10240x128xf32, #tpu.memory_space<vmem_shared>> -> memref<10240x128xf32, #tpu.memory_space<vmem_shared>>
      tpu.wait_indirect_dma semaphore(%arg15 : memref<!tpu.dma_semaphore, #tpu.memory_space<semaphore_mem>>) src(%arg7 : memref<128x128xf32, #tpu.memory_space<vmem>>) dst(%dma_wait3A_166 : memref<10240x128xf32, #tpu.memory_space<vmem_shared>>)
      %dma_wait3A_167 = arith.constant 0 : i32
      %dma_wait3A_168 = tpu.memref_slice %arg6[%add3A_154, %dma_wait3A_167] : memref<40x128xi32, #tpu.memory_space<vmem>> -> memref<1x128xi32, #tpu.memory_space<vmem>>
      %dma_wait3A_169 = tpu.memref_squeeze %dma_wait3A_168 : memref<1x128xi32, #tpu.memory_space<vmem>> -> memref<128xi32, #tpu.memory_space<vmem>>
      %dma_wait3A_170 = arith.constant 0 : i32
      %dma_wait3A_171 = arith.constant 0 : i32
      %dma_wait3A_172 = tpu.memref_slice %arg11[%dma_wait3A_170, %dma_wait3A_171] : memref<10240x128xf32, #tpu.memory_space<vmem_shared>> -> memref<10240x128xf32, #tpu.memory_space<vmem_shared>>
      tpu.wait_indirect_dma semaphore(%arg16 : memref<!tpu.dma_semaphore, #tpu.memory_space<semaphore_mem>>) src(%arg8 : memref<128x128xf32, #tpu.memory_space<vmem>>) dst(%dma_wait3A_172 : memref<10240x128xf32, #tpu.memory_space<vmem_shared>>)
    }
    %scan3A_90 = arith.constant 20 : i32
    %run_scoped3A_91 = arith.constant 0 : i32
    "tpu.region"() ({
      %run_scoped3A_110 = tpu.sem_alloc : memref<!tpu.dma_semaphore, #tpu.memory_space<semaphore_mem>>
      %dma_start3A = arith.constant 0 : i32
      %dma_start3A_111 = arith.constant 0 : i32
      %dma_start3A_112 = tpu.memref_slice %arg5[%dma_start3A, %dma_start3A_111] : memref<40x128xi32, #tpu.memory_space<vmem>> -> memref<40x128xi32, #tpu.memory_space<vmem>>
      %dma_start3A_113 = arith.constant 40 : i32
      %dma_start3A_114 = arith.constant 0 : i32
      %dma_start3A_115 = tpu.memref_slice %arg3[%run_scoped3A_91, %add3A, %dma_start3A_113, %dma_start3A_114] : memref<2x32x80x128xi32, #tpu.memory_space<hbm>> -> memref<1x1x40x128xi32, #tpu.memory_space<hbm>>
      %dma_start3A_116 = tpu.memref_squeeze %dma_start3A_115 : memref<1x1x40x128xi32, #tpu.memory_space<hbm>> -> memref<40x128xi32, #tpu.memory_space<hbm>>
      %dma_start3A_117 = arith.constant 0 : i32
      %dma_start3A_118 = arith.constant 0 : i32
      %dma_start3A_119 = tpu.memref_slice %arg5[%dma_start3A_117, %dma_start3A_118] : memref<40x128xi32, #tpu.memory_space<vmem>> -> memref<40x128xi32, #tpu.memory_space<vmem>>
      %dma_start3A_120 = arith.constant 40 : i32
      %dma_start3A_121 = arith.constant 0 : i32
      %dma_start3A_122 = tpu.memref_slice %arg3[%run_scoped3A_91, %add3A, %dma_start3A_120, %dma_start3A_121] : memref<2x32x80x128xi32, #tpu.memory_space<hbm>> -> memref<1x1x40x128xi32, #tpu.memory_space<hbm>>
      %dma_start3A_123 = tpu.memref_squeeze %dma_start3A_122 : memref<1x1x40x128xi32, #tpu.memory_space<hbm>> -> memref<40x128xi32, #tpu.memory_space<hbm>>
      tpu.enqueue_dma source(%dma_start3A_123 : memref<40x128xi32, #tpu.memory_space<hbm>>) target(%dma_start3A_119 : memref<40x128xi32, #tpu.memory_space<vmem>>) target_semaphore(%run_scoped3A_110 : memref<!tpu.dma_semaphore, #tpu.memory_space<semaphore_mem>>)
      %dma_wait3A = arith.constant 0 : i32
      %dma_wait3A_124 = arith.constant 0 : i32
      %dma_wait3A_125 = tpu.memref_slice %arg5[%dma_wait3A, %dma_wait3A_124] : memref<40x128xi32, #tpu.memory_space<vmem>> -> memref<40x128xi32, #tpu.memory_space<vmem>>
      %dma_wait3A_126 = arith.constant 40 : i32
      %dma_wait3A_127 = arith.constant 0 : i32
      %dma_wait3A_128 = tpu.memref_slice %arg3[%run_scoped3A_91, %add3A, %dma_wait3A_126, %dma_wait3A_127] : memref<2x32x80x128xi32, #tpu.memory_space<hbm>> -> memref<1x1x40x128xi32, #tpu.memory_space<hbm>>
      %dma_wait3A_129 = tpu.memref_squeeze %dma_wait3A_128 : memref<1x1x40x128xi32, #tpu.memory_space<hbm>> -> memref<40x128xi32, #tpu.memory_space<hbm>>
      %dma_wait3A_130 = arith.constant 0 : i32
      %dma_wait3A_131 = arith.constant 0 : i32
      %dma_wait3A_132 = tpu.memref_slice %arg5[%dma_wait3A_130, %dma_wait3A_131] : memref<40x128xi32, #tpu.memory_space<vmem>> -> memref<40x128xi32, #tpu.memory_space<vmem>>
      %dma_wait3A_133 = arith.constant 40 : i32
      %dma_wait3A_134 = arith.constant 0 : i32
      %dma_wait3A_135 = tpu.memref_slice %arg3[%run_scoped3A_91, %add3A, %dma_wait3A_133, %dma_wait3A_134] : memref<2x32x80x128xi32, #tpu.memory_space<hbm>> -> memref<1x1x40x128xi32, #tpu.memory_space<hbm>>
      %dma_wait3A_136 = tpu.memref_squeeze %dma_wait3A_135 : memref<1x1x40x128xi32, #tpu.memory_space<hbm>> -> memref<40x128xi32, #tpu.memory_space<hbm>>
      tpu.wait_dma2 semaphore(%run_scoped3A_110 : memref<!tpu.dma_semaphore, #tpu.memory_space<semaphore_mem>>) src(%dma_wait3A_136 : memref<40x128xi32, #tpu.memory_space<hbm>>) dst(%dma_wait3A_132 : memref<40x128xi32, #tpu.memory_space<vmem>>)
      tpu.yield
    }) : () -> ()
    %run_scoped3A_92 = arith.constant 1 : i32
    "tpu.region"() ({
      %run_scoped3A_110 = tpu.sem_alloc : memref<!tpu.dma_semaphore, #tpu.memory_space<semaphore_mem>>
      %dma_start3A = arith.constant 0 : i32
      %dma_start3A_111 = arith.constant 0 : i32
      %dma_start3A_112 = tpu.memref_slice %arg6[%dma_start3A, %dma_start3A_111] : memref<40x128xi32, #tpu.memory_space<vmem>> -> memref<40x128xi32, #tpu.memory_space<vmem>>
      %dma_start3A_113 = arith.constant 40 : i32
      %dma_start3A_114 = arith.constant 0 : i32
      %dma_start3A_115 = tpu.memref_slice %arg3[%run_scoped3A_92, %add3A, %dma_start3A_113, %dma_start3A_114] : memref<2x32x80x128xi32, #tpu.memory_space<hbm>> -> memref<1x1x40x128xi32, #tpu.memory_space<hbm>>
      %dma_start3A_116 = tpu.memref_squeeze %dma_start3A_115 : memref<1x1x40x128xi32, #tpu.memory_space<hbm>> -> memref<40x128xi32, #tpu.memory_space<hbm>>
      %dma_start3A_117 = arith.constant 0 : i32
      %dma_start3A_118 = arith.constant 0 : i32
      %dma_start3A_119 = tpu.memref_slice %arg6[%dma_start3A_117, %dma_start3A_118] : memref<40x128xi32, #tpu.memory_space<vmem>> -> memref<40x128xi32, #tpu.memory_space<vmem>>
      %dma_start3A_120 = arith.constant 40 : i32
      %dma_start3A_121 = arith.constant 0 : i32
      %dma_start3A_122 = tpu.memref_slice %arg3[%run_scoped3A_92, %add3A, %dma_start3A_120, %dma_start3A_121] : memref<2x32x80x128xi32, #tpu.memory_space<hbm>> -> memref<1x1x40x128xi32, #tpu.memory_space<hbm>>
      %dma_start3A_123 = tpu.memref_squeeze %dma_start3A_122 : memref<1x1x40x128xi32, #tpu.memory_space<hbm>> -> memref<40x128xi32, #tpu.memory_space<hbm>>
      tpu.enqueue_dma source(%dma_start3A_123 : memref<40x128xi32, #tpu.memory_space<hbm>>) target(%dma_start3A_119 : memref<40x128xi32, #tpu.memory_space<vmem>>) target_semaphore(%run_scoped3A_110 : memref<!tpu.dma_semaphore, #tpu.memory_space<semaphore_mem>>)
      %dma_wait3A = arith.constant 0 : i32
      %dma_wait3A_124 = arith.constant 0 : i32
      %dma_wait3A_125 = tpu.memref_slice %arg6[%dma_wait3A, %dma_wait3A_124] : memref<40x128xi32, #tpu.memory_space<vmem>> -> memref<40x128xi32, #tpu.memory_space<vmem>>
      %dma_wait3A_126 = arith.constant 40 : i32
      %dma_wait3A_127 = arith.constant 0 : i32
      %dma_wait3A_128 = tpu.memref_slice %arg3[%run_scoped3A_92, %add3A, %dma_wait3A_126, %dma_wait3A_127] : memref<2x32x80x128xi32, #tpu.memory_space<hbm>> -> memref<1x1x40x128xi32, #tpu.memory_space<hbm>>
      %dma_wait3A_129 = tpu.memref_squeeze %dma_wait3A_128 : memref<1x1x40x128xi32, #tpu.memory_space<hbm>> -> memref<40x128xi32, #tpu.memory_space<hbm>>
      %dma_wait3A_130 = arith.constant 0 : i32
      %dma_wait3A_131 = arith.constant 0 : i32
      %dma_wait3A_132 = tpu.memref_slice %arg6[%dma_wait3A_130, %dma_wait3A_131] : memref<40x128xi32, #tpu.memory_space<vmem>> -> memref<40x128xi32, #tpu.memory_space<vmem>>
      %dma_wait3A_133 = arith.constant 40 : i32
      %dma_wait3A_134 = arith.constant 0 : i32
      %dma_wait3A_135 = tpu.memref_slice %arg3[%run_scoped3A_92, %add3A, %dma_wait3A_133, %dma_wait3A_134] : memref<2x32x80x128xi32, #tpu.memory_space<hbm>> -> memref<1x1x40x128xi32, #tpu.memory_space<hbm>>
      %dma_wait3A_136 = tpu.memref_squeeze %dma_wait3A_135 : memref<1x1x40x128xi32, #tpu.memory_space<hbm>> -> memref<40x128xi32, #tpu.memory_space<hbm>>
      tpu.wait_dma2 semaphore(%run_scoped3A_110 : memref<!tpu.dma_semaphore, #tpu.memory_space<semaphore_mem>>) src(%dma_wait3A_136 : memref<40x128xi32, #tpu.memory_space<hbm>>) dst(%dma_wait3A_132 : memref<40x128xi32, #tpu.memory_space<vmem>>)
      tpu.yield
    }) : () -> ()
    %scan3A_93 = arith.constant 0 : i32
    %scan3A_94 = arith.constant 0 : i32
    %scan3A_95 = arith.constant 20 : i32
    %scan3A_96 = arith.addi %scan3A_94, %scan3A_95 : i32
    %scan3A_97 = arith.constant 1 : i32
    scf.for %scan3A_110 = %scan3A_94 to %scan3A_96 step %scan3A_97  : i32 {
      %mul3A_111 = arith.constant 2 : i32
      %mul3A_112 = arith.muli %scan3A_110, %mul3A_111 : i32
      %add3A_113 = arith.constant 0 : i32
      %add3A_114 = arith.addi %mul3A_112, %add3A_113 : i32
      %dma_start3A = arith.constant 0 : i32
      %dma_start3A_115 = tpu.memref_slice %arg5[%add3A_114, %dma_start3A] : memref<40x128xi32, #tpu.memory_space<vmem>> -> memref<1x128xi32, #tpu.memory_space<vmem>>
      %dma_start3A_116 = tpu.memref_squeeze %dma_start3A_115 : memref<1x128xi32, #tpu.memory_space<vmem>> -> memref<128xi32, #tpu.memory_space<vmem>>
      %dma_start3A_117 = arith.constant 0 : i32
      %dma_start3A_118 = arith.constant 0 : i32
      %dma_start3A_119 = tpu.memref_slice %arg2[%dma_start3A_117, %dma_start3A_118] : memref<10240x128xf32, #tpu.memory_space<hbm>> -> memref<10240x128xf32, #tpu.memory_space<hbm>>
      tpu.enqueue_indirect_dma source(%dma_start3A_119 : memref<10240x128xf32, #tpu.memory_space<hbm>>) target(%arg7 : memref<128x128xf32, #tpu.memory_space<vmem>>) offsets(%dma_start3A_116 : memref<128xi32, #tpu.memory_space<vmem>>) semaphore(%arg13 : memref<!tpu.dma_semaphore, #tpu.memory_space<semaphore_mem>>)
      %mul3A_120 = arith.constant 2 : i32
      %mul3A_121 = arith.muli %scan3A_110, %mul3A_120 : i32
      %add3A_122 = arith.constant 1 : i32
      %add3A_123 = arith.addi %mul3A_121, %add3A_122 : i32
      %dma_start3A_124 = arith.constant 0 : i32
      %dma_start3A_125 = tpu.memref_slice %arg5[%add3A_123, %dma_start3A_124] : memref<40x128xi32, #tpu.memory_space<vmem>> -> memref<1x128xi32, #tpu.memory_space<vmem>>
      %dma_start3A_126 = tpu.memref_squeeze %dma_start3A_125 : memref<1x128xi32, #tpu.memory_space<vmem>> -> memref<128xi32, #tpu.memory_space<vmem>>
      %dma_start3A_127 = arith.constant 0 : i32
      %dma_start3A_128 = arith.constant 0 : i32
      %dma_start3A_129 = tpu.memref_slice %arg2[%dma_start3A_127, %dma_start3A_128] : memref<10240x128xf32, #tpu.memory_space<hbm>> -> memref<10240x128xf32, #tpu.memory_space<hbm>>
      tpu.enqueue_indirect_dma source(%dma_start3A_129 : memref<10240x128xf32, #tpu.memory_space<hbm>>) target(%arg8 : memref<128x128xf32, #tpu.memory_space<vmem>>) offsets(%dma_start3A_126 : memref<128xi32, #tpu.memory_space<vmem>>) semaphore(%arg14 : memref<!tpu.dma_semaphore, #tpu.memory_space<semaphore_mem>>)
      %dma_wait3A = arith.constant 0 : i32
      %dma_wait3A_130 = tpu.memref_slice %arg5[%add3A_114, %dma_wait3A] : memref<40x128xi32, #tpu.memory_space<vmem>> -> memref<1x128xi32, #tpu.memory_space<vmem>>
      %dma_wait3A_131 = tpu.memref_squeeze %dma_wait3A_130 : memref<1x128xi32, #tpu.memory_space<vmem>> -> memref<128xi32, #tpu.memory_space<vmem>>
      %dma_wait3A_132 = arith.constant 0 : i32
      %dma_wait3A_133 = arith.constant 0 : i32
      %dma_wait3A_134 = tpu.memref_slice %arg2[%dma_wait3A_132, %dma_wait3A_133] : memref<10240x128xf32, #tpu.memory_space<hbm>> -> memref<10240x128xf32, #tpu.memory_space<hbm>>
      tpu.wait_indirect_dma semaphore(%arg13 : memref<!tpu.dma_semaphore, #tpu.memory_space<semaphore_mem>>) src(%dma_wait3A_134 : memref<10240x128xf32, #tpu.memory_space<hbm>>) dst(%arg7 : memref<128x128xf32, #tpu.memory_space<vmem>>)
      %mul3A_135 = arith.constant 2 : i32
      %mul3A_136 = arith.muli %scan3A_110, %mul3A_135 : i32
      %add3A_137 = arith.constant 0 : i32
      %add3A_138 = arith.addi %mul3A_136, %add3A_137 : i32
      %dma_start3A_139 = arith.constant 0 : i32
      %dma_start3A_140 = tpu.memref_slice %arg6[%add3A_138, %dma_start3A_139] : memref<40x128xi32, #tpu.memory_space<vmem>> -> memref<1x128xi32, #tpu.memory_space<vmem>>
      %dma_start3A_141 = tpu.memref_squeeze %dma_start3A_140 : memref<1x128xi32, #tpu.memory_space<vmem>> -> memref<128xi32, #tpu.memory_space<vmem>>
      %dma_start3A_142 = arith.constant 0 : i32
      %dma_start3A_143 = arith.constant 0 : i32
      %dma_start3A_144 = tpu.memref_slice %arg11[%dma_start3A_142, %dma_start3A_143] : memref<10240x128xf32, #tpu.memory_space<vmem_shared>> -> memref<10240x128xf32, #tpu.memory_space<vmem_shared>>
      tpu.enqueue_indirect_dma source(%arg7 : memref<128x128xf32, #tpu.memory_space<vmem>>) target(%dma_start3A_144 : memref<10240x128xf32, #tpu.memory_space<vmem_shared>>) offsets(%dma_start3A_141 : memref<128xi32, #tpu.memory_space<vmem>>) semaphore(%arg15 : memref<!tpu.dma_semaphore, #tpu.memory_space<semaphore_mem>>) {add = true}
      %dma_wait3A_145 = arith.constant 0 : i32
      %dma_wait3A_146 = tpu.memref_slice %arg5[%add3A_123, %dma_wait3A_145] : memref<40x128xi32, #tpu.memory_space<vmem>> -> memref<1x128xi32, #tpu.memory_space<vmem>>
      %dma_wait3A_147 = tpu.memref_squeeze %dma_wait3A_146 : memref<1x128xi32, #tpu.memory_space<vmem>> -> memref<128xi32, #tpu.memory_space<vmem>>
      %dma_wait3A_148 = arith.constant 0 : i32
      %dma_wait3A_149 = arith.constant 0 : i32
      %dma_wait3A_150 = tpu.memref_slice %arg2[%dma_wait3A_148, %dma_wait3A_149] : memref<10240x128xf32, #tpu.memory_space<hbm>> -> memref<10240x128xf32, #tpu.memory_space<hbm>>
      tpu.wait_indirect_dma semaphore(%arg14 : memref<!tpu.dma_semaphore, #tpu.memory_space<semaphore_mem>>) src(%dma_wait3A_150 : memref<10240x128xf32, #tpu.memory_space<hbm>>) dst(%arg8 : memref<128x128xf32, #tpu.memory_space<vmem>>)
      %mul3A_151 = arith.constant 2 : i32
      %mul3A_152 = arith.muli %scan3A_110, %mul3A_151 : i32
      %add3A_153 = arith.constant 1 : i32
      %add3A_154 = arith.addi %mul3A_152, %add3A_153 : i32
      %dma_start3A_155 = arith.constant 0 : i32
      %dma_start3A_156 = tpu.memref_slice %arg6[%add3A_154, %dma_start3A_155] : memref<40x128xi32, #tpu.memory_space<vmem>> -> memref<1x128xi32, #tpu.memory_space<vmem>>
      %dma_start3A_157 = tpu.memref_squeeze %dma_start3A_156 : memref<1x128xi32, #tpu.memory_space<vmem>> -> memref<128xi32, #tpu.memory_space<vmem>>
      %dma_start3A_158 = arith.constant 0 : i32
      %dma_start3A_159 = arith.constant 0 : i32
      %dma_start3A_160 = tpu.memref_slice %arg11[%dma_start3A_158, %dma_start3A_159] : memref<10240x128xf32, #tpu.memory_space<vmem_shared>> -> memref<10240x128xf32, #tpu.memory_space<vmem_shared>>
      tpu.enqueue_indirect_dma source(%arg8 : memref<128x128xf32, #tpu.memory_space<vmem>>) target(%dma_start3A_160 : memref<10240x128xf32, #tpu.memory_space<vmem_shared>>) offsets(%dma_start3A_157 : memref<128xi32, #tpu.memory_space<vmem>>) semaphore(%arg16 : memref<!tpu.dma_semaphore, #tpu.memory_space<semaphore_mem>>) {add = true}
      %dma_wait3A_161 = arith.constant 0 : i32
      %dma_wait3A_162 = tpu.memref_slice %arg6[%add3A_138, %dma_wait3A_161] : memref<40x128xi32, #tpu.memory_space<vmem>> -> memref<1x128xi32, #tpu.memory_space<vmem>>
      %dma_wait3A_163 = tpu.memref_squeeze %dma_wait3A_162 : memref<1x128xi32, #tpu.memory_space<vmem>> -> memref<128xi32, #tpu.memory_space<vmem>>
      %dma_wait3A_164 = arith.constant 0 : i32
      %dma_wait3A_165 = arith.constant 0 : i32
      %dma_wait3A_166 = tpu.memref_slice %arg11[%dma_wait3A_164, %dma_wait3A_165] : memref<10240x128xf32, #tpu.memory_space<vmem_shared>> -> memref<10240x128xf32, #tpu.memory_space<vmem_shared>>
      tpu.wait_indirect_dma semaphore(%arg15 : memref<!tpu.dma_semaphore, #tpu.memory_space<semaphore_mem>>) src(%arg7 : memref<128x128xf32, #tpu.memory_space<vmem>>) dst(%dma_wait3A_166 : memref<10240x128xf32, #tpu.memory_space<vmem_shared>>)
      %dma_wait3A_167 = arith.constant 0 : i32
      %dma_wait3A_168 = tpu.memref_slice %arg6[%add3A_154, %dma_wait3A_167] : memref<40x128xi32, #tpu.memory_space<vmem>> -> memref<1x128xi32, #tpu.memory_space<vmem>>
      %dma_wait3A_169 = tpu.memref_squeeze %dma_wait3A_168 : memref<1x128xi32, #tpu.memory_space<vmem>> -> memref<128xi32, #tpu.memory_space<vmem>>
      %dma_wait3A_170 = arith.constant 0 : i32
      %dma_wait3A_171 = arith.constant 0 : i32
      %dma_wait3A_172 = tpu.memref_slice %arg11[%dma_wait3A_170, %dma_wait3A_171] : memref<10240x128xf32, #tpu.memory_space<vmem_shared>> -> memref<10240x128xf32, #tpu.memory_space<vmem_shared>>
      tpu.wait_indirect_dma semaphore(%arg16 : memref<!tpu.dma_semaphore, #tpu.memory_space<semaphore_mem>>) src(%arg8 : memref<128x128xf32, #tpu.memory_space<vmem>>) dst(%dma_wait3A_172 : memref<10240x128xf32, #tpu.memory_space<vmem_shared>>)
    }
    %scan3A_98 = arith.constant 20 : i32
    %barrier3A_99 = arith.constant 0 : index
    tpu.barrier barrier_id(%barrier3A_99)
    %add3A_100 = arith.constant 0 : i32
    %add3A_101 = arith.addi %multiple_of3A, %add3A_100 : i32
    "tpu.region"() ({
      %run_scoped3A_110 = tpu.sem_alloc : memref<!tpu.dma_semaphore, #tpu.memory_space<semaphore_mem>>
      %dma_start3A = arith.constant 0 : i32
      %dma_start3A_111 = tpu.memref_slice %arg4[%arg0, %add3A_101, %dma_start3A] : memref<2x10240x128xf32, #tpu.memory_space<hbm>> -> memref<1x128x128xf32, #tpu.memory_space<hbm>>
      %dma_start3A_112 = tpu.memref_squeeze %dma_start3A_111 : memref<1x128x128xf32, #tpu.memory_space<hbm>> -> memref<128x128xf32, #tpu.memory_space<hbm>>
      %dma_start3A_113 = arith.constant 0 : i32
      %dma_start3A_114 = tpu.memref_slice %arg11[%add3A_101, %dma_start3A_113] : memref<10240x128xf32, #tpu.memory_space<vmem_shared>> -> memref<128x128xf32, #tpu.memory_space<vmem_shared>>
      tpu.enqueue_dma source(%dma_start3A_114 : memref<128x128xf32, #tpu.memory_space<vmem_shared>>) target(%dma_start3A_112 : memref<128x128xf32, #tpu.memory_space<hbm>>) target_semaphore(%run_scoped3A_110 : memref<!tpu.dma_semaphore, #tpu.memory_space<semaphore_mem>>)
      %dma_wait3A = arith.constant 0 : i32
      %dma_wait3A_115 = tpu.memref_slice %arg4[%arg0, %add3A_101, %dma_wait3A] : memref<2x10240x128xf32, #tpu.memory_space<hbm>> -> memref<1x128x128xf32, #tpu.memory_space<hbm>>
      %dma_wait3A_116 = tpu.memref_squeeze %dma_wait3A_115 : memref<1x128x128xf32, #tpu.memory_space<hbm>> -> memref<128x128xf32, #tpu.memory_space<hbm>>
      %dma_wait3A_117 = arith.constant 0 : i32
      %dma_wait3A_118 = tpu.memref_slice %arg11[%add3A_101, %dma_wait3A_117] : memref<10240x128xf32, #tpu.memory_space<vmem_shared>> -> memref<128x128xf32, #tpu.memory_space<vmem_shared>>
      tpu.wait_dma2 semaphore(%run_scoped3A_110 : memref<!tpu.dma_semaphore, #tpu.memory_space<semaphore_mem>>) src(%dma_wait3A_118 : memref<128x128xf32, #tpu.memory_space<vmem_shared>>) dst(%dma_wait3A_116 : memref<128x128xf32, #tpu.memory_space<hbm>>)
      tpu.yield
    }) : () -> ()
    %add3A_102 = arith.constant 128 : i32
    %add3A_103 = arith.addi %multiple_of3A, %add3A_102 : i32
    "tpu.region"() ({
      %run_scoped3A_110 = tpu.sem_alloc : memref<!tpu.dma_semaphore, #tpu.memory_space<semaphore_mem>>
      %dma_start3A = arith.constant 0 : i32
      %dma_start3A_111 = tpu.memref_slice %arg4[%arg0, %add3A_103, %dma_start3A] : memref<2x10240x128xf32, #tpu.memory_space<hbm>> -> memref<1x128x128xf32, #tpu.memory_space<hbm>>
      %dma_start3A_112 = tpu.memref_squeeze %dma_start3A_111 : memref<1x128x128xf32, #tpu.memory_space<hbm>> -> memref<128x128xf32, #tpu.memory_space<hbm>>
      %dma_start3A_113 = arith.constant 0 : i32
      %dma_start3A_114 = tpu.memref_slice %arg11[%add3A_103, %dma_start3A_113] : memref<10240x128xf32, #tpu.memory_space<vmem_shared>> -> memref<128x128xf32, #tpu.memory_space<vmem_shared>>
      tpu.enqueue_dma source(%dma_start3A_114 : memref<128x128xf32, #tpu.memory_space<vmem_shared>>) target(%dma_start3A_112 : memref<128x128xf32, #tpu.memory_space<hbm>>) target_semaphore(%run_scoped3A_110 : memref<!tpu.dma_semaphore, #tpu.memory_space<semaphore_mem>>)
      %dma_wait3A = arith.constant 0 : i32
      %dma_wait3A_115 = tpu.memref_slice %arg4[%arg0, %add3A_103, %dma_wait3A] : memref<2x10240x128xf32, #tpu.memory_space<hbm>> -> memref<1x128x128xf32, #tpu.memory_space<hbm>>
      %dma_wait3A_116 = tpu.memref_squeeze %dma_wait3A_115 : memref<1x128x128xf32, #tpu.memory_space<hbm>> -> memref<128x128xf32, #tpu.memory_space<hbm>>
      %dma_wait3A_117 = arith.constant 0 : i32
      %dma_wait3A_118 = tpu.memref_slice %arg11[%add3A_103, %dma_wait3A_117] : memref<10240x128xf32, #tpu.memory_space<vmem_shared>> -> memref<128x128xf32, #tpu.memory_space<vmem_shared>>
      tpu.wait_dma2 semaphore(%run_scoped3A_110 : memref<!tpu.dma_semaphore, #tpu.memory_space<semaphore_mem>>) src(%dma_wait3A_118 : memref<128x128xf32, #tpu.memory_space<vmem_shared>>) dst(%dma_wait3A_116 : memref<128x128xf32, #tpu.memory_space<hbm>>)
      tpu.yield
    }) : () -> ()
    %add3A_104 = arith.constant 256 : i32
    %add3A_105 = arith.addi %multiple_of3A, %add3A_104 : i32
    "tpu.region"() ({
      %run_scoped3A_110 = tpu.sem_alloc : memref<!tpu.dma_semaphore, #tpu.memory_space<semaphore_mem>>
      %dma_start3A = arith.constant 0 : i32
      %dma_start3A_111 = tpu.memref_slice %arg4[%arg0, %add3A_105, %dma_start3A] : memref<2x10240x128xf32, #tpu.memory_space<hbm>> -> memref<1x128x128xf32, #tpu.memory_space<hbm>>
      %dma_start3A_112 = tpu.memref_squeeze %dma_start3A_111 : memref<1x128x128xf32, #tpu.memory_space<hbm>> -> memref<128x128xf32, #tpu.memory_space<hbm>>
      %dma_start3A_113 = arith.constant 0 : i32
      %dma_start3A_114 = tpu.memref_slice %arg11[%add3A_105, %dma_start3A_113] : memref<10240x128xf32, #tpu.memory_space<vmem_shared>> -> memref<128x128xf32, #tpu.memory_space<vmem_shared>>
      tpu.enqueue_dma source(%dma_start3A_114 : memref<128x128xf32, #tpu.memory_space<vmem_shared>>) target(%dma_start3A_112 : memref<128x128xf32, #tpu.memory_space<hbm>>) target_semaphore(%run_scoped3A_110 : memref<!tpu.dma_semaphore, #tpu.memory_space<semaphore_mem>>)
      %dma_wait3A = arith.constant 0 : i32
      %dma_wait3A_115 = tpu.memref_slice %arg4[%arg0, %add3A_105, %dma_wait3A] : memref<2x10240x128xf32, #tpu.memory_space<hbm>> -> memref<1x128x128xf32, #tpu.memory_space<hbm>>
      %dma_wait3A_116 = tpu.memref_squeeze %dma_wait3A_115 : memref<1x128x128xf32, #tpu.memory_space<hbm>> -> memref<128x128xf32, #tpu.memory_space<hbm>>
      %dma_wait3A_117 = arith.constant 0 : i32
      %dma_wait3A_118 = tpu.memref_slice %arg11[%add3A_105, %dma_wait3A_117] : memref<10240x128xf32, #tpu.memory_space<vmem_shared>> -> memref<128x128xf32, #tpu.memory_space<vmem_shared>>
      tpu.wait_dma2 semaphore(%run_scoped3A_110 : memref<!tpu.dma_semaphore, #tpu.memory_space<semaphore_mem>>) src(%dma_wait3A_118 : memref<128x128xf32, #tpu.memory_space<vmem_shared>>) dst(%dma_wait3A_116 : memref<128x128xf32, #tpu.memory_space<hbm>>)
      tpu.yield
    }) : () -> ()
    %add3A_106 = arith.constant 384 : i32
    %add3A_107 = arith.addi %multiple_of3A, %add3A_106 : i32
    "tpu.region"() ({
      %run_scoped3A_110 = tpu.sem_alloc : memref<!tpu.dma_semaphore, #tpu.memory_space<semaphore_mem>>
      %dma_start3A = arith.constant 0 : i32
      %dma_start3A_111 = tpu.memref_slice %arg4[%arg0, %add3A_107, %dma_start3A] : memref<2x10240x128xf32, #tpu.memory_space<hbm>> -> memref<1x128x128xf32, #tpu.memory_space<hbm>>
      %dma_start3A_112 = tpu.memref_squeeze %dma_start3A_111 : memref<1x128x128xf32, #tpu.memory_space<hbm>> -> memref<128x128xf32, #tpu.memory_space<hbm>>
      %dma_start3A_113 = arith.constant 0 : i32
      %dma_start3A_114 = tpu.memref_slice %arg11[%add3A_107, %dma_start3A_113] : memref<10240x128xf32, #tpu.memory_space<vmem_shared>> -> memref<128x128xf32, #tpu.memory_space<vmem_shared>>
      tpu.enqueue_dma source(%dma_start3A_114 : memref<128x128xf32, #tpu.memory_space<vmem_shared>>) target(%dma_start3A_112 : memref<128x128xf32, #tpu.memory_space<hbm>>) target_semaphore(%run_scoped3A_110 : memref<!tpu.dma_semaphore, #tpu.memory_space<semaphore_mem>>)
      %dma_wait3A = arith.constant 0 : i32
      %dma_wait3A_115 = tpu.memref_slice %arg4[%arg0, %add3A_107, %dma_wait3A] : memref<2x10240x128xf32, #tpu.memory_space<hbm>> -> memref<1x128x128xf32, #tpu.memory_space<hbm>>
      %dma_wait3A_116 = tpu.memref_squeeze %dma_wait3A_115 : memref<1x128x128xf32, #tpu.memory_space<hbm>> -> memref<128x128xf32, #tpu.memory_space<hbm>>
      %dma_wait3A_117 = arith.constant 0 : i32
      %dma_wait3A_118 = tpu.memref_slice %arg11[%add3A_107, %dma_wait3A_117] : memref<10240x128xf32, #tpu.memory_space<vmem_shared>> -> memref<128x128xf32, #tpu.memory_space<vmem_shared>>
      tpu.wait_dma2 semaphore(%run_scoped3A_110 : memref<!tpu.dma_semaphore, #tpu.memory_space<semaphore_mem>>) src(%dma_wait3A_118 : memref<128x128xf32, #tpu.memory_space<vmem_shared>>) dst(%dma_wait3A_116 : memref<128x128xf32, #tpu.memory_space<hbm>>)
      tpu.yield
    }) : () -> ()
    %add3A_108 = arith.constant 512 : i32
    %add3A_109 = arith.addi %multiple_of3A, %add3A_108 : i32
    "tpu.region"() ({
      %run_scoped3A_110 = tpu.sem_alloc : memref<!tpu.dma_semaphore, #tpu.memory_space<semaphore_mem>>
      %dma_start3A = arith.constant 0 : i32
      %dma_start3A_111 = tpu.memref_slice %arg4[%arg0, %add3A_109, %dma_start3A] : memref<2x10240x128xf32, #tpu.memory_space<hbm>> -> memref<1x128x128xf32, #tpu.memory_space<hbm>>
      %dma_start3A_112 = tpu.memref_squeeze %dma_start3A_111 : memref<1x128x128xf32, #tpu.memory_space<hbm>> -> memref<128x128xf32, #tpu.memory_space<hbm>>
      %dma_start3A_113 = arith.constant 0 : i32
      %dma_start3A_114 = tpu.memref_slice %arg11[%add3A_109, %dma_start3A_113] : memref<10240x128xf32, #tpu.memory_space<vmem_shared>> -> memref<128x128xf32, #tpu.memory_space<vmem_shared>>
      tpu.enqueue_dma source(%dma_start3A_114 : memref<128x128xf32, #tpu.memory_space<vmem_shared>>) target(%dma_start3A_112 : memref<128x128xf32, #tpu.memory_space<hbm>>) target_semaphore(%run_scoped3A_110 : memref<!tpu.dma_semaphore, #tpu.memory_space<semaphore_mem>>)
      %dma_wait3A = arith.constant 0 : i32
      %dma_wait3A_115 = tpu.memref_slice %arg4[%arg0, %add3A_109, %dma_wait3A] : memref<2x10240x128xf32, #tpu.memory_space<hbm>> -> memref<1x128x128xf32, #tpu.memory_space<hbm>>
      %dma_wait3A_116 = tpu.memref_squeeze %dma_wait3A_115 : memref<1x128x128xf32, #tpu.memory_space<hbm>> -> memref<128x128xf32, #tpu.memory_space<hbm>>
      %dma_wait3A_117 = arith.constant 0 : i32
      %dma_wait3A_118 = tpu.memref_slice %arg11[%add3A_109, %dma_wait3A_117] : memref<10240x128xf32, #tpu.memory_space<vmem_shared>> -> memref<128x128xf32, #tpu.memory_space<vmem_shared>>
      tpu.wait_dma2 semaphore(%run_scoped3A_110 : memref<!tpu.dma_semaphore, #tpu.memory_space<semaphore_mem>>) src(%dma_wait3A_118 : memref<128x128xf32, #tpu.memory_space<vmem_shared>>) dst(%dma_wait3A_116 : memref<128x128xf32, #tpu.memory_space<hbm>>)
      tpu.yield
    }) : () -> ()
    return
  }
}

#map = affine_map<(d0, d1) -> (0, 0)>
#map1 = affine_map<(d0, d1) -> (0, 0, 0, 0)>
#map2 = affine_map<(d0, d1) -> (0, 0, 0)>
module attributes {stable_mosaic.version = 14 : i64} {
  func.func @body(%arg0: i32, %arg1: i32, %arg2: memref<10240x128xf32, #tpu.memory_space<hbm>>, %arg3: memref<2x32x80x128xi32, #tpu.memory_space<hbm>>, %arg4: memref<2x10240x128xf32, #tpu.memory_space<hbm>>, %arg5: memref<2x10240xf32, #tpu.memory_space<hbm>>, %arg6: memref<40x128xi32, #tpu.memory_space<vmem>>, %arg7: memref<40x128xi32, #tpu.memory_space<vmem>>, %arg8: memref<128x128xf32, #tpu.memory_space<vmem>>, %arg9: memref<128x128xf32, #tpu.memory_space<vmem>>, %arg10: memref<128xf32, #tpu.memory_space<vmem>>, %arg11: memref<128xf32, #tpu.memory_space<vmem>>, %arg12: memref<10240x128xf32, #tpu.memory_space<vmem_shared>>, %arg13: memref<10240xf32, #tpu.memory_space<vmem_shared>>, %arg14: memref<!tpu.dma_semaphore, #tpu.memory_space<semaphore_mem>>, %arg15: memref<!tpu.dma_semaphore, #tpu.memory_space<semaphore_mem>>, %arg16: memref<!tpu.dma_semaphore, #tpu.memory_space<semaphore_mem>>, %arg17: memref<!tpu.dma_semaphore, #tpu.memory_space<semaphore_mem>>, %arg18: memref<!tpu.dma_semaphore, #tpu.memory_space<semaphore_mem>>) attributes {dimension_semantics = [#tpu.dimension_semantics<core_parallel>, #tpu.dimension_semantics<subcore_parallel>], iteration_bounds = array<i64: 2, 16>, scalar_prefetch = 0 : i64, scratch_operands = 13 : i64, tpu.core_type = #tpu.core_type<sc_vector_subcore>, window_params = [{transform_indices = #map}, {transform_indices = #map1}, {transform_indices = #map2}, {transform_indices = #map}]} {
    %mul3A = arith.constant 2 : i32
    %mul3A_0 = arith.muli %arg1, %mul3A : i32
    %add3A = arith.addi %mul3A_0, %arg0 : i32
    %broadcast_in_dim3A = arith.constant 0.000000e+00 : f32
    %broadcast_in_dim3A_1 = vector.broadcast %broadcast_in_dim3A : f32 to vector<16xf32>
    %broadcast_in_dim3A_2 = arith.constant 1.000000e+00 : f32
    %broadcast_in_dim3A_3 = vector.broadcast %broadcast_in_dim3A_2 : f32 to vector<16xf32>
    %scan3A = arith.constant 0 : i32
    %scan3A_4 = arith.constant 0 : i32
    %scan3A_5 = arith.constant 1024 : i32
    %scan3A_6 = arith.addi %scan3A_4, %scan3A_5 : i32
    %scan3A_7 = arith.constant 1 : i32
    scf.for %scan3A_130 = %scan3A_4 to %scan3A_6 step %scan3A_7  : i32 {
      %jit3A = arith.constant 8 : i32
      %div3A = arith.divsi %scan3A_130, %jit3A : i32
      %sign3A = arith.constant 0 : i32
      %sign3A_131 = arith.cmpi sgt, %scan3A_130, %sign3A : i32
      %sign3A_132 = arith.extui %sign3A_131 : i1 to i32
      %sign3A_133 = arith.constant 0 : i32
      %sign3A_134 = arith.cmpi slt, %scan3A_130, %sign3A_133 : i32
      %sign3A_135 = arith.extui %sign3A_134 : i1 to i32
      %sign3A_136 = arith.subi %sign3A_132, %sign3A_135 : i32
      %sign3A_137 = arith.constant 0 : i32
      %sign3A_138 = arith.cmpi sgt, %jit3A, %sign3A_137 : i32
      %sign3A_139 = arith.extui %sign3A_138 : i1 to i32
      %sign3A_140 = arith.constant 0 : i32
      %sign3A_141 = arith.cmpi slt, %jit3A, %sign3A_140 : i32
      %sign3A_142 = arith.extui %sign3A_141 : i1 to i32
      %sign3A_143 = arith.subi %sign3A_139, %sign3A_142 : i32
      %ne3A = arith.cmpi ne, %sign3A_136, %sign3A_143 : i32
      %rem3A = arith.remsi %scan3A_130, %jit3A : i32
      %ne3A_144 = arith.constant 0 : i32
      %ne3A_145 = arith.cmpi ne, %rem3A, %ne3A_144 : i32
      %and3A = arith.andi %ne3A, %ne3A_145 : i1
      %sub3A = arith.constant 1 : i32
      %sub3A_146 = arith.subi %div3A, %sub3A : i32
      %select_n3A = arith.select %and3A, %sub3A_146, %div3A : i32
      %jit3A_147 = arith.constant 8 : i32
      %eq3A = arith.constant 0 : i32
      %eq3A_148 = arith.cmpi eq, %jit3A_147, %eq3A : i32
      %jit3A_149 = arith.constant 1 : i32
      %select_n3A_150 = arith.select %eq3A_148, %jit3A_149, %jit3A_147 : i32
      %rem3A_151 = arith.remsi %scan3A_130, %select_n3A_150 : i32
      %ne3A_152 = arith.constant 0 : i32
      %ne3A_153 = arith.cmpi ne, %rem3A_151, %ne3A_152 : i32
      %lt3A = arith.constant 0 : i32
      %lt3A_154 = arith.cmpi slt, %rem3A_151, %lt3A : i32
      %lt3A_155 = arith.constant 0 : i32
      %lt3A_156 = arith.cmpi slt, %select_n3A_150, %lt3A_155 : i32
      %ne3A_157 = arith.xori %lt3A_154, %lt3A_156 : i1
      %and3A_158 = arith.andi %ne3A_157, %ne3A_153 : i1
      %add3A_159 = arith.addi %rem3A_151, %select_n3A_150 : i32
      %select_n3A_160 = arith.select %and3A_158, %add3A_159, %rem3A_151 : i32
      %mul3A_161 = arith.constant 16 : i32
      %mul3A_162 = arith.muli %select_n3A_160, %mul3A_161 : i32
      %swap3A_163 = arith.index_cast %select_n3A : i32 to index
      %swap3A_164 = arith.index_cast %mul3A_162 : i32 to index
      %swap3A_165 = tpu.vector_load %arg8[%swap3A_163, %swap3A_164] {strides = array<i32>} : memref<128x128xf32, #tpu.memory_space<vmem>>, vector<1x16xf32>,
      %swap3A_166 = vector.shape_cast %swap3A_165 : vector<1x16xf32> to vector<16xf32>
      %swap3A_167 = vector.shape_cast %broadcast_in_dim3A_1 : vector<16xf32> to vector<1x16xf32>
      tpu.vector_store %arg8[%swap3A_163, %swap3A_164], %swap3A_167 {strides = array<i32>} : memref<128x128xf32, #tpu.memory_space<vmem>>, vector<1x16xf32>,
    }
    %scan3A_8 = arith.constant 1024 : i32
    %swap3A = arith.constant 0 : index
    %swap3A_9 = tpu.vector_load %arg10[%swap3A] {strides = array<i32>} : memref<128xf32, #tpu.memory_space<vmem>>, vector<16xf32>,
    %swap3A_10 = vector.shape_cast %swap3A_9 : vector<16xf32> to vector<16xf32>
    %swap3A_11 = vector.shape_cast %broadcast_in_dim3A_3 : vector<16xf32> to vector<16xf32>
    tpu.vector_store %arg10[%swap3A], %swap3A_11 {strides = array<i32>} : memref<128xf32, #tpu.memory_space<vmem>>, vector<16xf32>,
    %swap3A_12 = arith.constant 0 : index
    %swap3A_13 = tpu.vector_load %arg11[%swap3A_12] {strides = array<i32>} : memref<128xf32, #tpu.memory_space<vmem>>, vector<16xf32>,
    %swap3A_14 = vector.shape_cast %swap3A_13 : vector<16xf32> to vector<16xf32>
    %swap3A_15 = vector.shape_cast %broadcast_in_dim3A_1 : vector<16xf32> to vector<16xf32>
    tpu.vector_store %arg11[%swap3A_12], %swap3A_15 {strides = array<i32>} : memref<128xf32, #tpu.memory_space<vmem>>, vector<16xf32>,
    %swap3A_16 = arith.constant 16 : index
    %swap3A_17 = tpu.vector_load %arg10[%swap3A_16] {strides = array<i32>} : memref<128xf32, #tpu.memory_space<vmem>>, vector<16xf32>,
    %swap3A_18 = vector.shape_cast %swap3A_17 : vector<16xf32> to vector<16xf32>
    %swap3A_19 = vector.shape_cast %broadcast_in_dim3A_3 : vector<16xf32> to vector<16xf32>
    tpu.vector_store %arg10[%swap3A_16], %swap3A_19 {strides = array<i32>} : memref<128xf32, #tpu.memory_space<vmem>>, vector<16xf32>,
    %swap3A_20 = arith.constant 16 : index
    %swap3A_21 = tpu.vector_load %arg11[%swap3A_20] {strides = array<i32>} : memref<128xf32, #tpu.memory_space<vmem>>, vector<16xf32>,
    %swap3A_22 = vector.shape_cast %swap3A_21 : vector<16xf32> to vector<16xf32>
    %swap3A_23 = vector.shape_cast %broadcast_in_dim3A_1 : vector<16xf32> to vector<16xf32>
    tpu.vector_store %arg11[%swap3A_20], %swap3A_23 {strides = array<i32>} : memref<128xf32, #tpu.memory_space<vmem>>, vector<16xf32>,
    %swap3A_24 = arith.constant 32 : index
    %swap3A_25 = tpu.vector_load %arg10[%swap3A_24] {strides = array<i32>} : memref<128xf32, #tpu.memory_space<vmem>>, vector<16xf32>,
    %swap3A_26 = vector.shape_cast %swap3A_25 : vector<16xf32> to vector<16xf32>
    %swap3A_27 = vector.shape_cast %broadcast_in_dim3A_3 : vector<16xf32> to vector<16xf32>
    tpu.vector_store %arg10[%swap3A_24], %swap3A_27 {strides = array<i32>} : memref<128xf32, #tpu.memory_space<vmem>>, vector<16xf32>,
    %swap3A_28 = arith.constant 32 : index
    %swap3A_29 = tpu.vector_load %arg11[%swap3A_28] {strides = array<i32>} : memref<128xf32, #tpu.memory_space<vmem>>, vector<16xf32>,
    %swap3A_30 = vector.shape_cast %swap3A_29 : vector<16xf32> to vector<16xf32>
    %swap3A_31 = vector.shape_cast %broadcast_in_dim3A_1 : vector<16xf32> to vector<16xf32>
    tpu.vector_store %arg11[%swap3A_28], %swap3A_31 {strides = array<i32>} : memref<128xf32, #tpu.memory_space<vmem>>, vector<16xf32>,
    %swap3A_32 = arith.constant 48 : index
    %swap3A_33 = tpu.vector_load %arg10[%swap3A_32] {strides = array<i32>} : memref<128xf32, #tpu.memory_space<vmem>>, vector<16xf32>,
    %swap3A_34 = vector.shape_cast %swap3A_33 : vector<16xf32> to vector<16xf32>
    %swap3A_35 = vector.shape_cast %broadcast_in_dim3A_3 : vector<16xf32> to vector<16xf32>
    tpu.vector_store %arg10[%swap3A_32], %swap3A_35 {strides = array<i32>} : memref<128xf32, #tpu.memory_space<vmem>>, vector<16xf32>,
    %swap3A_36 = arith.constant 48 : index
    %swap3A_37 = tpu.vector_load %arg11[%swap3A_36] {strides = array<i32>} : memref<128xf32, #tpu.memory_space<vmem>>, vector<16xf32>,
    %swap3A_38 = vector.shape_cast %swap3A_37 : vector<16xf32> to vector<16xf32>
    %swap3A_39 = vector.shape_cast %broadcast_in_dim3A_1 : vector<16xf32> to vector<16xf32>
    tpu.vector_store %arg11[%swap3A_36], %swap3A_39 {strides = array<i32>} : memref<128xf32, #tpu.memory_space<vmem>>, vector<16xf32>,
    %swap3A_40 = arith.constant 64 : index
    %swap3A_41 = tpu.vector_load %arg10[%swap3A_40] {strides = array<i32>} : memref<128xf32, #tpu.memory_space<vmem>>, vector<16xf32>,
    %swap3A_42 = vector.shape_cast %swap3A_41 : vector<16xf32> to vector<16xf32>
    %swap3A_43 = vector.shape_cast %broadcast_in_dim3A_3 : vector<16xf32> to vector<16xf32>
    tpu.vector_store %arg10[%swap3A_40], %swap3A_43 {strides = array<i32>} : memref<128xf32, #tpu.memory_space<vmem>>, vector<16xf32>,
    %swap3A_44 = arith.constant 64 : index
    %swap3A_45 = tpu.vector_load %arg11[%swap3A_44] {strides = array<i32>} : memref<128xf32, #tpu.memory_space<vmem>>, vector<16xf32>,
    %swap3A_46 = vector.shape_cast %swap3A_45 : vector<16xf32> to vector<16xf32>
    %swap3A_47 = vector.shape_cast %broadcast_in_dim3A_1 : vector<16xf32> to vector<16xf32>
    tpu.vector_store %arg11[%swap3A_44], %swap3A_47 {strides = array<i32>} : memref<128xf32, #tpu.memory_space<vmem>>, vector<16xf32>,
    %swap3A_48 = arith.constant 80 : index
    %swap3A_49 = tpu.vector_load %arg10[%swap3A_48] {strides = array<i32>} : memref<128xf32, #tpu.memory_space<vmem>>, vector<16xf32>,
    %swap3A_50 = vector.shape_cast %swap3A_49 : vector<16xf32> to vector<16xf32>
    %swap3A_51 = vector.shape_cast %broadcast_in_dim3A_3 : vector<16xf32> to vector<16xf32>
    tpu.vector_store %arg10[%swap3A_48], %swap3A_51 {strides = array<i32>} : memref<128xf32, #tpu.memory_space<vmem>>, vector<16xf32>,
    %swap3A_52 = arith.constant 80 : index
    %swap3A_53 = tpu.vector_load %arg11[%swap3A_52] {strides = array<i32>} : memref<128xf32, #tpu.memory_space<vmem>>, vector<16xf32>,
    %swap3A_54 = vector.shape_cast %swap3A_53 : vector<16xf32> to vector<16xf32>
    %swap3A_55 = vector.shape_cast %broadcast_in_dim3A_1 : vector<16xf32> to vector<16xf32>
    tpu.vector_store %arg11[%swap3A_52], %swap3A_55 {strides = array<i32>} : memref<128xf32, #tpu.memory_space<vmem>>, vector<16xf32>,
    %swap3A_56 = arith.constant 96 : index
    %swap3A_57 = tpu.vector_load %arg10[%swap3A_56] {strides = array<i32>} : memref<128xf32, #tpu.memory_space<vmem>>, vector<16xf32>,
    %swap3A_58 = vector.shape_cast %swap3A_57 : vector<16xf32> to vector<16xf32>
    %swap3A_59 = vector.shape_cast %broadcast_in_dim3A_3 : vector<16xf32> to vector<16xf32>
    tpu.vector_store %arg10[%swap3A_56], %swap3A_59 {strides = array<i32>} : memref<128xf32, #tpu.memory_space<vmem>>, vector<16xf32>,
    %swap3A_60 = arith.constant 96 : index
    %swap3A_61 = tpu.vector_load %arg11[%swap3A_60] {strides = array<i32>} : memref<128xf32, #tpu.memory_space<vmem>>, vector<16xf32>,
    %swap3A_62 = vector.shape_cast %swap3A_61 : vector<16xf32> to vector<16xf32>
    %swap3A_63 = vector.shape_cast %broadcast_in_dim3A_1 : vector<16xf32> to vector<16xf32>
    tpu.vector_store %arg11[%swap3A_60], %swap3A_63 {strides = array<i32>} : memref<128xf32, #tpu.memory_space<vmem>>, vector<16xf32>,
    %swap3A_64 = arith.constant 112 : index
    %swap3A_65 = tpu.vector_load %arg10[%swap3A_64] {strides = array<i32>} : memref<128xf32, #tpu.memory_space<vmem>>, vector<16xf32>,
    %swap3A_66 = vector.shape_cast %swap3A_65 : vector<16xf32> to vector<16xf32>
    %swap3A_67 = vector.shape_cast %broadcast_in_dim3A_3 : vector<16xf32> to vector<16xf32>
    tpu.vector_store %arg10[%swap3A_64], %swap3A_67 {strides = array<i32>} : memref<128xf32, #tpu.memory_space<vmem>>, vector<16xf32>,
    %swap3A_68 = arith.constant 112 : index
    %swap3A_69 = tpu.vector_load %arg11[%swap3A_68] {strides = array<i32>} : memref<128xf32, #tpu.memory_space<vmem>>, vector<16xf32>,
    %swap3A_70 = vector.shape_cast %swap3A_69 : vector<16xf32> to vector<16xf32>
    %swap3A_71 = vector.shape_cast %broadcast_in_dim3A_1 : vector<16xf32> to vector<16xf32>
    tpu.vector_store %arg11[%swap3A_68], %swap3A_71 {strides = array<i32>} : memref<128xf32, #tpu.memory_space<vmem>>, vector<16xf32>,
    %mul3A_72 = arith.constant 640 : i32
    %mul3A_73 = arith.muli %arg1, %mul3A_72 : i32
    %multiple_of3A = tpu.assume_multiple %mul3A_73, 128 : i32
    %add3A_74 = arith.constant 0 : i32
    %add3A_75 = arith.addi %multiple_of3A, %add3A_74 : i32
    "tpu.region"() ({
      %run_scoped3A_130 = tpu.sem_alloc : memref<!tpu.dma_semaphore, #tpu.memory_space<semaphore_mem>>
      %dma_start3A = arith.constant 0 : i32
      %dma_start3A_131 = tpu.memref_slice %arg12[%add3A_75, %dma_start3A] : memref<10240x128xf32, #tpu.memory_space<vmem_shared>> -> memref<128x128xf32, #tpu.memory_space<vmem_shared>>
      %dma_start3A_132 = arith.constant 0 : i32
      %dma_start3A_133 = tpu.memref_slice %arg12[%add3A_75, %dma_start3A_132] : memref<10240x128xf32, #tpu.memory_space<vmem_shared>> -> memref<128x128xf32, #tpu.memory_space<vmem_shared>>
      tpu.enqueue_dma source(%arg8 : memref<128x128xf32, #tpu.memory_space<vmem>>) target(%dma_start3A_133 : memref<128x128xf32, #tpu.memory_space<vmem_shared>>) target_semaphore(%run_scoped3A_130 : memref<!tpu.dma_semaphore, #tpu.memory_space<semaphore_mem>>)
      %dma_wait3A = arith.constant 0 : i32
      %dma_wait3A_134 = tpu.memref_slice %arg12[%add3A_75, %dma_wait3A] : memref<10240x128xf32, #tpu.memory_space<vmem_shared>> -> memref<128x128xf32, #tpu.memory_space<vmem_shared>>
      %dma_wait3A_135 = arith.constant 0 : i32
      %dma_wait3A_136 = tpu.memref_slice %arg12[%add3A_75, %dma_wait3A_135] : memref<10240x128xf32, #tpu.memory_space<vmem_shared>> -> memref<128x128xf32, #tpu.memory_space<vmem_shared>>
      tpu.wait_dma2 semaphore(%run_scoped3A_130 : memref<!tpu.dma_semaphore, #tpu.memory_space<semaphore_mem>>) src(%arg8 : memref<128x128xf32, #tpu.memory_space<vmem>>) dst(%dma_wait3A_136 : memref<128x128xf32, #tpu.memory_space<vmem_shared>>)
      tpu.yield
    }) : () -> ()
    %add3A_76 = arith.constant 128 : i32
    %add3A_77 = arith.addi %multiple_of3A, %add3A_76 : i32
    "tpu.region"() ({
      %run_scoped3A_130 = tpu.sem_alloc : memref<!tpu.dma_semaphore, #tpu.memory_space<semaphore_mem>>
      %dma_start3A = arith.constant 0 : i32
      %dma_start3A_131 = tpu.memref_slice %arg12[%add3A_77, %dma_start3A] : memref<10240x128xf32, #tpu.memory_space<vmem_shared>> -> memref<128x128xf32, #tpu.memory_space<vmem_shared>>
      %dma_start3A_132 = arith.constant 0 : i32
      %dma_start3A_133 = tpu.memref_slice %arg12[%add3A_77, %dma_start3A_132] : memref<10240x128xf32, #tpu.memory_space<vmem_shared>> -> memref<128x128xf32, #tpu.memory_space<vmem_shared>>
      tpu.enqueue_dma source(%arg8 : memref<128x128xf32, #tpu.memory_space<vmem>>) target(%dma_start3A_133 : memref<128x128xf32, #tpu.memory_space<vmem_shared>>) target_semaphore(%run_scoped3A_130 : memref<!tpu.dma_semaphore, #tpu.memory_space<semaphore_mem>>)
      %dma_wait3A = arith.constant 0 : i32
      %dma_wait3A_134 = tpu.memref_slice %arg12[%add3A_77, %dma_wait3A] : memref<10240x128xf32, #tpu.memory_space<vmem_shared>> -> memref<128x128xf32, #tpu.memory_space<vmem_shared>>
      %dma_wait3A_135 = arith.constant 0 : i32
      %dma_wait3A_136 = tpu.memref_slice %arg12[%add3A_77, %dma_wait3A_135] : memref<10240x128xf32, #tpu.memory_space<vmem_shared>> -> memref<128x128xf32, #tpu.memory_space<vmem_shared>>
      tpu.wait_dma2 semaphore(%run_scoped3A_130 : memref<!tpu.dma_semaphore, #tpu.memory_space<semaphore_mem>>) src(%arg8 : memref<128x128xf32, #tpu.memory_space<vmem>>) dst(%dma_wait3A_136 : memref<128x128xf32, #tpu.memory_space<vmem_shared>>)
      tpu.yield
    }) : () -> ()
    %add3A_78 = arith.constant 256 : i32
    %add3A_79 = arith.addi %multiple_of3A, %add3A_78 : i32
    "tpu.region"() ({
      %run_scoped3A_130 = tpu.sem_alloc : memref<!tpu.dma_semaphore, #tpu.memory_space<semaphore_mem>>
      %dma_start3A = arith.constant 0 : i32
      %dma_start3A_131 = tpu.memref_slice %arg12[%add3A_79, %dma_start3A] : memref<10240x128xf32, #tpu.memory_space<vmem_shared>> -> memref<128x128xf32, #tpu.memory_space<vmem_shared>>
      %dma_start3A_132 = arith.constant 0 : i32
      %dma_start3A_133 = tpu.memref_slice %arg12[%add3A_79, %dma_start3A_132] : memref<10240x128xf32, #tpu.memory_space<vmem_shared>> -> memref<128x128xf32, #tpu.memory_space<vmem_shared>>
      tpu.enqueue_dma source(%arg8 : memref<128x128xf32, #tpu.memory_space<vmem>>) target(%dma_start3A_133 : memref<128x128xf32, #tpu.memory_space<vmem_shared>>) target_semaphore(%run_scoped3A_130 : memref<!tpu.dma_semaphore, #tpu.memory_space<semaphore_mem>>)
      %dma_wait3A = arith.constant 0 : i32
      %dma_wait3A_134 = tpu.memref_slice %arg12[%add3A_79, %dma_wait3A] : memref<10240x128xf32, #tpu.memory_space<vmem_shared>> -> memref<128x128xf32, #tpu.memory_space<vmem_shared>>
      %dma_wait3A_135 = arith.constant 0 : i32
      %dma_wait3A_136 = tpu.memref_slice %arg12[%add3A_79, %dma_wait3A_135] : memref<10240x128xf32, #tpu.memory_space<vmem_shared>> -> memref<128x128xf32, #tpu.memory_space<vmem_shared>>
      tpu.wait_dma2 semaphore(%run_scoped3A_130 : memref<!tpu.dma_semaphore, #tpu.memory_space<semaphore_mem>>) src(%arg8 : memref<128x128xf32, #tpu.memory_space<vmem>>) dst(%dma_wait3A_136 : memref<128x128xf32, #tpu.memory_space<vmem_shared>>)
      tpu.yield
    }) : () -> ()
    %add3A_80 = arith.constant 384 : i32
    %add3A_81 = arith.addi %multiple_of3A, %add3A_80 : i32
    "tpu.region"() ({
      %run_scoped3A_130 = tpu.sem_alloc : memref<!tpu.dma_semaphore, #tpu.memory_space<semaphore_mem>>
      %dma_start3A = arith.constant 0 : i32
      %dma_start3A_131 = tpu.memref_slice %arg12[%add3A_81, %dma_start3A] : memref<10240x128xf32, #tpu.memory_space<vmem_shared>> -> memref<128x128xf32, #tpu.memory_space<vmem_shared>>
      %dma_start3A_132 = arith.constant 0 : i32
      %dma_start3A_133 = tpu.memref_slice %arg12[%add3A_81, %dma_start3A_132] : memref<10240x128xf32, #tpu.memory_space<vmem_shared>> -> memref<128x128xf32, #tpu.memory_space<vmem_shared>>
      tpu.enqueue_dma source(%arg8 : memref<128x128xf32, #tpu.memory_space<vmem>>) target(%dma_start3A_133 : memref<128x128xf32, #tpu.memory_space<vmem_shared>>) target_semaphore(%run_scoped3A_130 : memref<!tpu.dma_semaphore, #tpu.memory_space<semaphore_mem>>)
      %dma_wait3A = arith.constant 0 : i32
      %dma_wait3A_134 = tpu.memref_slice %arg12[%add3A_81, %dma_wait3A] : memref<10240x128xf32, #tpu.memory_space<vmem_shared>> -> memref<128x128xf32, #tpu.memory_space<vmem_shared>>
      %dma_wait3A_135 = arith.constant 0 : i32
      %dma_wait3A_136 = tpu.memref_slice %arg12[%add3A_81, %dma_wait3A_135] : memref<10240x128xf32, #tpu.memory_space<vmem_shared>> -> memref<128x128xf32, #tpu.memory_space<vmem_shared>>
      tpu.wait_dma2 semaphore(%run_scoped3A_130 : memref<!tpu.dma_semaphore, #tpu.memory_space<semaphore_mem>>) src(%arg8 : memref<128x128xf32, #tpu.memory_space<vmem>>) dst(%dma_wait3A_136 : memref<128x128xf32, #tpu.memory_space<vmem_shared>>)
      tpu.yield
    }) : () -> ()
    %add3A_82 = arith.constant 512 : i32
    %add3A_83 = arith.addi %multiple_of3A, %add3A_82 : i32
    "tpu.region"() ({
      %run_scoped3A_130 = tpu.sem_alloc : memref<!tpu.dma_semaphore, #tpu.memory_space<semaphore_mem>>
      %dma_start3A = arith.constant 0 : i32
      %dma_start3A_131 = tpu.memref_slice %arg12[%add3A_83, %dma_start3A] : memref<10240x128xf32, #tpu.memory_space<vmem_shared>> -> memref<128x128xf32, #tpu.memory_space<vmem_shared>>
      %dma_start3A_132 = arith.constant 0 : i32
      %dma_start3A_133 = tpu.memref_slice %arg12[%add3A_83, %dma_start3A_132] : memref<10240x128xf32, #tpu.memory_space<vmem_shared>> -> memref<128x128xf32, #tpu.memory_space<vmem_shared>>
      tpu.enqueue_dma source(%arg8 : memref<128x128xf32, #tpu.memory_space<vmem>>) target(%dma_start3A_133 : memref<128x128xf32, #tpu.memory_space<vmem_shared>>) target_semaphore(%run_scoped3A_130 : memref<!tpu.dma_semaphore, #tpu.memory_space<semaphore_mem>>)
      %dma_wait3A = arith.constant 0 : i32
      %dma_wait3A_134 = tpu.memref_slice %arg12[%add3A_83, %dma_wait3A] : memref<10240x128xf32, #tpu.memory_space<vmem_shared>> -> memref<128x128xf32, #tpu.memory_space<vmem_shared>>
      %dma_wait3A_135 = arith.constant 0 : i32
      %dma_wait3A_136 = tpu.memref_slice %arg12[%add3A_83, %dma_wait3A_135] : memref<10240x128xf32, #tpu.memory_space<vmem_shared>> -> memref<128x128xf32, #tpu.memory_space<vmem_shared>>
      tpu.wait_dma2 semaphore(%run_scoped3A_130 : memref<!tpu.dma_semaphore, #tpu.memory_space<semaphore_mem>>) src(%arg8 : memref<128x128xf32, #tpu.memory_space<vmem>>) dst(%dma_wait3A_136 : memref<128x128xf32, #tpu.memory_space<vmem_shared>>)
      tpu.yield
    }) : () -> ()
    %add3A_84 = arith.constant 0 : i32
    %add3A_85 = arith.addi %multiple_of3A, %add3A_84 : i32
    "tpu.region"() ({
      %run_scoped3A_130 = tpu.sem_alloc : memref<!tpu.dma_semaphore, #tpu.memory_space<semaphore_mem>>
      %dma_start3A = tpu.memref_slice %arg13[%add3A_85] : memref<10240xf32, #tpu.memory_space<vmem_shared>> -> memref<128xf32, #tpu.memory_space<vmem_shared>>
      %dma_start3A_131 = tpu.memref_slice %arg13[%add3A_85] : memref<10240xf32, #tpu.memory_space<vmem_shared>> -> memref<128xf32, #tpu.memory_space<vmem_shared>>
      tpu.enqueue_dma source(%arg11 : memref<128xf32, #tpu.memory_space<vmem>>) target(%dma_start3A_131 : memref<128xf32, #tpu.memory_space<vmem_shared>>) target_semaphore(%run_scoped3A_130 : memref<!tpu.dma_semaphore, #tpu.memory_space<semaphore_mem>>)
      %dma_wait3A = tpu.memref_slice %arg13[%add3A_85] : memref<10240xf32, #tpu.memory_space<vmem_shared>> -> memref<128xf32, #tpu.memory_space<vmem_shared>>
      %dma_wait3A_132 = tpu.memref_slice %arg13[%add3A_85] : memref<10240xf32, #tpu.memory_space<vmem_shared>> -> memref<128xf32, #tpu.memory_space<vmem_shared>>
      tpu.wait_dma2 semaphore(%run_scoped3A_130 : memref<!tpu.dma_semaphore, #tpu.memory_space<semaphore_mem>>) src(%arg11 : memref<128xf32, #tpu.memory_space<vmem>>) dst(%dma_wait3A_132 : memref<128xf32, #tpu.memory_space<vmem_shared>>)
      tpu.yield
    }) : () -> ()
    %add3A_86 = arith.constant 128 : i32
    %add3A_87 = arith.addi %multiple_of3A, %add3A_86 : i32
    "tpu.region"() ({
      %run_scoped3A_130 = tpu.sem_alloc : memref<!tpu.dma_semaphore, #tpu.memory_space<semaphore_mem>>
      %dma_start3A = tpu.memref_slice %arg13[%add3A_87] : memref<10240xf32, #tpu.memory_space<vmem_shared>> -> memref<128xf32, #tpu.memory_space<vmem_shared>>
      %dma_start3A_131 = tpu.memref_slice %arg13[%add3A_87] : memref<10240xf32, #tpu.memory_space<vmem_shared>> -> memref<128xf32, #tpu.memory_space<vmem_shared>>
      tpu.enqueue_dma source(%arg11 : memref<128xf32, #tpu.memory_space<vmem>>) target(%dma_start3A_131 : memref<128xf32, #tpu.memory_space<vmem_shared>>) target_semaphore(%run_scoped3A_130 : memref<!tpu.dma_semaphore, #tpu.memory_space<semaphore_mem>>)
      %dma_wait3A = tpu.memref_slice %arg13[%add3A_87] : memref<10240xf32, #tpu.memory_space<vmem_shared>> -> memref<128xf32, #tpu.memory_space<vmem_shared>>
      %dma_wait3A_132 = tpu.memref_slice %arg13[%add3A_87] : memref<10240xf32, #tpu.memory_space<vmem_shared>> -> memref<128xf32, #tpu.memory_space<vmem_shared>>
      tpu.wait_dma2 semaphore(%run_scoped3A_130 : memref<!tpu.dma_semaphore, #tpu.memory_space<semaphore_mem>>) src(%arg11 : memref<128xf32, #tpu.memory_space<vmem>>) dst(%dma_wait3A_132 : memref<128xf32, #tpu.memory_space<vmem_shared>>)
      tpu.yield
    }) : () -> ()
    %add3A_88 = arith.constant 256 : i32
    %add3A_89 = arith.addi %multiple_of3A, %add3A_88 : i32
    "tpu.region"() ({
      %run_scoped3A_130 = tpu.sem_alloc : memref<!tpu.dma_semaphore, #tpu.memory_space<semaphore_mem>>
      %dma_start3A = tpu.memref_slice %arg13[%add3A_89] : memref<10240xf32, #tpu.memory_space<vmem_shared>> -> memref<128xf32, #tpu.memory_space<vmem_shared>>
      %dma_start3A_131 = tpu.memref_slice %arg13[%add3A_89] : memref<10240xf32, #tpu.memory_space<vmem_shared>> -> memref<128xf32, #tpu.memory_space<vmem_shared>>
      tpu.enqueue_dma source(%arg11 : memref<128xf32, #tpu.memory_space<vmem>>) target(%dma_start3A_131 : memref<128xf32, #tpu.memory_space<vmem_shared>>) target_semaphore(%run_scoped3A_130 : memref<!tpu.dma_semaphore, #tpu.memory_space<semaphore_mem>>)
      %dma_wait3A = tpu.memref_slice %arg13[%add3A_89] : memref<10240xf32, #tpu.memory_space<vmem_shared>> -> memref<128xf32, #tpu.memory_space<vmem_shared>>
      %dma_wait3A_132 = tpu.memref_slice %arg13[%add3A_89] : memref<10240xf32, #tpu.memory_space<vmem_shared>> -> memref<128xf32, #tpu.memory_space<vmem_shared>>
      tpu.wait_dma2 semaphore(%run_scoped3A_130 : memref<!tpu.dma_semaphore, #tpu.memory_space<semaphore_mem>>) src(%arg11 : memref<128xf32, #tpu.memory_space<vmem>>) dst(%dma_wait3A_132 : memref<128xf32, #tpu.memory_space<vmem_shared>>)
      tpu.yield
    }) : () -> ()
    %add3A_90 = arith.constant 384 : i32
    %add3A_91 = arith.addi %multiple_of3A, %add3A_90 : i32
    "tpu.region"() ({
      %run_scoped3A_130 = tpu.sem_alloc : memref<!tpu.dma_semaphore, #tpu.memory_space<semaphore_mem>>
      %dma_start3A = tpu.memref_slice %arg13[%add3A_91] : memref<10240xf32, #tpu.memory_space<vmem_shared>> -> memref<128xf32, #tpu.memory_space<vmem_shared>>
      %dma_start3A_131 = tpu.memref_slice %arg13[%add3A_91] : memref<10240xf32, #tpu.memory_space<vmem_shared>> -> memref<128xf32, #tpu.memory_space<vmem_shared>>
      tpu.enqueue_dma source(%arg11 : memref<128xf32, #tpu.memory_space<vmem>>) target(%dma_start3A_131 : memref<128xf32, #tpu.memory_space<vmem_shared>>) target_semaphore(%run_scoped3A_130 : memref<!tpu.dma_semaphore, #tpu.memory_space<semaphore_mem>>)
      %dma_wait3A = tpu.memref_slice %arg13[%add3A_91] : memref<10240xf32, #tpu.memory_space<vmem_shared>> -> memref<128xf32, #tpu.memory_space<vmem_shared>>
      %dma_wait3A_132 = tpu.memref_slice %arg13[%add3A_91] : memref<10240xf32, #tpu.memory_space<vmem_shared>> -> memref<128xf32, #tpu.memory_space<vmem_shared>>
      tpu.wait_dma2 semaphore(%run_scoped3A_130 : memref<!tpu.dma_semaphore, #tpu.memory_space<semaphore_mem>>) src(%arg11 : memref<128xf32, #tpu.memory_space<vmem>>) dst(%dma_wait3A_132 : memref<128xf32, #tpu.memory_space<vmem_shared>>)
      tpu.yield
    }) : () -> ()
    %add3A_92 = arith.constant 512 : i32
    %add3A_93 = arith.addi %multiple_of3A, %add3A_92 : i32
    "tpu.region"() ({
      %run_scoped3A_130 = tpu.sem_alloc : memref<!tpu.dma_semaphore, #tpu.memory_space<semaphore_mem>>
      %dma_start3A = tpu.memref_slice %arg13[%add3A_93] : memref<10240xf32, #tpu.memory_space<vmem_shared>> -> memref<128xf32, #tpu.memory_space<vmem_shared>>
      %dma_start3A_131 = tpu.memref_slice %arg13[%add3A_93] : memref<10240xf32, #tpu.memory_space<vmem_shared>> -> memref<128xf32, #tpu.memory_space<vmem_shared>>
      tpu.enqueue_dma source(%arg11 : memref<128xf32, #tpu.memory_space<vmem>>) target(%dma_start3A_131 : memref<128xf32, #tpu.memory_space<vmem_shared>>) target_semaphore(%run_scoped3A_130 : memref<!tpu.dma_semaphore, #tpu.memory_space<semaphore_mem>>)
      %dma_wait3A = tpu.memref_slice %arg13[%add3A_93] : memref<10240xf32, #tpu.memory_space<vmem_shared>> -> memref<128xf32, #tpu.memory_space<vmem_shared>>
      %dma_wait3A_132 = tpu.memref_slice %arg13[%add3A_93] : memref<10240xf32, #tpu.memory_space<vmem_shared>> -> memref<128xf32, #tpu.memory_space<vmem_shared>>
      tpu.wait_dma2 semaphore(%run_scoped3A_130 : memref<!tpu.dma_semaphore, #tpu.memory_space<semaphore_mem>>) src(%arg11 : memref<128xf32, #tpu.memory_space<vmem>>) dst(%dma_wait3A_132 : memref<128xf32, #tpu.memory_space<vmem_shared>>)
      tpu.yield
    }) : () -> ()
    %barrier3A = arith.constant 0 : index
    tpu.barrier barrier_id(%barrier3A)
    %run_scoped3A = arith.constant 0 : i32
    "tpu.region"() ({
      %run_scoped3A_130 = tpu.sem_alloc : memref<!tpu.dma_semaphore, #tpu.memory_space<semaphore_mem>>
      %dma_start3A = arith.constant 0 : i32
      %dma_start3A_131 = arith.constant 0 : i32
      %dma_start3A_132 = tpu.memref_slice %arg6[%dma_start3A, %dma_start3A_131] : memref<40x128xi32, #tpu.memory_space<vmem>> -> memref<40x128xi32, #tpu.memory_space<vmem>>
      %dma_start3A_133 = arith.constant 0 : i32
      %dma_start3A_134 = arith.constant 0 : i32
      %dma_start3A_135 = tpu.memref_slice %arg3[%run_scoped3A, %add3A, %dma_start3A_133, %dma_start3A_134] : memref<2x32x80x128xi32, #tpu.memory_space<hbm>> -> memref<1x1x40x128xi32, #tpu.memory_space<hbm>>
      %dma_start3A_136 = tpu.memref_squeeze %dma_start3A_135 : memref<1x1x40x128xi32, #tpu.memory_space<hbm>> -> memref<40x128xi32, #tpu.memory_space<hbm>>
      %dma_start3A_137 = arith.constant 0 : i32
      %dma_start3A_138 = arith.constant 0 : i32
      %dma_start3A_139 = tpu.memref_slice %arg6[%dma_start3A_137, %dma_start3A_138] : memref<40x128xi32, #tpu.memory_space<vmem>> -> memref<40x128xi32, #tpu.memory_space<vmem>>
      %dma_start3A_140 = arith.constant 0 : i32
      %dma_start3A_141 = arith.constant 0 : i32
      %dma_start3A_142 = tpu.memref_slice %arg3[%run_scoped3A, %add3A, %dma_start3A_140, %dma_start3A_141] : memref<2x32x80x128xi32, #tpu.memory_space<hbm>> -> memref<1x1x40x128xi32, #tpu.memory_space<hbm>>
      %dma_start3A_143 = tpu.memref_squeeze %dma_start3A_142 : memref<1x1x40x128xi32, #tpu.memory_space<hbm>> -> memref<40x128xi32, #tpu.memory_space<hbm>>
      tpu.enqueue_dma source(%dma_start3A_143 : memref<40x128xi32, #tpu.memory_space<hbm>>) target(%dma_start3A_139 : memref<40x128xi32, #tpu.memory_space<vmem>>) target_semaphore(%run_scoped3A_130 : memref<!tpu.dma_semaphore, #tpu.memory_space<semaphore_mem>>)
      %dma_wait3A = arith.constant 0 : i32
      %dma_wait3A_144 = arith.constant 0 : i32
      %dma_wait3A_145 = tpu.memref_slice %arg6[%dma_wait3A, %dma_wait3A_144] : memref<40x128xi32, #tpu.memory_space<vmem>> -> memref<40x128xi32, #tpu.memory_space<vmem>>
      %dma_wait3A_146 = arith.constant 0 : i32
      %dma_wait3A_147 = arith.constant 0 : i32
      %dma_wait3A_148 = tpu.memref_slice %arg3[%run_scoped3A, %add3A, %dma_wait3A_146, %dma_wait3A_147] : memref<2x32x80x128xi32, #tpu.memory_space<hbm>> -> memref<1x1x40x128xi32, #tpu.memory_space<hbm>>
      %dma_wait3A_149 = tpu.memref_squeeze %dma_wait3A_148 : memref<1x1x40x128xi32, #tpu.memory_space<hbm>> -> memref<40x128xi32, #tpu.memory_space<hbm>>
      %dma_wait3A_150 = arith.constant 0 : i32
      %dma_wait3A_151 = arith.constant 0 : i32
      %dma_wait3A_152 = tpu.memref_slice %arg6[%dma_wait3A_150, %dma_wait3A_151] : memref<40x128xi32, #tpu.memory_space<vmem>> -> memref<40x128xi32, #tpu.memory_space<vmem>>
      %dma_wait3A_153 = arith.constant 0 : i32
      %dma_wait3A_154 = arith.constant 0 : i32
      %dma_wait3A_155 = tpu.memref_slice %arg3[%run_scoped3A, %add3A, %dma_wait3A_153, %dma_wait3A_154] : memref<2x32x80x128xi32, #tpu.memory_space<hbm>> -> memref<1x1x40x128xi32, #tpu.memory_space<hbm>>
      %dma_wait3A_156 = tpu.memref_squeeze %dma_wait3A_155 : memref<1x1x40x128xi32, #tpu.memory_space<hbm>> -> memref<40x128xi32, #tpu.memory_space<hbm>>
      tpu.wait_dma2 semaphore(%run_scoped3A_130 : memref<!tpu.dma_semaphore, #tpu.memory_space<semaphore_mem>>) src(%dma_wait3A_156 : memref<40x128xi32, #tpu.memory_space<hbm>>) dst(%dma_wait3A_152 : memref<40x128xi32, #tpu.memory_space<vmem>>)
      tpu.yield
    }) : () -> ()
    %run_scoped3A_94 = arith.constant 1 : i32
    "tpu.region"() ({
      %run_scoped3A_130 = tpu.sem_alloc : memref<!tpu.dma_semaphore, #tpu.memory_space<semaphore_mem>>
      %dma_start3A = arith.constant 0 : i32
      %dma_start3A_131 = arith.constant 0 : i32
      %dma_start3A_132 = tpu.memref_slice %arg7[%dma_start3A, %dma_start3A_131] : memref<40x128xi32, #tpu.memory_space<vmem>> -> memref<40x128xi32, #tpu.memory_space<vmem>>
      %dma_start3A_133 = arith.constant 0 : i32
      %dma_start3A_134 = arith.constant 0 : i32
      %dma_start3A_135 = tpu.memref_slice %arg3[%run_scoped3A_94, %add3A, %dma_start3A_133, %dma_start3A_134] : memref<2x32x80x128xi32, #tpu.memory_space<hbm>> -> memref<1x1x40x128xi32, #tpu.memory_space<hbm>>
      %dma_start3A_136 = tpu.memref_squeeze %dma_start3A_135 : memref<1x1x40x128xi32, #tpu.memory_space<hbm>> -> memref<40x128xi32, #tpu.memory_space<hbm>>
      %dma_start3A_137 = arith.constant 0 : i32
      %dma_start3A_138 = arith.constant 0 : i32
      %dma_start3A_139 = tpu.memref_slice %arg7[%dma_start3A_137, %dma_start3A_138] : memref<40x128xi32, #tpu.memory_space<vmem>> -> memref<40x128xi32, #tpu.memory_space<vmem>>
      %dma_start3A_140 = arith.constant 0 : i32
      %dma_start3A_141 = arith.constant 0 : i32
      %dma_start3A_142 = tpu.memref_slice %arg3[%run_scoped3A_94, %add3A, %dma_start3A_140, %dma_start3A_141] : memref<2x32x80x128xi32, #tpu.memory_space<hbm>> -> memref<1x1x40x128xi32, #tpu.memory_space<hbm>>
      %dma_start3A_143 = tpu.memref_squeeze %dma_start3A_142 : memref<1x1x40x128xi32, #tpu.memory_space<hbm>> -> memref<40x128xi32, #tpu.memory_space<hbm>>
      tpu.enqueue_dma source(%dma_start3A_143 : memref<40x128xi32, #tpu.memory_space<hbm>>) target(%dma_start3A_139 : memref<40x128xi32, #tpu.memory_space<vmem>>) target_semaphore(%run_scoped3A_130 : memref<!tpu.dma_semaphore, #tpu.memory_space<semaphore_mem>>)
      %dma_wait3A = arith.constant 0 : i32
      %dma_wait3A_144 = arith.constant 0 : i32
      %dma_wait3A_145 = tpu.memref_slice %arg7[%dma_wait3A, %dma_wait3A_144] : memref<40x128xi32, #tpu.memory_space<vmem>> -> memref<40x128xi32, #tpu.memory_space<vmem>>
      %dma_wait3A_146 = arith.constant 0 : i32
      %dma_wait3A_147 = arith.constant 0 : i32
      %dma_wait3A_148 = tpu.memref_slice %arg3[%run_scoped3A_94, %add3A, %dma_wait3A_146, %dma_wait3A_147] : memref<2x32x80x128xi32, #tpu.memory_space<hbm>> -> memref<1x1x40x128xi32, #tpu.memory_space<hbm>>
      %dma_wait3A_149 = tpu.memref_squeeze %dma_wait3A_148 : memref<1x1x40x128xi32, #tpu.memory_space<hbm>> -> memref<40x128xi32, #tpu.memory_space<hbm>>
      %dma_wait3A_150 = arith.constant 0 : i32
      %dma_wait3A_151 = arith.constant 0 : i32
      %dma_wait3A_152 = tpu.memref_slice %arg7[%dma_wait3A_150, %dma_wait3A_151] : memref<40x128xi32, #tpu.memory_space<vmem>> -> memref<40x128xi32, #tpu.memory_space<vmem>>
      %dma_wait3A_153 = arith.constant 0 : i32
      %dma_wait3A_154 = arith.constant 0 : i32
      %dma_wait3A_155 = tpu.memref_slice %arg3[%run_scoped3A_94, %add3A, %dma_wait3A_153, %dma_wait3A_154] : memref<2x32x80x128xi32, #tpu.memory_space<hbm>> -> memref<1x1x40x128xi32, #tpu.memory_space<hbm>>
      %dma_wait3A_156 = tpu.memref_squeeze %dma_wait3A_155 : memref<1x1x40x128xi32, #tpu.memory_space<hbm>> -> memref<40x128xi32, #tpu.memory_space<hbm>>
      tpu.wait_dma2 semaphore(%run_scoped3A_130 : memref<!tpu.dma_semaphore, #tpu.memory_space<semaphore_mem>>) src(%dma_wait3A_156 : memref<40x128xi32, #tpu.memory_space<hbm>>) dst(%dma_wait3A_152 : memref<40x128xi32, #tpu.memory_space<vmem>>)
      tpu.yield
    }) : () -> ()
    %scan3A_95 = arith.constant 0 : i32
    %scan3A_96 = arith.constant 0 : i32
    %scan3A_97 = arith.constant 20 : i32
    %scan3A_98 = arith.addi %scan3A_96, %scan3A_97 : i32
    %scan3A_99 = arith.constant 1 : i32
    scf.for %scan3A_130 = %scan3A_96 to %scan3A_98 step %scan3A_99  : i32 {
      %mul3A_131 = arith.constant 2 : i32
      %mul3A_132 = arith.muli %scan3A_130, %mul3A_131 : i32
      %add3A_133 = arith.constant 0 : i32
      %add3A_134 = arith.addi %mul3A_132, %add3A_133 : i32
      %dma_start3A = arith.constant 0 : i32
      %dma_start3A_135 = tpu.memref_slice %arg6[%add3A_134, %dma_start3A] : memref<40x128xi32, #tpu.memory_space<vmem>> -> memref<1x128xi32, #tpu.memory_space<vmem>>
      %dma_start3A_136 = tpu.memref_squeeze %dma_start3A_135 : memref<1x128xi32, #tpu.memory_space<vmem>> -> memref<128xi32, #tpu.memory_space<vmem>>
      %dma_start3A_137 = arith.constant 0 : i32
      %dma_start3A_138 = arith.constant 0 : i32
      %dma_start3A_139 = tpu.memref_slice %arg2[%dma_start3A_137, %dma_start3A_138] : memref<10240x128xf32, #tpu.memory_space<hbm>> -> memref<10240x128xf32, #tpu.memory_space<hbm>>
      tpu.enqueue_indirect_dma source(%dma_start3A_139 : memref<10240x128xf32, #tpu.memory_space<hbm>>) target(%arg8 : memref<128x128xf32, #tpu.memory_space<vmem>>) offsets(%dma_start3A_136 : memref<128xi32, #tpu.memory_space<vmem>>) semaphore(%arg14 : memref<!tpu.dma_semaphore, #tpu.memory_space<semaphore_mem>>)
      %mul3A_140 = arith.constant 2 : i32
      %mul3A_141 = arith.muli %scan3A_130, %mul3A_140 : i32
      %add3A_142 = arith.constant 1 : i32
      %add3A_143 = arith.addi %mul3A_141, %add3A_142 : i32
      %dma_start3A_144 = arith.constant 0 : i32
      %dma_start3A_145 = tpu.memref_slice %arg6[%add3A_143, %dma_start3A_144] : memref<40x128xi32, #tpu.memory_space<vmem>> -> memref<1x128xi32, #tpu.memory_space<vmem>>
      %dma_start3A_146 = tpu.memref_squeeze %dma_start3A_145 : memref<1x128xi32, #tpu.memory_space<vmem>> -> memref<128xi32, #tpu.memory_space<vmem>>
      %dma_start3A_147 = arith.constant 0 : i32
      %dma_start3A_148 = arith.constant 0 : i32
      %dma_start3A_149 = tpu.memref_slice %arg2[%dma_start3A_147, %dma_start3A_148] : memref<10240x128xf32, #tpu.memory_space<hbm>> -> memref<10240x128xf32, #tpu.memory_space<hbm>>
      tpu.enqueue_indirect_dma source(%dma_start3A_149 : memref<10240x128xf32, #tpu.memory_space<hbm>>) target(%arg9 : memref<128x128xf32, #tpu.memory_space<vmem>>) offsets(%dma_start3A_146 : memref<128xi32, #tpu.memory_space<vmem>>) semaphore(%arg15 : memref<!tpu.dma_semaphore, #tpu.memory_space<semaphore_mem>>)
      %dma_wait3A = arith.constant 0 : i32
      %dma_wait3A_150 = tpu.memref_slice %arg6[%add3A_134, %dma_wait3A] : memref<40x128xi32, #tpu.memory_space<vmem>> -> memref<1x128xi32, #tpu.memory_space<vmem>>
      %dma_wait3A_151 = tpu.memref_squeeze %dma_wait3A_150 : memref<1x128xi32, #tpu.memory_space<vmem>> -> memref<128xi32, #tpu.memory_space<vmem>>
      %dma_wait3A_152 = arith.constant 0 : i32
      %dma_wait3A_153 = arith.constant 0 : i32
      %dma_wait3A_154 = tpu.memref_slice %arg2[%dma_wait3A_152, %dma_wait3A_153] : memref<10240x128xf32, #tpu.memory_space<hbm>> -> memref<10240x128xf32, #tpu.memory_space<hbm>>
      tpu.wait_indirect_dma semaphore(%arg14 : memref<!tpu.dma_semaphore, #tpu.memory_space<semaphore_mem>>) src(%dma_wait3A_154 : memref<10240x128xf32, #tpu.memory_space<hbm>>) dst(%arg8 : memref<128x128xf32, #tpu.memory_space<vmem>>)
      %mul3A_155 = arith.constant 2 : i32
      %mul3A_156 = arith.muli %scan3A_130, %mul3A_155 : i32
      %add3A_157 = arith.constant 0 : i32
      %add3A_158 = arith.addi %mul3A_156, %add3A_157 : i32
      %dma_start3A_159 = arith.constant 0 : i32
      %dma_start3A_160 = tpu.memref_slice %arg7[%add3A_158, %dma_start3A_159] : memref<40x128xi32, #tpu.memory_space<vmem>> -> memref<1x128xi32, #tpu.memory_space<vmem>>
      %dma_start3A_161 = tpu.memref_squeeze %dma_start3A_160 : memref<1x128xi32, #tpu.memory_space<vmem>> -> memref<128xi32, #tpu.memory_space<vmem>>
      %dma_start3A_162 = arith.constant 0 : i32
      %dma_start3A_163 = arith.constant 0 : i32
      %dma_start3A_164 = tpu.memref_slice %arg12[%dma_start3A_162, %dma_start3A_163] : memref<10240x128xf32, #tpu.memory_space<vmem_shared>> -> memref<10240x128xf32, #tpu.memory_space<vmem_shared>>
      tpu.enqueue_indirect_dma source(%arg8 : memref<128x128xf32, #tpu.memory_space<vmem>>) target(%dma_start3A_164 : memref<10240x128xf32, #tpu.memory_space<vmem_shared>>) offsets(%dma_start3A_161 : memref<128xi32, #tpu.memory_space<vmem>>) semaphore(%arg16 : memref<!tpu.dma_semaphore, #tpu.memory_space<semaphore_mem>>) {add = true}
      %mul3A_165 = arith.constant 2 : i32
      %mul3A_166 = arith.muli %scan3A_130, %mul3A_165 : i32
      %add3A_167 = arith.constant 0 : i32
      %add3A_168 = arith.addi %mul3A_166, %add3A_167 : i32
      %dma_start3A_169 = arith.constant 0 : i32
      %dma_start3A_170 = tpu.memref_slice %arg7[%add3A_168, %dma_start3A_169] : memref<40x128xi32, #tpu.memory_space<vmem>> -> memref<1x128xi32, #tpu.memory_space<vmem>>
      %dma_start3A_171 = tpu.memref_squeeze %dma_start3A_170 : memref<1x128xi32, #tpu.memory_space<vmem>> -> memref<128xi32, #tpu.memory_space<vmem>>
      %dma_start3A_172 = arith.constant 0 : i32
      %dma_start3A_173 = tpu.memref_slice %arg13[%dma_start3A_172] : memref<10240xf32, #tpu.memory_space<vmem_shared>> -> memref<10240xf32, #tpu.memory_space<vmem_shared>>
      tpu.enqueue_indirect_dma source(%arg10 : memref<128xf32, #tpu.memory_space<vmem>>) target(%dma_start3A_173 : memref<10240xf32, #tpu.memory_space<vmem_shared>>) offsets(%dma_start3A_171 : memref<128xi32, #tpu.memory_space<vmem>>) semaphore(%arg18 : memref<!tpu.dma_semaphore, #tpu.memory_space<semaphore_mem>>) {add = true}
      %dma_wait3A_174 = arith.constant 0 : i32
      %dma_wait3A_175 = tpu.memref_slice %arg6[%add3A_143, %dma_wait3A_174] : memref<40x128xi32, #tpu.memory_space<vmem>> -> memref<1x128xi32, #tpu.memory_space<vmem>>
      %dma_wait3A_176 = tpu.memref_squeeze %dma_wait3A_175 : memref<1x128xi32, #tpu.memory_space<vmem>> -> memref<128xi32, #tpu.memory_space<vmem>>
      %dma_wait3A_177 = arith.constant 0 : i32
      %dma_wait3A_178 = arith.constant 0 : i32
      %dma_wait3A_179 = tpu.memref_slice %arg2[%dma_wait3A_177, %dma_wait3A_178] : memref<10240x128xf32, #tpu.memory_space<hbm>> -> memref<10240x128xf32, #tpu.memory_space<hbm>>
      tpu.wait_indirect_dma semaphore(%arg15 : memref<!tpu.dma_semaphore, #tpu.memory_space<semaphore_mem>>) src(%dma_wait3A_179 : memref<10240x128xf32, #tpu.memory_space<hbm>>) dst(%arg9 : memref<128x128xf32, #tpu.memory_space<vmem>>)
      %mul3A_180 = arith.constant 2 : i32
      %mul3A_181 = arith.muli %scan3A_130, %mul3A_180 : i32
      %add3A_182 = arith.constant 1 : i32
      %add3A_183 = arith.addi %mul3A_181, %add3A_182 : i32
      %dma_start3A_184 = arith.constant 0 : i32
      %dma_start3A_185 = tpu.memref_slice %arg7[%add3A_183, %dma_start3A_184] : memref<40x128xi32, #tpu.memory_space<vmem>> -> memref<1x128xi32, #tpu.memory_space<vmem>>
      %dma_start3A_186 = tpu.memref_squeeze %dma_start3A_185 : memref<1x128xi32, #tpu.memory_space<vmem>> -> memref<128xi32, #tpu.memory_space<vmem>>
      %dma_start3A_187 = arith.constant 0 : i32
      %dma_start3A_188 = arith.constant 0 : i32
      %dma_start3A_189 = tpu.memref_slice %arg12[%dma_start3A_187, %dma_start3A_188] : memref<10240x128xf32, #tpu.memory_space<vmem_shared>> -> memref<10240x128xf32, #tpu.memory_space<vmem_shared>>
      tpu.enqueue_indirect_dma source(%arg9 : memref<128x128xf32, #tpu.memory_space<vmem>>) target(%dma_start3A_189 : memref<10240x128xf32, #tpu.memory_space<vmem_shared>>) offsets(%dma_start3A_186 : memref<128xi32, #tpu.memory_space<vmem>>) semaphore(%arg17 : memref<!tpu.dma_semaphore, #tpu.memory_space<semaphore_mem>>) {add = true}
      %mul3A_190 = arith.constant 2 : i32
      %mul3A_191 = arith.muli %scan3A_130, %mul3A_190 : i32
      %add3A_192 = arith.constant 1 : i32
      %add3A_193 = arith.addi %mul3A_191, %add3A_192 : i32
      %dma_start3A_194 = arith.constant 0 : i32
      %dma_start3A_195 = tpu.memref_slice %arg7[%add3A_193, %dma_start3A_194] : memref<40x128xi32, #tpu.memory_space<vmem>> -> memref<1x128xi32, #tpu.memory_space<vmem>>
      %dma_start3A_196 = tpu.memref_squeeze %dma_start3A_195 : memref<1x128xi32, #tpu.memory_space<vmem>> -> memref<128xi32, #tpu.memory_space<vmem>>
      %dma_start3A_197 = arith.constant 0 : i32
      %dma_start3A_198 = tpu.memref_slice %arg13[%dma_start3A_197] : memref<10240xf32, #tpu.memory_space<vmem_shared>> -> memref<10240xf32, #tpu.memory_space<vmem_shared>>
      tpu.enqueue_indirect_dma source(%arg10 : memref<128xf32, #tpu.memory_space<vmem>>) target(%dma_start3A_198 : memref<10240xf32, #tpu.memory_space<vmem_shared>>) offsets(%dma_start3A_196 : memref<128xi32, #tpu.memory_space<vmem>>) semaphore(%arg18 : memref<!tpu.dma_semaphore, #tpu.memory_space<semaphore_mem>>) {add = true}
      %dma_wait3A_199 = arith.constant 0 : i32
      %dma_wait3A_200 = tpu.memref_slice %arg7[%add3A_158, %dma_wait3A_199] : memref<40x128xi32, #tpu.memory_space<vmem>> -> memref<1x128xi32, #tpu.memory_space<vmem>>
      %dma_wait3A_201 = tpu.memref_squeeze %dma_wait3A_200 : memref<1x128xi32, #tpu.memory_space<vmem>> -> memref<128xi32, #tpu.memory_space<vmem>>
      %dma_wait3A_202 = arith.constant 0 : i32
      %dma_wait3A_203 = arith.constant 0 : i32
      %dma_wait3A_204 = tpu.memref_slice %arg12[%dma_wait3A_202, %dma_wait3A_203] : memref<10240x128xf32, #tpu.memory_space<vmem_shared>> -> memref<10240x128xf32, #tpu.memory_space<vmem_shared>>
      tpu.wait_indirect_dma semaphore(%arg16 : memref<!tpu.dma_semaphore, #tpu.memory_space<semaphore_mem>>) src(%arg8 : memref<128x128xf32, #tpu.memory_space<vmem>>) dst(%dma_wait3A_204 : memref<10240x128xf32, #tpu.memory_space<vmem_shared>>)
      %dma_wait3A_205 = arith.constant 0 : i32
      %dma_wait3A_206 = tpu.memref_slice %arg7[%add3A_168, %dma_wait3A_205] : memref<40x128xi32, #tpu.memory_space<vmem>> -> memref<1x128xi32, #tpu.memory_space<vmem>>
      %dma_wait3A_207 = tpu.memref_squeeze %dma_wait3A_206 : memref<1x128xi32, #tpu.memory_space<vmem>> -> memref<128xi32, #tpu.memory_space<vmem>>
      %dma_wait3A_208 = arith.constant 0 : i32
      %dma_wait3A_209 = tpu.memref_slice %arg13[%dma_wait3A_208] : memref<10240xf32, #tpu.memory_space<vmem_shared>> -> memref<10240xf32, #tpu.memory_space<vmem_shared>>
      tpu.wait_indirect_dma semaphore(%arg18 : memref<!tpu.dma_semaphore, #tpu.memory_space<semaphore_mem>>) src(%arg10 : memref<128xf32, #tpu.memory_space<vmem>>) dst(%dma_wait3A_209 : memref<10240xf32, #tpu.memory_space<vmem_shared>>)
      %dma_wait3A_210 = arith.constant 0 : i32
      %dma_wait3A_211 = tpu.memref_slice %arg7[%add3A_183, %dma_wait3A_210] : memref<40x128xi32, #tpu.memory_space<vmem>> -> memref<1x128xi32, #tpu.memory_space<vmem>>
      %dma_wait3A_212 = tpu.memref_squeeze %dma_wait3A_211 : memref<1x128xi32, #tpu.memory_space<vmem>> -> memref<128xi32, #tpu.memory_space<vmem>>
      %dma_wait3A_213 = arith.constant 0 : i32
      %dma_wait3A_214 = arith.constant 0 : i32
      %dma_wait3A_215 = tpu.memref_slice %arg12[%dma_wait3A_213, %dma_wait3A_214] : memref<10240x128xf32, #tpu.memory_space<vmem_shared>> -> memref<10240x128xf32, #tpu.memory_space<vmem_shared>>
      tpu.wait_indirect_dma semaphore(%arg17 : memref<!tpu.dma_semaphore, #tpu.memory_space<semaphore_mem>>) src(%arg9 : memref<128x128xf32, #tpu.memory_space<vmem>>) dst(%dma_wait3A_215 : memref<10240x128xf32, #tpu.memory_space<vmem_shared>>)
      %dma_wait3A_216 = arith.constant 0 : i32
      %dma_wait3A_217 = tpu.memref_slice %arg7[%add3A_193, %dma_wait3A_216] : memref<40x128xi32, #tpu.memory_space<vmem>> -> memref<1x128xi32, #tpu.memory_space<vmem>>
      %dma_wait3A_218 = tpu.memref_squeeze %dma_wait3A_217 : memref<1x128xi32, #tpu.memory_space<vmem>> -> memref<128xi32, #tpu.memory_space<vmem>>
      %dma_wait3A_219 = arith.constant 0 : i32
      %dma_wait3A_220 = tpu.memref_slice %arg13[%dma_wait3A_219] : memref<10240xf32, #tpu.memory_space<vmem_shared>> -> memref<10240xf32, #tpu.memory_space<vmem_shared>>
      tpu.wait_indirect_dma semaphore(%arg18 : memref<!tpu.dma_semaphore, #tpu.memory_space<semaphore_mem>>) src(%arg10 : memref<128xf32, #tpu.memory_space<vmem>>) dst(%dma_wait3A_220 : memref<10240xf32, #tpu.memory_space<vmem_shared>>)
    }
    %scan3A_100 = arith.constant 20 : i32
    %run_scoped3A_101 = arith.constant 0 : i32
    "tpu.region"() ({
      %run_scoped3A_130 = tpu.sem_alloc : memref<!tpu.dma_semaphore, #tpu.memory_space<semaphore_mem>>
      %dma_start3A = arith.constant 0 : i32
      %dma_start3A_131 = arith.constant 0 : i32
      %dma_start3A_132 = tpu.memref_slice %arg6[%dma_start3A, %dma_start3A_131] : memref<40x128xi32, #tpu.memory_space<vmem>> -> memref<40x128xi32, #tpu.memory_space<vmem>>
      %dma_start3A_133 = arith.constant 40 : i32
      %dma_start3A_134 = arith.constant 0 : i32
      %dma_start3A_135 = tpu.memref_slice %arg3[%run_scoped3A_101, %add3A, %dma_start3A_133, %dma_start3A_134] : memref<2x32x80x128xi32, #tpu.memory_space<hbm>> -> memref<1x1x40x128xi32, #tpu.memory_space<hbm>>
      %dma_start3A_136 = tpu.memref_squeeze %dma_start3A_135 : memref<1x1x40x128xi32, #tpu.memory_space<hbm>> -> memref<40x128xi32, #tpu.memory_space<hbm>>
      %dma_start3A_137 = arith.constant 0 : i32
      %dma_start3A_138 = arith.constant 0 : i32
      %dma_start3A_139 = tpu.memref_slice %arg6[%dma_start3A_137, %dma_start3A_138] : memref<40x128xi32, #tpu.memory_space<vmem>> -> memref<40x128xi32, #tpu.memory_space<vmem>>
      %dma_start3A_140 = arith.constant 40 : i32
      %dma_start3A_141 = arith.constant 0 : i32
      %dma_start3A_142 = tpu.memref_slice %arg3[%run_scoped3A_101, %add3A, %dma_start3A_140, %dma_start3A_141] : memref<2x32x80x128xi32, #tpu.memory_space<hbm>> -> memref<1x1x40x128xi32, #tpu.memory_space<hbm>>
      %dma_start3A_143 = tpu.memref_squeeze %dma_start3A_142 : memref<1x1x40x128xi32, #tpu.memory_space<hbm>> -> memref<40x128xi32, #tpu.memory_space<hbm>>
      tpu.enqueue_dma source(%dma_start3A_143 : memref<40x128xi32, #tpu.memory_space<hbm>>) target(%dma_start3A_139 : memref<40x128xi32, #tpu.memory_space<vmem>>) target_semaphore(%run_scoped3A_130 : memref<!tpu.dma_semaphore, #tpu.memory_space<semaphore_mem>>)
      %dma_wait3A = arith.constant 0 : i32
      %dma_wait3A_144 = arith.constant 0 : i32
      %dma_wait3A_145 = tpu.memref_slice %arg6[%dma_wait3A, %dma_wait3A_144] : memref<40x128xi32, #tpu.memory_space<vmem>> -> memref<40x128xi32, #tpu.memory_space<vmem>>
      %dma_wait3A_146 = arith.constant 40 : i32
      %dma_wait3A_147 = arith.constant 0 : i32
      %dma_wait3A_148 = tpu.memref_slice %arg3[%run_scoped3A_101, %add3A, %dma_wait3A_146, %dma_wait3A_147] : memref<2x32x80x128xi32, #tpu.memory_space<hbm>> -> memref<1x1x40x128xi32, #tpu.memory_space<hbm>>
      %dma_wait3A_149 = tpu.memref_squeeze %dma_wait3A_148 : memref<1x1x40x128xi32, #tpu.memory_space<hbm>> -> memref<40x128xi32, #tpu.memory_space<hbm>>
      %dma_wait3A_150 = arith.constant 0 : i32
      %dma_wait3A_151 = arith.constant 0 : i32
      %dma_wait3A_152 = tpu.memref_slice %arg6[%dma_wait3A_150, %dma_wait3A_151] : memref<40x128xi32, #tpu.memory_space<vmem>> -> memref<40x128xi32, #tpu.memory_space<vmem>>
      %dma_wait3A_153 = arith.constant 40 : i32
      %dma_wait3A_154 = arith.constant 0 : i32
      %dma_wait3A_155 = tpu.memref_slice %arg3[%run_scoped3A_101, %add3A, %dma_wait3A_153, %dma_wait3A_154] : memref<2x32x80x128xi32, #tpu.memory_space<hbm>> -> memref<1x1x40x128xi32, #tpu.memory_space<hbm>>
      %dma_wait3A_156 = tpu.memref_squeeze %dma_wait3A_155 : memref<1x1x40x128xi32, #tpu.memory_space<hbm>> -> memref<40x128xi32, #tpu.memory_space<hbm>>
      tpu.wait_dma2 semaphore(%run_scoped3A_130 : memref<!tpu.dma_semaphore, #tpu.memory_space<semaphore_mem>>) src(%dma_wait3A_156 : memref<40x128xi32, #tpu.memory_space<hbm>>) dst(%dma_wait3A_152 : memref<40x128xi32, #tpu.memory_space<vmem>>)
      tpu.yield
    }) : () -> ()
    %run_scoped3A_102 = arith.constant 1 : i32
    "tpu.region"() ({
      %run_scoped3A_130 = tpu.sem_alloc : memref<!tpu.dma_semaphore, #tpu.memory_space<semaphore_mem>>
      %dma_start3A = arith.constant 0 : i32
      %dma_start3A_131 = arith.constant 0 : i32
      %dma_start3A_132 = tpu.memref_slice %arg7[%dma_start3A, %dma_start3A_131] : memref<40x128xi32, #tpu.memory_space<vmem>> -> memref<40x128xi32, #tpu.memory_space<vmem>>
      %dma_start3A_133 = arith.constant 40 : i32
      %dma_start3A_134 = arith.constant 0 : i32
      %dma_start3A_135 = tpu.memref_slice %arg3[%run_scoped3A_102, %add3A, %dma_start3A_133, %dma_start3A_134] : memref<2x32x80x128xi32, #tpu.memory_space<hbm>> -> memref<1x1x40x128xi32, #tpu.memory_space<hbm>>
      %dma_start3A_136 = tpu.memref_squeeze %dma_start3A_135 : memref<1x1x40x128xi32, #tpu.memory_space<hbm>> -> memref<40x128xi32, #tpu.memory_space<hbm>>
      %dma_start3A_137 = arith.constant 0 : i32
      %dma_start3A_138 = arith.constant 0 : i32
      %dma_start3A_139 = tpu.memref_slice %arg7[%dma_start3A_137, %dma_start3A_138] : memref<40x128xi32, #tpu.memory_space<vmem>> -> memref<40x128xi32, #tpu.memory_space<vmem>>
      %dma_start3A_140 = arith.constant 40 : i32
      %dma_start3A_141 = arith.constant 0 : i32
      %dma_start3A_142 = tpu.memref_slice %arg3[%run_scoped3A_102, %add3A, %dma_start3A_140, %dma_start3A_141] : memref<2x32x80x128xi32, #tpu.memory_space<hbm>> -> memref<1x1x40x128xi32, #tpu.memory_space<hbm>>
      %dma_start3A_143 = tpu.memref_squeeze %dma_start3A_142 : memref<1x1x40x128xi32, #tpu.memory_space<hbm>> -> memref<40x128xi32, #tpu.memory_space<hbm>>
      tpu.enqueue_dma source(%dma_start3A_143 : memref<40x128xi32, #tpu.memory_space<hbm>>) target(%dma_start3A_139 : memref<40x128xi32, #tpu.memory_space<vmem>>) target_semaphore(%run_scoped3A_130 : memref<!tpu.dma_semaphore, #tpu.memory_space<semaphore_mem>>)
      %dma_wait3A = arith.constant 0 : i32
      %dma_wait3A_144 = arith.constant 0 : i32
      %dma_wait3A_145 = tpu.memref_slice %arg7[%dma_wait3A, %dma_wait3A_144] : memref<40x128xi32, #tpu.memory_space<vmem>> -> memref<40x128xi32, #tpu.memory_space<vmem>>
      %dma_wait3A_146 = arith.constant 40 : i32
      %dma_wait3A_147 = arith.constant 0 : i32
      %dma_wait3A_148 = tpu.memref_slice %arg3[%run_scoped3A_102, %add3A, %dma_wait3A_146, %dma_wait3A_147] : memref<2x32x80x128xi32, #tpu.memory_space<hbm>> -> memref<1x1x40x128xi32, #tpu.memory_space<hbm>>
      %dma_wait3A_149 = tpu.memref_squeeze %dma_wait3A_148 : memref<1x1x40x128xi32, #tpu.memory_space<hbm>> -> memref<40x128xi32, #tpu.memory_space<hbm>>
      %dma_wait3A_150 = arith.constant 0 : i32
      %dma_wait3A_151 = arith.constant 0 : i32
      %dma_wait3A_152 = tpu.memref_slice %arg7[%dma_wait3A_150, %dma_wait3A_151] : memref<40x128xi32, #tpu.memory_space<vmem>> -> memref<40x128xi32, #tpu.memory_space<vmem>>
      %dma_wait3A_153 = arith.constant 40 : i32
      %dma_wait3A_154 = arith.constant 0 : i32
      %dma_wait3A_155 = tpu.memref_slice %arg3[%run_scoped3A_102, %add3A, %dma_wait3A_153, %dma_wait3A_154] : memref<2x32x80x128xi32, #tpu.memory_space<hbm>> -> memref<1x1x40x128xi32, #tpu.memory_space<hbm>>
      %dma_wait3A_156 = tpu.memref_squeeze %dma_wait3A_155 : memref<1x1x40x128xi32, #tpu.memory_space<hbm>> -> memref<40x128xi32, #tpu.memory_space<hbm>>
      tpu.wait_dma2 semaphore(%run_scoped3A_130 : memref<!tpu.dma_semaphore, #tpu.memory_space<semaphore_mem>>) src(%dma_wait3A_156 : memref<40x128xi32, #tpu.memory_space<hbm>>) dst(%dma_wait3A_152 : memref<40x128xi32, #tpu.memory_space<vmem>>)
      tpu.yield
    }) : () -> ()
    %scan3A_103 = arith.constant 0 : i32
    %scan3A_104 = arith.constant 0 : i32
    %scan3A_105 = arith.constant 20 : i32
    %scan3A_106 = arith.addi %scan3A_104, %scan3A_105 : i32
    %scan3A_107 = arith.constant 1 : i32
    scf.for %scan3A_130 = %scan3A_104 to %scan3A_106 step %scan3A_107  : i32 {
      %mul3A_131 = arith.constant 2 : i32
      %mul3A_132 = arith.muli %scan3A_130, %mul3A_131 : i32
      %add3A_133 = arith.constant 0 : i32
      %add3A_134 = arith.addi %mul3A_132, %add3A_133 : i32
      %dma_start3A = arith.constant 0 : i32
      %dma_start3A_135 = tpu.memref_slice %arg6[%add3A_134, %dma_start3A] : memref<40x128xi32, #tpu.memory_space<vmem>> -> memref<1x128xi32, #tpu.memory_space<vmem>>
      %dma_start3A_136 = tpu.memref_squeeze %dma_start3A_135 : memref<1x128xi32, #tpu.memory_space<vmem>> -> memref<128xi32, #tpu.memory_space<vmem>>
      %dma_start3A_137 = arith.constant 0 : i32
      %dma_start3A_138 = arith.constant 0 : i32
      %dma_start3A_139 = tpu.memref_slice %arg2[%dma_start3A_137, %dma_start3A_138] : memref<10240x128xf32, #tpu.memory_space<hbm>> -> memref<10240x128xf32, #tpu.memory_space<hbm>>
      tpu.enqueue_indirect_dma source(%dma_start3A_139 : memref<10240x128xf32, #tpu.memory_space<hbm>>) target(%arg8 : memref<128x128xf32, #tpu.memory_space<vmem>>) offsets(%dma_start3A_136 : memref<128xi32, #tpu.memory_space<vmem>>) semaphore(%arg14 : memref<!tpu.dma_semaphore, #tpu.memory_space<semaphore_mem>>)
      %mul3A_140 = arith.constant 2 : i32
      %mul3A_141 = arith.muli %scan3A_130, %mul3A_140 : i32
      %add3A_142 = arith.constant 1 : i32
      %add3A_143 = arith.addi %mul3A_141, %add3A_142 : i32
      %dma_start3A_144 = arith.constant 0 : i32
      %dma_start3A_145 = tpu.memref_slice %arg6[%add3A_143, %dma_start3A_144] : memref<40x128xi32, #tpu.memory_space<vmem>> -> memref<1x128xi32, #tpu.memory_space<vmem>>
      %dma_start3A_146 = tpu.memref_squeeze %dma_start3A_145 : memref<1x128xi32, #tpu.memory_space<vmem>> -> memref<128xi32, #tpu.memory_space<vmem>>
      %dma_start3A_147 = arith.constant 0 : i32
      %dma_start3A_148 = arith.constant 0 : i32
      %dma_start3A_149 = tpu.memref_slice %arg2[%dma_start3A_147, %dma_start3A_148] : memref<10240x128xf32, #tpu.memory_space<hbm>> -> memref<10240x128xf32, #tpu.memory_space<hbm>>
      tpu.enqueue_indirect_dma source(%dma_start3A_149 : memref<10240x128xf32, #tpu.memory_space<hbm>>) target(%arg9 : memref<128x128xf32, #tpu.memory_space<vmem>>) offsets(%dma_start3A_146 : memref<128xi32, #tpu.memory_space<vmem>>) semaphore(%arg15 : memref<!tpu.dma_semaphore, #tpu.memory_space<semaphore_mem>>)
      %dma_wait3A = arith.constant 0 : i32
      %dma_wait3A_150 = tpu.memref_slice %arg6[%add3A_134, %dma_wait3A] : memref<40x128xi32, #tpu.memory_space<vmem>> -> memref<1x128xi32, #tpu.memory_space<vmem>>
      %dma_wait3A_151 = tpu.memref_squeeze %dma_wait3A_150 : memref<1x128xi32, #tpu.memory_space<vmem>> -> memref<128xi32, #tpu.memory_space<vmem>>
      %dma_wait3A_152 = arith.constant 0 : i32
      %dma_wait3A_153 = arith.constant 0 : i32
      %dma_wait3A_154 = tpu.memref_slice %arg2[%dma_wait3A_152, %dma_wait3A_153] : memref<10240x128xf32, #tpu.memory_space<hbm>> -> memref<10240x128xf32, #tpu.memory_space<hbm>>
      tpu.wait_indirect_dma semaphore(%arg14 : memref<!tpu.dma_semaphore, #tpu.memory_space<semaphore_mem>>) src(%dma_wait3A_154 : memref<10240x128xf32, #tpu.memory_space<hbm>>) dst(%arg8 : memref<128x128xf32, #tpu.memory_space<vmem>>)
      %mul3A_155 = arith.constant 2 : i32
      %mul3A_156 = arith.muli %scan3A_130, %mul3A_155 : i32
      %add3A_157 = arith.constant 0 : i32
      %add3A_158 = arith.addi %mul3A_156, %add3A_157 : i32
      %dma_start3A_159 = arith.constant 0 : i32
      %dma_start3A_160 = tpu.memref_slice %arg7[%add3A_158, %dma_start3A_159] : memref<40x128xi32, #tpu.memory_space<vmem>> -> memref<1x128xi32, #tpu.memory_space<vmem>>
      %dma_start3A_161 = tpu.memref_squeeze %dma_start3A_160 : memref<1x128xi32, #tpu.memory_space<vmem>> -> memref<128xi32, #tpu.memory_space<vmem>>
      %dma_start3A_162 = arith.constant 0 : i32
      %dma_start3A_163 = arith.constant 0 : i32
      %dma_start3A_164 = tpu.memref_slice %arg12[%dma_start3A_162, %dma_start3A_163] : memref<10240x128xf32, #tpu.memory_space<vmem_shared>> -> memref<10240x128xf32, #tpu.memory_space<vmem_shared>>
      tpu.enqueue_indirect_dma source(%arg8 : memref<128x128xf32, #tpu.memory_space<vmem>>) target(%dma_start3A_164 : memref<10240x128xf32, #tpu.memory_space<vmem_shared>>) offsets(%dma_start3A_161 : memref<128xi32, #tpu.memory_space<vmem>>) semaphore(%arg16 : memref<!tpu.dma_semaphore, #tpu.memory_space<semaphore_mem>>) {add = true}
      %mul3A_165 = arith.constant 2 : i32
      %mul3A_166 = arith.muli %scan3A_130, %mul3A_165 : i32
      %add3A_167 = arith.constant 0 : i32
      %add3A_168 = arith.addi %mul3A_166, %add3A_167 : i32
      %dma_start3A_169 = arith.constant 0 : i32
      %dma_start3A_170 = tpu.memref_slice %arg7[%add3A_168, %dma_start3A_169] : memref<40x128xi32, #tpu.memory_space<vmem>> -> memref<1x128xi32, #tpu.memory_space<vmem>>
      %dma_start3A_171 = tpu.memref_squeeze %dma_start3A_170 : memref<1x128xi32, #tpu.memory_space<vmem>> -> memref<128xi32, #tpu.memory_space<vmem>>
      %dma_start3A_172 = arith.constant 0 : i32
      %dma_start3A_173 = tpu.memref_slice %arg13[%dma_start3A_172] : memref<10240xf32, #tpu.memory_space<vmem_shared>> -> memref<10240xf32, #tpu.memory_space<vmem_shared>>
      tpu.enqueue_indirect_dma source(%arg10 : memref<128xf32, #tpu.memory_space<vmem>>) target(%dma_start3A_173 : memref<10240xf32, #tpu.memory_space<vmem_shared>>) offsets(%dma_start3A_171 : memref<128xi32, #tpu.memory_space<vmem>>) semaphore(%arg18 : memref<!tpu.dma_semaphore, #tpu.memory_space<semaphore_mem>>) {add = true}
      %dma_wait3A_174 = arith.constant 0 : i32
      %dma_wait3A_175 = tpu.memref_slice %arg6[%add3A_143, %dma_wait3A_174] : memref<40x128xi32, #tpu.memory_space<vmem>> -> memref<1x128xi32, #tpu.memory_space<vmem>>
      %dma_wait3A_176 = tpu.memref_squeeze %dma_wait3A_175 : memref<1x128xi32, #tpu.memory_space<vmem>> -> memref<128xi32, #tpu.memory_space<vmem>>
      %dma_wait3A_177 = arith.constant 0 : i32
      %dma_wait3A_178 = arith.constant 0 : i32
      %dma_wait3A_179 = tpu.memref_slice %arg2[%dma_wait3A_177, %dma_wait3A_178] : memref<10240x128xf32, #tpu.memory_space<hbm>> -> memref<10240x128xf32, #tpu.memory_space<hbm>>
      tpu.wait_indirect_dma semaphore(%arg15 : memref<!tpu.dma_semaphore, #tpu.memory_space<semaphore_mem>>) src(%dma_wait3A_179 : memref<10240x128xf32, #tpu.memory_space<hbm>>) dst(%arg9 : memref<128x128xf32, #tpu.memory_space<vmem>>)
      %mul3A_180 = arith.constant 2 : i32
      %mul3A_181 = arith.muli %scan3A_130, %mul3A_180 : i32
      %add3A_182 = arith.constant 1 : i32
      %add3A_183 = arith.addi %mul3A_181, %add3A_182 : i32
      %dma_start3A_184 = arith.constant 0 : i32
      %dma_start3A_185 = tpu.memref_slice %arg7[%add3A_183, %dma_start3A_184] : memref<40x128xi32, #tpu.memory_space<vmem>> -> memref<1x128xi32, #tpu.memory_space<vmem>>
      %dma_start3A_186 = tpu.memref_squeeze %dma_start3A_185 : memref<1x128xi32, #tpu.memory_space<vmem>> -> memref<128xi32, #tpu.memory_space<vmem>>
      %dma_start3A_187 = arith.constant 0 : i32
      %dma_start3A_188 = arith.constant 0 : i32
      %dma_start3A_189 = tpu.memref_slice %arg12[%dma_start3A_187, %dma_start3A_188] : memref<10240x128xf32, #tpu.memory_space<vmem_shared>> -> memref<10240x128xf32, #tpu.memory_space<vmem_shared>>
      tpu.enqueue_indirect_dma source(%arg9 : memref<128x128xf32, #tpu.memory_space<vmem>>) target(%dma_start3A_189 : memref<10240x128xf32, #tpu.memory_space<vmem_shared>>) offsets(%dma_start3A_186 : memref<128xi32, #tpu.memory_space<vmem>>) semaphore(%arg17 : memref<!tpu.dma_semaphore, #tpu.memory_space<semaphore_mem>>) {add = true}
      %mul3A_190 = arith.constant 2 : i32
      %mul3A_191 = arith.muli %scan3A_130, %mul3A_190 : i32
      %add3A_192 = arith.constant 1 : i32
      %add3A_193 = arith.addi %mul3A_191, %add3A_192 : i32
      %dma_start3A_194 = arith.constant 0 : i32
      %dma_start3A_195 = tpu.memref_slice %arg7[%add3A_193, %dma_start3A_194] : memref<40x128xi32, #tpu.memory_space<vmem>> -> memref<1x128xi32, #tpu.memory_space<vmem>>
      %dma_start3A_196 = tpu.memref_squeeze %dma_start3A_195 : memref<1x128xi32, #tpu.memory_space<vmem>> -> memref<128xi32, #tpu.memory_space<vmem>>
      %dma_start3A_197 = arith.constant 0 : i32
      %dma_start3A_198 = tpu.memref_slice %arg13[%dma_start3A_197] : memref<10240xf32, #tpu.memory_space<vmem_shared>> -> memref<10240xf32, #tpu.memory_space<vmem_shared>>
      tpu.enqueue_indirect_dma source(%arg10 : memref<128xf32, #tpu.memory_space<vmem>>) target(%dma_start3A_198 : memref<10240xf32, #tpu.memory_space<vmem_shared>>) offsets(%dma_start3A_196 : memref<128xi32, #tpu.memory_space<vmem>>) semaphore(%arg18 : memref<!tpu.dma_semaphore, #tpu.memory_space<semaphore_mem>>) {add = true}
      %dma_wait3A_199 = arith.constant 0 : i32
      %dma_wait3A_200 = tpu.memref_slice %arg7[%add3A_158, %dma_wait3A_199] : memref<40x128xi32, #tpu.memory_space<vmem>> -> memref<1x128xi32, #tpu.memory_space<vmem>>
      %dma_wait3A_201 = tpu.memref_squeeze %dma_wait3A_200 : memref<1x128xi32, #tpu.memory_space<vmem>> -> memref<128xi32, #tpu.memory_space<vmem>>
      %dma_wait3A_202 = arith.constant 0 : i32
      %dma_wait3A_203 = arith.constant 0 : i32
      %dma_wait3A_204 = tpu.memref_slice %arg12[%dma_wait3A_202, %dma_wait3A_203] : memref<10240x128xf32, #tpu.memory_space<vmem_shared>> -> memref<10240x128xf32, #tpu.memory_space<vmem_shared>>
      tpu.wait_indirect_dma semaphore(%arg16 : memref<!tpu.dma_semaphore, #tpu.memory_space<semaphore_mem>>) src(%arg8 : memref<128x128xf32, #tpu.memory_space<vmem>>) dst(%dma_wait3A_204 : memref<10240x128xf32, #tpu.memory_space<vmem_shared>>)
      %dma_wait3A_205 = arith.constant 0 : i32
      %dma_wait3A_206 = tpu.memref_slice %arg7[%add3A_168, %dma_wait3A_205] : memref<40x128xi32, #tpu.memory_space<vmem>> -> memref<1x128xi32, #tpu.memory_space<vmem>>
      %dma_wait3A_207 = tpu.memref_squeeze %dma_wait3A_206 : memref<1x128xi32, #tpu.memory_space<vmem>> -> memref<128xi32, #tpu.memory_space<vmem>>
      %dma_wait3A_208 = arith.constant 0 : i32
      %dma_wait3A_209 = tpu.memref_slice %arg13[%dma_wait3A_208] : memref<10240xf32, #tpu.memory_space<vmem_shared>> -> memref<10240xf32, #tpu.memory_space<vmem_shared>>
      tpu.wait_indirect_dma semaphore(%arg18 : memref<!tpu.dma_semaphore, #tpu.memory_space<semaphore_mem>>) src(%arg10 : memref<128xf32, #tpu.memory_space<vmem>>) dst(%dma_wait3A_209 : memref<10240xf32, #tpu.memory_space<vmem_shared>>)
      %dma_wait3A_210 = arith.constant 0 : i32
      %dma_wait3A_211 = tpu.memref_slice %arg7[%add3A_183, %dma_wait3A_210] : memref<40x128xi32, #tpu.memory_space<vmem>> -> memref<1x128xi32, #tpu.memory_space<vmem>>
      %dma_wait3A_212 = tpu.memref_squeeze %dma_wait3A_211 : memref<1x128xi32, #tpu.memory_space<vmem>> -> memref<128xi32, #tpu.memory_space<vmem>>
      %dma_wait3A_213 = arith.constant 0 : i32
      %dma_wait3A_214 = arith.constant 0 : i32
      %dma_wait3A_215 = tpu.memref_slice %arg12[%dma_wait3A_213, %dma_wait3A_214] : memref<10240x128xf32, #tpu.memory_space<vmem_shared>> -> memref<10240x128xf32, #tpu.memory_space<vmem_shared>>
      tpu.wait_indirect_dma semaphore(%arg17 : memref<!tpu.dma_semaphore, #tpu.memory_space<semaphore_mem>>) src(%arg9 : memref<128x128xf32, #tpu.memory_space<vmem>>) dst(%dma_wait3A_215 : memref<10240x128xf32, #tpu.memory_space<vmem_shared>>)
      %dma_wait3A_216 = arith.constant 0 : i32
      %dma_wait3A_217 = tpu.memref_slice %arg7[%add3A_193, %dma_wait3A_216] : memref<40x128xi32, #tpu.memory_space<vmem>> -> memref<1x128xi32, #tpu.memory_space<vmem>>
      %dma_wait3A_218 = tpu.memref_squeeze %dma_wait3A_217 : memref<1x128xi32, #tpu.memory_space<vmem>> -> memref<128xi32, #tpu.memory_space<vmem>>
      %dma_wait3A_219 = arith.constant 0 : i32
      %dma_wait3A_220 = tpu.memref_slice %arg13[%dma_wait3A_219] : memref<10240xf32, #tpu.memory_space<vmem_shared>> -> memref<10240xf32, #tpu.memory_space<vmem_shared>>
      tpu.wait_indirect_dma semaphore(%arg18 : memref<!tpu.dma_semaphore, #tpu.memory_space<semaphore_mem>>) src(%arg10 : memref<128xf32, #tpu.memory_space<vmem>>) dst(%dma_wait3A_220 : memref<10240xf32, #tpu.memory_space<vmem_shared>>)
    }
    %scan3A_108 = arith.constant 20 : i32
    %barrier3A_109 = arith.constant 0 : index
    tpu.barrier barrier_id(%barrier3A_109)
    %add3A_110 = arith.constant 0 : i32
    %add3A_111 = arith.addi %multiple_of3A, %add3A_110 : i32
    "tpu.region"() ({
      %run_scoped3A_130 = tpu.sem_alloc : memref<!tpu.dma_semaphore, #tpu.memory_space<semaphore_mem>>
      %dma_start3A = arith.constant 0 : i32
      %dma_start3A_131 = tpu.memref_slice %arg4[%arg0, %add3A_111, %dma_start3A] : memref<2x10240x128xf32, #tpu.memory_space<hbm>> -> memref<1x128x128xf32, #tpu.memory_space<hbm>>
      %dma_start3A_132 = tpu.memref_squeeze %dma_start3A_131 : memref<1x128x128xf32, #tpu.memory_space<hbm>> -> memref<128x128xf32, #tpu.memory_space<hbm>>
      %dma_start3A_133 = arith.constant 0 : i32
      %dma_start3A_134 = tpu.memref_slice %arg12[%add3A_111, %dma_start3A_133] : memref<10240x128xf32, #tpu.memory_space<vmem_shared>> -> memref<128x128xf32, #tpu.memory_space<vmem_shared>>
      tpu.enqueue_dma source(%dma_start3A_134 : memref<128x128xf32, #tpu.memory_space<vmem_shared>>) target(%dma_start3A_132 : memref<128x128xf32, #tpu.memory_space<hbm>>) target_semaphore(%run_scoped3A_130 : memref<!tpu.dma_semaphore, #tpu.memory_space<semaphore_mem>>)
      %dma_wait3A = arith.constant 0 : i32
      %dma_wait3A_135 = tpu.memref_slice %arg4[%arg0, %add3A_111, %dma_wait3A] : memref<2x10240x128xf32, #tpu.memory_space<hbm>> -> memref<1x128x128xf32, #tpu.memory_space<hbm>>
      %dma_wait3A_136 = tpu.memref_squeeze %dma_wait3A_135 : memref<1x128x128xf32, #tpu.memory_space<hbm>> -> memref<128x128xf32, #tpu.memory_space<hbm>>
      %dma_wait3A_137 = arith.constant 0 : i32
      %dma_wait3A_138 = tpu.memref_slice %arg12[%add3A_111, %dma_wait3A_137] : memref<10240x128xf32, #tpu.memory_space<vmem_shared>> -> memref<128x128xf32, #tpu.memory_space<vmem_shared>>
      tpu.wait_dma2 semaphore(%run_scoped3A_130 : memref<!tpu.dma_semaphore, #tpu.memory_space<semaphore_mem>>) src(%dma_wait3A_138 : memref<128x128xf32, #tpu.memory_space<vmem_shared>>) dst(%dma_wait3A_136 : memref<128x128xf32, #tpu.memory_space<hbm>>)
      tpu.yield
    }) : () -> ()
    %add3A_112 = arith.constant 128 : i32
    %add3A_113 = arith.addi %multiple_of3A, %add3A_112 : i32
    "tpu.region"() ({
      %run_scoped3A_130 = tpu.sem_alloc : memref<!tpu.dma_semaphore, #tpu.memory_space<semaphore_mem>>
      %dma_start3A = arith.constant 0 : i32
      %dma_start3A_131 = tpu.memref_slice %arg4[%arg0, %add3A_113, %dma_start3A] : memref<2x10240x128xf32, #tpu.memory_space<hbm>> -> memref<1x128x128xf32, #tpu.memory_space<hbm>>
      %dma_start3A_132 = tpu.memref_squeeze %dma_start3A_131 : memref<1x128x128xf32, #tpu.memory_space<hbm>> -> memref<128x128xf32, #tpu.memory_space<hbm>>
      %dma_start3A_133 = arith.constant 0 : i32
      %dma_start3A_134 = tpu.memref_slice %arg12[%add3A_113, %dma_start3A_133] : memref<10240x128xf32, #tpu.memory_space<vmem_shared>> -> memref<128x128xf32, #tpu.memory_space<vmem_shared>>
      tpu.enqueue_dma source(%dma_start3A_134 : memref<128x128xf32, #tpu.memory_space<vmem_shared>>) target(%dma_start3A_132 : memref<128x128xf32, #tpu.memory_space<hbm>>) target_semaphore(%run_scoped3A_130 : memref<!tpu.dma_semaphore, #tpu.memory_space<semaphore_mem>>)
      %dma_wait3A = arith.constant 0 : i32
      %dma_wait3A_135 = tpu.memref_slice %arg4[%arg0, %add3A_113, %dma_wait3A] : memref<2x10240x128xf32, #tpu.memory_space<hbm>> -> memref<1x128x128xf32, #tpu.memory_space<hbm>>
      %dma_wait3A_136 = tpu.memref_squeeze %dma_wait3A_135 : memref<1x128x128xf32, #tpu.memory_space<hbm>> -> memref<128x128xf32, #tpu.memory_space<hbm>>
      %dma_wait3A_137 = arith.constant 0 : i32
      %dma_wait3A_138 = tpu.memref_slice %arg12[%add3A_113, %dma_wait3A_137] : memref<10240x128xf32, #tpu.memory_space<vmem_shared>> -> memref<128x128xf32, #tpu.memory_space<vmem_shared>>
      tpu.wait_dma2 semaphore(%run_scoped3A_130 : memref<!tpu.dma_semaphore, #tpu.memory_space<semaphore_mem>>) src(%dma_wait3A_138 : memref<128x128xf32, #tpu.memory_space<vmem_shared>>) dst(%dma_wait3A_136 : memref<128x128xf32, #tpu.memory_space<hbm>>)
      tpu.yield
    }) : () -> ()
    %add3A_114 = arith.constant 256 : i32
    %add3A_115 = arith.addi %multiple_of3A, %add3A_114 : i32
    "tpu.region"() ({
      %run_scoped3A_130 = tpu.sem_alloc : memref<!tpu.dma_semaphore, #tpu.memory_space<semaphore_mem>>
      %dma_start3A = arith.constant 0 : i32
      %dma_start3A_131 = tpu.memref_slice %arg4[%arg0, %add3A_115, %dma_start3A] : memref<2x10240x128xf32, #tpu.memory_space<hbm>> -> memref<1x128x128xf32, #tpu.memory_space<hbm>>
      %dma_start3A_132 = tpu.memref_squeeze %dma_start3A_131 : memref<1x128x128xf32, #tpu.memory_space<hbm>> -> memref<128x128xf32, #tpu.memory_space<hbm>>
      %dma_start3A_133 = arith.constant 0 : i32
      %dma_start3A_134 = tpu.memref_slice %arg12[%add3A_115, %dma_start3A_133] : memref<10240x128xf32, #tpu.memory_space<vmem_shared>> -> memref<128x128xf32, #tpu.memory_space<vmem_shared>>
      tpu.enqueue_dma source(%dma_start3A_134 : memref<128x128xf32, #tpu.memory_space<vmem_shared>>) target(%dma_start3A_132 : memref<128x128xf32, #tpu.memory_space<hbm>>) target_semaphore(%run_scoped3A_130 : memref<!tpu.dma_semaphore, #tpu.memory_space<semaphore_mem>>)
      %dma_wait3A = arith.constant 0 : i32
      %dma_wait3A_135 = tpu.memref_slice %arg4[%arg0, %add3A_115, %dma_wait3A] : memref<2x10240x128xf32, #tpu.memory_space<hbm>> -> memref<1x128x128xf32, #tpu.memory_space<hbm>>
      %dma_wait3A_136 = tpu.memref_squeeze %dma_wait3A_135 : memref<1x128x128xf32, #tpu.memory_space<hbm>> -> memref<128x128xf32, #tpu.memory_space<hbm>>
      %dma_wait3A_137 = arith.constant 0 : i32
      %dma_wait3A_138 = tpu.memref_slice %arg12[%add3A_115, %dma_wait3A_137] : memref<10240x128xf32, #tpu.memory_space<vmem_shared>> -> memref<128x128xf32, #tpu.memory_space<vmem_shared>>
      tpu.wait_dma2 semaphore(%run_scoped3A_130 : memref<!tpu.dma_semaphore, #tpu.memory_space<semaphore_mem>>) src(%dma_wait3A_138 : memref<128x128xf32, #tpu.memory_space<vmem_shared>>) dst(%dma_wait3A_136 : memref<128x128xf32, #tpu.memory_space<hbm>>)
      tpu.yield
    }) : () -> ()
    %add3A_116 = arith.constant 384 : i32
    %add3A_117 = arith.addi %multiple_of3A, %add3A_116 : i32
    "tpu.region"() ({
      %run_scoped3A_130 = tpu.sem_alloc : memref<!tpu.dma_semaphore, #tpu.memory_space<semaphore_mem>>
      %dma_start3A = arith.constant 0 : i32
      %dma_start3A_131 = tpu.memref_slice %arg4[%arg0, %add3A_117, %dma_start3A] : memref<2x10240x128xf32, #tpu.memory_space<hbm>> -> memref<1x128x128xf32, #tpu.memory_space<hbm>>
      %dma_start3A_132 = tpu.memref_squeeze %dma_start3A_131 : memref<1x128x128xf32, #tpu.memory_space<hbm>> -> memref<128x128xf32, #tpu.memory_space<hbm>>
      %dma_start3A_133 = arith.constant 0 : i32
      %dma_start3A_134 = tpu.memref_slice %arg12[%add3A_117, %dma_start3A_133] : memref<10240x128xf32, #tpu.memory_space<vmem_shared>> -> memref<128x128xf32, #tpu.memory_space<vmem_shared>>
      tpu.enqueue_dma source(%dma_start3A_134 : memref<128x128xf32, #tpu.memory_space<vmem_shared>>) target(%dma_start3A_132 : memref<128x128xf32, #tpu.memory_space<hbm>>) target_semaphore(%run_scoped3A_130 : memref<!tpu.dma_semaphore, #tpu.memory_space<semaphore_mem>>)
      %dma_wait3A = arith.constant 0 : i32
      %dma_wait3A_135 = tpu.memref_slice %arg4[%arg0, %add3A_117, %dma_wait3A] : memref<2x10240x128xf32, #tpu.memory_space<hbm>> -> memref<1x128x128xf32, #tpu.memory_space<hbm>>
      %dma_wait3A_136 = tpu.memref_squeeze %dma_wait3A_135 : memref<1x128x128xf32, #tpu.memory_space<hbm>> -> memref<128x128xf32, #tpu.memory_space<hbm>>
      %dma_wait3A_137 = arith.constant 0 : i32
      %dma_wait3A_138 = tpu.memref_slice %arg12[%add3A_117, %dma_wait3A_137] : memref<10240x128xf32, #tpu.memory_space<vmem_shared>> -> memref<128x128xf32, #tpu.memory_space<vmem_shared>>
      tpu.wait_dma2 semaphore(%run_scoped3A_130 : memref<!tpu.dma_semaphore, #tpu.memory_space<semaphore_mem>>) src(%dma_wait3A_138 : memref<128x128xf32, #tpu.memory_space<vmem_shared>>) dst(%dma_wait3A_136 : memref<128x128xf32, #tpu.memory_space<hbm>>)
      tpu.yield
    }) : () -> ()
    %add3A_118 = arith.constant 512 : i32
    %add3A_119 = arith.addi %multiple_of3A, %add3A_118 : i32
    "tpu.region"() ({
      %run_scoped3A_130 = tpu.sem_alloc : memref<!tpu.dma_semaphore, #tpu.memory_space<semaphore_mem>>
      %dma_start3A = arith.constant 0 : i32
      %dma_start3A_131 = tpu.memref_slice %arg4[%arg0, %add3A_119, %dma_start3A] : memref<2x10240x128xf32, #tpu.memory_space<hbm>> -> memref<1x128x128xf32, #tpu.memory_space<hbm>>
      %dma_start3A_132 = tpu.memref_squeeze %dma_start3A_131 : memref<1x128x128xf32, #tpu.memory_space<hbm>> -> memref<128x128xf32, #tpu.memory_space<hbm>>
      %dma_start3A_133 = arith.constant 0 : i32
      %dma_start3A_134 = tpu.memref_slice %arg12[%add3A_119, %dma_start3A_133] : memref<10240x128xf32, #tpu.memory_space<vmem_shared>> -> memref<128x128xf32, #tpu.memory_space<vmem_shared>>
      tpu.enqueue_dma source(%dma_start3A_134 : memref<128x128xf32, #tpu.memory_space<vmem_shared>>) target(%dma_start3A_132 : memref<128x128xf32, #tpu.memory_space<hbm>>) target_semaphore(%run_scoped3A_130 : memref<!tpu.dma_semaphore, #tpu.memory_space<semaphore_mem>>)
      %dma_wait3A = arith.constant 0 : i32
      %dma_wait3A_135 = tpu.memref_slice %arg4[%arg0, %add3A_119, %dma_wait3A] : memref<2x10240x128xf32, #tpu.memory_space<hbm>> -> memref<1x128x128xf32, #tpu.memory_space<hbm>>
      %dma_wait3A_136 = tpu.memref_squeeze %dma_wait3A_135 : memref<1x128x128xf32, #tpu.memory_space<hbm>> -> memref<128x128xf32, #tpu.memory_space<hbm>>
      %dma_wait3A_137 = arith.constant 0 : i32
      %dma_wait3A_138 = tpu.memref_slice %arg12[%add3A_119, %dma_wait3A_137] : memref<10240x128xf32, #tpu.memory_space<vmem_shared>> -> memref<128x128xf32, #tpu.memory_space<vmem_shared>>
      tpu.wait_dma2 semaphore(%run_scoped3A_130 : memref<!tpu.dma_semaphore, #tpu.memory_space<semaphore_mem>>) src(%dma_wait3A_138 : memref<128x128xf32, #tpu.memory_space<vmem_shared>>) dst(%dma_wait3A_136 : memref<128x128xf32, #tpu.memory_space<hbm>>)
      tpu.yield
    }) : () -> ()
    %add3A_120 = arith.constant 0 : i32
    %add3A_121 = arith.addi %multiple_of3A, %add3A_120 : i32
    "tpu.region"() ({
      %run_scoped3A_130 = tpu.sem_alloc : memref<!tpu.dma_semaphore, #tpu.memory_space<semaphore_mem>>
      %dma_start3A = tpu.memref_slice %arg5[%arg0, %add3A_121] : memref<2x10240xf32, #tpu.memory_space<hbm>> -> memref<1x128xf32, #tpu.memory_space<hbm>>
      %dma_start3A_131 = tpu.memref_squeeze %dma_start3A : memref<1x128xf32, #tpu.memory_space<hbm>> -> memref<128xf32, #tpu.memory_space<hbm>>
      %dma_start3A_132 = tpu.memref_slice %arg13[%add3A_121] : memref<10240xf32, #tpu.memory_space<vmem_shared>> -> memref<128xf32, #tpu.memory_space<vmem_shared>>
      tpu.enqueue_dma source(%dma_start3A_132 : memref<128xf32, #tpu.memory_space<vmem_shared>>) target(%dma_start3A_131 : memref<128xf32, #tpu.memory_space<hbm>>) target_semaphore(%run_scoped3A_130 : memref<!tpu.dma_semaphore, #tpu.memory_space<semaphore_mem>>)
      %dma_wait3A = tpu.memref_slice %arg5[%arg0, %add3A_121] : memref<2x10240xf32, #tpu.memory_space<hbm>> -> memref<1x128xf32, #tpu.memory_space<hbm>>
      %dma_wait3A_133 = tpu.memref_squeeze %dma_wait3A : memref<1x128xf32, #tpu.memory_space<hbm>> -> memref<128xf32, #tpu.memory_space<hbm>>
      %dma_wait3A_134 = tpu.memref_slice %arg13[%add3A_121] : memref<10240xf32, #tpu.memory_space<vmem_shared>> -> memref<128xf32, #tpu.memory_space<vmem_shared>>
      tpu.wait_dma2 semaphore(%run_scoped3A_130 : memref<!tpu.dma_semaphore, #tpu.memory_space<semaphore_mem>>) src(%dma_wait3A_134 : memref<128xf32, #tpu.memory_space<vmem_shared>>) dst(%dma_wait3A_133 : memref<128xf32, #tpu.memory_space<hbm>>)
      tpu.yield
    }) : () -> ()
    %add3A_122 = arith.constant 128 : i32
    %add3A_123 = arith.addi %multiple_of3A, %add3A_122 : i32
    "tpu.region"() ({
      %run_scoped3A_130 = tpu.sem_alloc : memref<!tpu.dma_semaphore, #tpu.memory_space<semaphore_mem>>
      %dma_start3A = tpu.memref_slice %arg5[%arg0, %add3A_123] : memref<2x10240xf32, #tpu.memory_space<hbm>> -> memref<1x128xf32, #tpu.memory_space<hbm>>
      %dma_start3A_131 = tpu.memref_squeeze %dma_start3A : memref<1x128xf32, #tpu.memory_space<hbm>> -> memref<128xf32, #tpu.memory_space<hbm>>
      %dma_start3A_132 = tpu.memref_slice %arg13[%add3A_123] : memref<10240xf32, #tpu.memory_space<vmem_shared>> -> memref<128xf32, #tpu.memory_space<vmem_shared>>
      tpu.enqueue_dma source(%dma_start3A_132 : memref<128xf32, #tpu.memory_space<vmem_shared>>) target(%dma_start3A_131 : memref<128xf32, #tpu.memory_space<hbm>>) target_semaphore(%run_scoped3A_130 : memref<!tpu.dma_semaphore, #tpu.memory_space<semaphore_mem>>)
      %dma_wait3A = tpu.memref_slice %arg5[%arg0, %add3A_123] : memref<2x10240xf32, #tpu.memory_space<hbm>> -> memref<1x128xf32, #tpu.memory_space<hbm>>
      %dma_wait3A_133 = tpu.memref_squeeze %dma_wait3A : memref<1x128xf32, #tpu.memory_space<hbm>> -> memref<128xf32, #tpu.memory_space<hbm>>
      %dma_wait3A_134 = tpu.memref_slice %arg13[%add3A_123] : memref<10240xf32, #tpu.memory_space<vmem_shared>> -> memref<128xf32, #tpu.memory_space<vmem_shared>>
      tpu.wait_dma2 semaphore(%run_scoped3A_130 : memref<!tpu.dma_semaphore, #tpu.memory_space<semaphore_mem>>) src(%dma_wait3A_134 : memref<128xf32, #tpu.memory_space<vmem_shared>>) dst(%dma_wait3A_133 : memref<128xf32, #tpu.memory_space<hbm>>)
      tpu.yield
    }) : () -> ()
    %add3A_124 = arith.constant 256 : i32
    %add3A_125 = arith.addi %multiple_of3A, %add3A_124 : i32
    "tpu.region"() ({
      %run_scoped3A_130 = tpu.sem_alloc : memref<!tpu.dma_semaphore, #tpu.memory_space<semaphore_mem>>
      %dma_start3A = tpu.memref_slice %arg5[%arg0, %add3A_125] : memref<2x10240xf32, #tpu.memory_space<hbm>> -> memref<1x128xf32, #tpu.memory_space<hbm>>
      %dma_start3A_131 = tpu.memref_squeeze %dma_start3A : memref<1x128xf32, #tpu.memory_space<hbm>> -> memref<128xf32, #tpu.memory_space<hbm>>
      %dma_start3A_132 = tpu.memref_slice %arg13[%add3A_125] : memref<10240xf32, #tpu.memory_space<vmem_shared>> -> memref<128xf32, #tpu.memory_space<vmem_shared>>
      tpu.enqueue_dma source(%dma_start3A_132 : memref<128xf32, #tpu.memory_space<vmem_shared>>) target(%dma_start3A_131 : memref<128xf32, #tpu.memory_space<hbm>>) target_semaphore(%run_scoped3A_130 : memref<!tpu.dma_semaphore, #tpu.memory_space<semaphore_mem>>)
      %dma_wait3A = tpu.memref_slice %arg5[%arg0, %add3A_125] : memref<2x10240xf32, #tpu.memory_space<hbm>> -> memref<1x128xf32, #tpu.memory_space<hbm>>
      %dma_wait3A_133 = tpu.memref_squeeze %dma_wait3A : memref<1x128xf32, #tpu.memory_space<hbm>> -> memref<128xf32, #tpu.memory_space<hbm>>
      %dma_wait3A_134 = tpu.memref_slice %arg13[%add3A_125] : memref<10240xf32, #tpu.memory_space<vmem_shared>> -> memref<128xf32, #tpu.memory_space<vmem_shared>>
      tpu.wait_dma2 semaphore(%run_scoped3A_130 : memref<!tpu.dma_semaphore, #tpu.memory_space<semaphore_mem>>) src(%dma_wait3A_134 : memref<128xf32, #tpu.memory_space<vmem_shared>>) dst(%dma_wait3A_133 : memref<128xf32, #tpu.memory_space<hbm>>)
      tpu.yield
    }) : () -> ()
    %add3A_126 = arith.constant 384 : i32
    %add3A_127 = arith.addi %multiple_of3A, %add3A_126 : i32
    "tpu.region"() ({
      %run_scoped3A_130 = tpu.sem_alloc : memref<!tpu.dma_semaphore, #tpu.memory_space<semaphore_mem>>
      %dma_start3A = tpu.memref_slice %arg5[%arg0, %add3A_127] : memref<2x10240xf32, #tpu.memory_space<hbm>> -> memref<1x128xf32, #tpu.memory_space<hbm>>
      %dma_start3A_131 = tpu.memref_squeeze %dma_start3A : memref<1x128xf32, #tpu.memory_space<hbm>> -> memref<128xf32, #tpu.memory_space<hbm>>
      %dma_start3A_132 = tpu.memref_slice %arg13[%add3A_127] : memref<10240xf32, #tpu.memory_space<vmem_shared>> -> memref<128xf32, #tpu.memory_space<vmem_shared>>
      tpu.enqueue_dma source(%dma_start3A_132 : memref<128xf32, #tpu.memory_space<vmem_shared>>) target(%dma_start3A_131 : memref<128xf32, #tpu.memory_space<hbm>>) target_semaphore(%run_scoped3A_130 : memref<!tpu.dma_semaphore, #tpu.memory_space<semaphore_mem>>)
      %dma_wait3A = tpu.memref_slice %arg5[%arg0, %add3A_127] : memref<2x10240xf32, #tpu.memory_space<hbm>> -> memref<1x128xf32, #tpu.memory_space<hbm>>
      %dma_wait3A_133 = tpu.memref_squeeze %dma_wait3A : memref<1x128xf32, #tpu.memory_space<hbm>> -> memref<128xf32, #tpu.memory_space<hbm>>
      %dma_wait3A_134 = tpu.memref_slice %arg13[%add3A_127] : memref<10240xf32, #tpu.memory_space<vmem_shared>> -> memref<128xf32, #tpu.memory_space<vmem_shared>>
      tpu.wait_dma2 semaphore(%run_scoped3A_130 : memref<!tpu.dma_semaphore, #tpu.memory_space<semaphore_mem>>) src(%dma_wait3A_134 : memref<128xf32, #tpu.memory_space<vmem_shared>>) dst(%dma_wait3A_133 : memref<128xf32, #tpu.memory_space<hbm>>)
      tpu.yield
    }) : () -> ()
    %add3A_128 = arith.constant 512 : i32
    %add3A_129 = arith.addi %multiple_of3A, %add3A_128 : i32
    "tpu.region"() ({
      %run_scoped3A_130 = tpu.sem_alloc : memref<!tpu.dma_semaphore, #tpu.memory_space<semaphore_mem>>
      %dma_start3A = tpu.memref_slice %arg5[%arg0, %add3A_129] : memref<2x10240xf32, #tpu.memory_space<hbm>> -> memref<1x128xf32, #tpu.memory_space<hbm>>
      %dma_start3A_131 = tpu.memref_squeeze %dma_start3A : memref<1x128xf32, #tpu.memory_space<hbm>> -> memref<128xf32, #tpu.memory_space<hbm>>
      %dma_start3A_132 = tpu.memref_slice %arg13[%add3A_129] : memref<10240xf32, #tpu.memory_space<vmem_shared>> -> memref<128xf32, #tpu.memory_space<vmem_shared>>
      tpu.enqueue_dma source(%dma_start3A_132 : memref<128xf32, #tpu.memory_space<vmem_shared>>) target(%dma_start3A_131 : memref<128xf32, #tpu.memory_space<hbm>>) target_semaphore(%run_scoped3A_130 : memref<!tpu.dma_semaphore, #tpu.memory_space<semaphore_mem>>)
      %dma_wait3A = tpu.memref_slice %arg5[%arg0, %add3A_129] : memref<2x10240xf32, #tpu.memory_space<hbm>> -> memref<1x128xf32, #tpu.memory_space<hbm>>
      %dma_wait3A_133 = tpu.memref_squeeze %dma_wait3A : memref<1x128xf32, #tpu.memory_space<hbm>> -> memref<128xf32, #tpu.memory_space<hbm>>
      %dma_wait3A_134 = tpu.memref_slice %arg13[%add3A_129] : memref<10240xf32, #tpu.memory_space<vmem_shared>> -> memref<128xf32, #tpu.memory_space<vmem_shared>>
      tpu.wait_dma2 semaphore(%run_scoped3A_130 : memref<!tpu.dma_semaphore, #tpu.memory_space<semaphore_mem>>) src(%dma_wait3A_134 : memref<128xf32, #tpu.memory_space<vmem_shared>>) dst(%dma_wait3A_133 : memref<128xf32, #tpu.memory_space<hbm>>)
      tpu.yield
    }) : () -> ()
    return
  }
}

module attributes {stable_mosaic.version = 14 : i64} {
  func.func @body(%arg0: i32, %arg1: memref<2560x128xf32, #tpu.memory_space<vmem>>, %arg2: memref<128x128xf32, #tpu.memory_space<vmem>>, %arg3: memref<1x128xf32, #tpu.memory_space<vmem>>, %arg4: memref<2560x128xf32, #tpu.memory_space<vmem>>) attributes {dimension_semantics = [#tpu.dimension_semantics<arbitrary>], iteration_bounds = array<i64: 4>, scalar_prefetch = 0 : i64, scratch_operands = 0 : i64, tpu.core_type = #tpu.core_type<tc>, window_params = [{transform_indices = @transform_0, window_bounds = array<i64: 2560, 128>}, {pipeline_mode = #tpu.pipeline_mode<synchronous>, transform_indices = @transform_1, window_bounds = array<i64: 128, 128>}, {pipeline_mode = #tpu.pipeline_mode<synchronous>, transform_indices = @transform_2, window_bounds = array<i64: 1, 128>}, {transform_indices = @transform_3, window_bounds = array<i64: 2560, 128>}]} {
    %get3A = arith.constant 0 : index
    %get3A_0 = arith.constant 0 : index
    %get3A_1 = vector.load %arg1[%get3A, %get3A_0] : memref<2560x128xf32, #tpu.memory_space<vmem>>, vector<2560x128xf32>
    %get3A_2 = arith.constant 0 : index
    %get3A_3 = arith.constant 0 : index
    %get3A_4 = vector.load %arg2[%get3A_2, %get3A_3] : memref<128x128xf32, #tpu.memory_space<vmem>>, vector<128x128xf32>
    %dot_general3A = arith.constant dense<0.000000e+00> : vector<2560x128xf32>
    %dot_general3A_5 = tpu.matmul %get3A_1, %get3A_4, %dot_general3A {dimension_numbers = #tpu.dot_dimension_numbers<[1], [1], [0], [0], [0, 0, 1, 0], [], []>, transpose_lhs_hint = false} : vector<2560x128xf32>, vector<128x128xf32>, vector<2560x128xf32> -> vector<2560x128xf32>
    %get3A_6 = arith.constant 0 : index
    %get3A_7 = arith.constant 0 : index
    %get3A_8 = vector.load %arg3[%get3A_6, %get3A_7] : memref<1x128xf32, #tpu.memory_space<vmem>>, vector<1x128xf32>
    %add3A = vector.broadcast %get3A_8 : vector<1x128xf32> to vector<2560x128xf32>
    %add3A_9 = arith.addf %dot_general3A_5, %add3A : vector<2560x128xf32>
    %max3A = arith.constant 0.000000e+00 : f32
    %max3A_10 = vector.broadcast %max3A : f32 to vector<2560x128xf32>
    %max3A_11 = arith.maximumf %add3A_9, %max3A_10 : vector<2560x128xf32>
    %swap3A = arith.constant 0 : index
    %swap3A_12 = arith.constant 0 : index
    %swap3A_13 = vector.load %arg4[%swap3A, %swap3A_12] : memref<2560x128xf32, #tpu.memory_space<vmem>>, vector<2560x128xf32>
    tpu.vector_store %arg4[%swap3A, %swap3A_12], %max3A_11 {strides = array<i32>} : memref<2560x128xf32, #tpu.memory_space<vmem>>, vector<2560x128xf32>,
    return
  }
  func.func @transform_0(%arg0: i32) -> (i32, i32) {
    %c0_i32 = arith.constant 0 : i32
    %c0_i32_0 = arith.constant 0 : i32
    return %arg0, %c0_i32 : i32, i32
  }
  func.func @transform_1(%arg0: i32) -> (i32, i32) {
    %c0_i32 = arith.constant 0 : i32
    %c0_i32_0 = arith.constant 0 : i32
    %c0_i32_1 = arith.constant 0 : i32
    return %c0_i32, %c0_i32_0 : i32, i32
  }
  func.func @transform_2(%arg0: i32) -> (i32, i32) {
    %c0_i32 = arith.constant 0 : i32
    %c0_i32_0 = arith.constant 0 : i32
    %c0_i32_1 = arith.constant 0 : i32
    return %c0_i32, %c0_i32_0 : i32, i32
  }
  func.func @transform_3(%arg0: i32) -> (i32, i32) {
    %c0_i32 = arith.constant 0 : i32
    %c0_i32_0 = arith.constant 0 : i32
    return %arg0, %c0_i32 : i32, i32
  }
}

module attributes {stable_mosaic.version = 14 : i64} {
  func.func @body(%arg0: i32, %arg1: memref<2x2560x128xf32, #tpu.memory_space<vmem>>, %arg2: memref<2x2560xf32, #tpu.memory_space<vmem>>, %arg3: memref<2560x128xf32, #tpu.memory_space<vmem>>, %arg4: memref<128x128xf32, #tpu.memory_space<vmem>>, %arg5: memref<1x128xf32, #tpu.memory_space<vmem>>, %arg6: memref<128x128xf32, #tpu.memory_space<vmem>>, %arg7: memref<1x128xf32, #tpu.memory_space<vmem>>, %arg8: memref<1x128xf32, #tpu.memory_space<vmem>>, %arg9: memref<2560x128xf32, #tpu.memory_space<vmem>>) attributes {dimension_semantics = [#tpu.dimension_semantics<arbitrary>], iteration_bounds = array<i64: 4>, scalar_prefetch = 0 : i64, scratch_operands = 0 : i64, tpu.core_type = #tpu.core_type<tc>, window_params = [{transform_indices = @transform_0, window_bounds = array<i64: 2, 2560, 128>}, {transform_indices = @transform_1, window_bounds = array<i64: 2, 2560>}, {transform_indices = @transform_2, window_bounds = array<i64: 2560, 128>}, {pipeline_mode = #tpu.pipeline_mode<synchronous>, transform_indices = @transform_3, window_bounds = array<i64: 128, 128>}, {pipeline_mode = #tpu.pipeline_mode<synchronous>, transform_indices = @transform_4, window_bounds = array<i64: 1, 128>}, {pipeline_mode = #tpu.pipeline_mode<synchronous>, transform_indices = @transform_5, window_bounds = array<i64: 128, 128>}, {pipeline_mode = #tpu.pipeline_mode<synchronous>, transform_indices = @transform_6, window_bounds = array<i64: 1, 128>}, {pipeline_mode = #tpu.pipeline_mode<synchronous>, transform_indices = @transform_7, window_bounds = array<i64: 1, 128>}, {transform_indices = @transform_8, window_bounds = array<i64: 2560, 128>}]} {
    %get3A = arith.constant 0 : index
    %get3A_0 = arith.constant 0 : index
    %get3A_1 = arith.constant 0 : index
    %get3A_2 = vector.load %arg1[%get3A, %get3A_0, %get3A_1] : memref<2x2560x128xf32, #tpu.memory_space<vmem>>, vector<2x2560x128xf32>
    %get3A_3 = arith.constant 0 : index
    %get3A_4 = arith.constant 0 : index
    %get3A_5 = vector.load %arg2[%get3A_3, %get3A_4] : memref<2x2560xf32, #tpu.memory_space<vmem>>, vector<2x2560xf32>
    %slice3A = vector.extract_strided_slice %get3A_5 {offsets = [0, 0], sizes = [1, 2560], strides = [1, 1]} : vector<2x2560xf32> to vector<1x2560xf32>
    %squeeze3A = vector.shape_cast %slice3A : vector<1x2560xf32> to vector<2560xf32>
    %slice3A_6 = vector.extract_strided_slice %get3A_5 {offsets = [1, 0], sizes = [1, 2560], strides = [1, 1]} : vector<2x2560xf32> to vector<1x2560xf32>
    %squeeze3A_7 = vector.shape_cast %slice3A_6 : vector<1x2560xf32> to vector<2560xf32>
    %add3A = arith.addf %squeeze3A, %squeeze3A_7 : vector<2560xf32>
    %max3A = arith.constant 1.000000e+00 : f32
    %max3A_8 = vector.broadcast %max3A : f32 to vector<2560xf32>
    %max3A_9 = arith.maximumf %add3A, %max3A_8 : vector<2560xf32>
    %slice3A_10 = vector.extract_strided_slice %get3A_2 {offsets = [0, 0, 0], sizes = [1, 2560, 128], strides = [1, 1, 1]} : vector<2x2560x128xf32> to vector<1x2560x128xf32>
    %squeeze3A_11 = vector.shape_cast %slice3A_10 : vector<1x2560x128xf32> to vector<2560x128xf32>
    %slice3A_12 = vector.extract_strided_slice %get3A_2 {offsets = [1, 0, 0], sizes = [1, 2560, 128], strides = [1, 1, 1]} : vector<2x2560x128xf32> to vector<1x2560x128xf32>
    %squeeze3A_13 = vector.shape_cast %slice3A_12 : vector<1x2560x128xf32> to vector<2560x128xf32>
    %add3A_14 = arith.addf %squeeze3A_11, %squeeze3A_13 : vector<2560x128xf32>
    %broadcast_in_dim3A = vector.shape_cast %max3A_9 : vector<2560xf32> to vector<2560x1xf32>
    %div3A = vector.broadcast %broadcast_in_dim3A : vector<2560x1xf32> to vector<2560x128xf32>
    %div3A_15 = arith.divf %add3A_14, %div3A : vector<2560x128xf32>
    %get3A_16 = arith.constant 0 : index
    %get3A_17 = arith.constant 0 : index
    %get3A_18 = vector.load %arg4[%get3A_16, %get3A_17] : memref<128x128xf32, #tpu.memory_space<vmem>>, vector<128x128xf32>
    %dot_general3A = arith.constant dense<0.000000e+00> : vector<2560x128xf32>
    %dot_general3A_19 = tpu.matmul %div3A_15, %get3A_18, %dot_general3A {dimension_numbers = #tpu.dot_dimension_numbers<[1], [1], [0], [0], [0, 0, 1, 0], [], []>, transpose_lhs_hint = false} : vector<2560x128xf32>, vector<128x128xf32>, vector<2560x128xf32> -> vector<2560x128xf32>
    %get3A_20 = arith.constant 0 : index
    %get3A_21 = arith.constant 0 : index
    %get3A_22 = vector.load %arg5[%get3A_20, %get3A_21] : memref<1x128xf32, #tpu.memory_space<vmem>>, vector<1x128xf32>
    %add3A_23 = vector.broadcast %get3A_22 : vector<1x128xf32> to vector<2560x128xf32>
    %add3A_24 = arith.addf %dot_general3A_19, %add3A_23 : vector<2560x128xf32>
    %get3A_25 = arith.constant 0 : index
    %get3A_26 = arith.constant 0 : index
    %get3A_27 = vector.load %arg3[%get3A_25, %get3A_26] : memref<2560x128xf32, #tpu.memory_space<vmem>>, vector<2560x128xf32>
    %get3A_28 = arith.constant 0 : index
    %get3A_29 = arith.constant 0 : index
    %get3A_30 = vector.load %arg6[%get3A_28, %get3A_29] : memref<128x128xf32, #tpu.memory_space<vmem>>, vector<128x128xf32>
    %dot_general3A_31 = arith.constant dense<0.000000e+00> : vector<2560x128xf32>
    %dot_general3A_32 = tpu.matmul %get3A_27, %get3A_30, %dot_general3A_31 {dimension_numbers = #tpu.dot_dimension_numbers<[1], [1], [0], [0], [0, 0, 1, 0], [], []>, transpose_lhs_hint = false} : vector<2560x128xf32>, vector<128x128xf32>, vector<2560x128xf32> -> vector<2560x128xf32>
    %add3A_33 = arith.addf %add3A_24, %dot_general3A_32 : vector<2560x128xf32>
    %mul3A = arith.mulf %add3A_33, %add3A_33 : vector<2560x128xf32>
    %reduce_sum3A = arith.constant dense<0.000000e+00> : vector<2560xf32>
    %reduce_sum3A_34 = vector.multi_reduction <add>, %mul3A, %reduce_sum3A [1] : vector<2560x128xf32> to vector<2560xf32>
    %broadcast_in_dim3A_35 = vector.shape_cast %reduce_sum3A_34 : vector<2560xf32> to vector<2560x1xf32>
    %sqrt3A = math.sqrt %broadcast_in_dim3A_35 : vector<2560x1xf32>
    %max3A_36 = arith.constant 9.99999996E-13 : f32
    %max3A_37 = vector.broadcast %max3A_36 : f32 to vector<2560x1xf32>
    %max3A_38 = arith.maximumf %sqrt3A, %max3A_37 : vector<2560x1xf32>
    %div3A_39 = vector.broadcast %max3A_38 : vector<2560x1xf32> to vector<2560x128xf32>
    %div3A_40 = arith.divf %add3A_33, %div3A_39 : vector<2560x128xf32>
    %max3A_41 = arith.constant 0.000000e+00 : f32
    %max3A_42 = vector.broadcast %max3A_41 : f32 to vector<2560x128xf32>
    %max3A_43 = arith.maximumf %div3A_40, %max3A_42 : vector<2560x128xf32>
    %reduce_sum3A_44 = arith.constant dense<0.000000e+00> : vector<2560xf32>
    %reduce_sum3A_45 = vector.multi_reduction <add>, %max3A_43, %reduce_sum3A_44 [1] : vector<2560x128xf32> to vector<2560xf32>
    %broadcast_in_dim3A_46 = vector.shape_cast %reduce_sum3A_45 : vector<2560xf32> to vector<2560x1xf32>
    %div3A_47 = arith.constant 1.280000e+02 : f32
    %div3A_48 = vector.broadcast %div3A_47 : f32 to vector<2560x1xf32>
    %div3A_49 = arith.divf %broadcast_in_dim3A_46, %div3A_48 : vector<2560x1xf32>
    %sub3A = vector.broadcast %div3A_49 : vector<2560x1xf32> to vector<2560x128xf32>
    %sub3A_50 = arith.subf %max3A_43, %sub3A : vector<2560x128xf32>
    %integer_pow3A = arith.mulf %sub3A_50, %sub3A_50 : vector<2560x128xf32>
    %reduce_sum3A_51 = arith.constant dense<0.000000e+00> : vector<2560xf32>
    %reduce_sum3A_52 = vector.multi_reduction <add>, %integer_pow3A, %reduce_sum3A_51 [1] : vector<2560x128xf32> to vector<2560xf32>
    %broadcast_in_dim3A_53 = vector.shape_cast %reduce_sum3A_52 : vector<2560xf32> to vector<2560x1xf32>
    %div3A_54 = arith.constant 1.280000e+02 : f32
    %div3A_55 = vector.broadcast %div3A_54 : f32 to vector<2560x1xf32>
    %div3A_56 = arith.divf %broadcast_in_dim3A_53, %div3A_55 : vector<2560x1xf32>
    %sub3A_57 = vector.broadcast %div3A_49 : vector<2560x1xf32> to vector<2560x128xf32>
    %sub3A_58 = arith.subf %max3A_43, %sub3A_57 : vector<2560x128xf32>
    %add3A_59 = arith.constant 9.99999974E-6 : f32
    %add3A_60 = vector.broadcast %add3A_59 : f32 to vector<2560x1xf32>
    %add3A_61 = arith.addf %div3A_56, %add3A_60 : vector<2560x1xf32>
    %rsqrt3A = math.rsqrt %add3A_61 : vector<2560x1xf32>
    %mul3A_62 = vector.broadcast %rsqrt3A : vector<2560x1xf32> to vector<2560x128xf32>
    %mul3A_63 = arith.mulf %sub3A_58, %mul3A_62 : vector<2560x128xf32>
    %get3A_64 = arith.constant 0 : index
    %get3A_65 = arith.constant 0 : index
    %get3A_66 = vector.load %arg7[%get3A_64, %get3A_65] : memref<1x128xf32, #tpu.memory_space<vmem>>, vector<1x128xf32>
    %mul3A_67 = vector.broadcast %get3A_66 : vector<1x128xf32> to vector<2560x128xf32>
    %mul3A_68 = arith.mulf %mul3A_63, %mul3A_67 : vector<2560x128xf32>
    %get3A_69 = arith.constant 0 : index
    %get3A_70 = arith.constant 0 : index
    %get3A_71 = vector.load %arg8[%get3A_69, %get3A_70] : memref<1x128xf32, #tpu.memory_space<vmem>>, vector<1x128xf32>
    %add3A_72 = vector.broadcast %get3A_71 : vector<1x128xf32> to vector<2560x128xf32>
    %add3A_73 = arith.addf %mul3A_68, %add3A_72 : vector<2560x128xf32>
    %swap3A = arith.constant 0 : index
    %swap3A_74 = arith.constant 0 : index
    %swap3A_75 = vector.load %arg9[%swap3A, %swap3A_74] : memref<2560x128xf32, #tpu.memory_space<vmem>>, vector<2560x128xf32>
    tpu.vector_store %arg9[%swap3A, %swap3A_74], %add3A_73 {strides = array<i32>} : memref<2560x128xf32, #tpu.memory_space<vmem>>, vector<2560x128xf32>,
    return
  }
  func.func @transform_0(%arg0: i32) -> (i32, i32, i32) {
    %c0_i32 = arith.constant 0 : i32
    %c0_i32_0 = arith.constant 0 : i32
    %c0_i32_1 = arith.constant 0 : i32
    return %c0_i32, %arg0, %c0_i32_0 : i32, i32, i32
  }
  func.func @transform_1(%arg0: i32) -> (i32, i32) {
    %c0_i32 = arith.constant 0 : i32
    %c0_i32_0 = arith.constant 0 : i32
    return %c0_i32, %arg0 : i32, i32
  }
  func.func @transform_2(%arg0: i32) -> (i32, i32) {
    %c0_i32 = arith.constant 0 : i32
    %c0_i32_0 = arith.constant 0 : i32
    return %arg0, %c0_i32 : i32, i32
  }
  func.func @transform_3(%arg0: i32) -> (i32, i32) {
    %c0_i32 = arith.constant 0 : i32
    %c0_i32_0 = arith.constant 0 : i32
    %c0_i32_1 = arith.constant 0 : i32
    return %c0_i32, %c0_i32_0 : i32, i32
  }
  func.func @transform_4(%arg0: i32) -> (i32, i32) {
    %c0_i32 = arith.constant 0 : i32
    %c0_i32_0 = arith.constant 0 : i32
    %c0_i32_1 = arith.constant 0 : i32
    return %c0_i32, %c0_i32_0 : i32, i32
  }
  func.func @transform_5(%arg0: i32) -> (i32, i32) {
    %c0_i32 = arith.constant 0 : i32
    %c0_i32_0 = arith.constant 0 : i32
    %c0_i32_1 = arith.constant 0 : i32
    return %c0_i32, %c0_i32_0 : i32, i32
  }
  func.func @transform_6(%arg0: i32) -> (i32, i32) {
    %c0_i32 = arith.constant 0 : i32
    %c0_i32_0 = arith.constant 0 : i32
    %c0_i32_1 = arith.constant 0 : i32
    return %c0_i32, %c0_i32_0 : i32, i32
  }
  func.func @transform_7(%arg0: i32) -> (i32, i32) {
    %c0_i32 = arith.constant 0 : i32
    %c0_i32_0 = arith.constant 0 : i32
    %c0_i32_1 = arith.constant 0 : i32
    return %c0_i32, %c0_i32_0 : i32, i32
  }
  func.func @transform_8(%arg0: i32) -> (i32, i32) {
    %c0_i32 = arith.constant 0 : i32
    %c0_i32_0 = arith.constant 0 : i32
    return %arg0, %c0_i32 : i32, i32
  }
}

module attributes {stable_mosaic.version = 14 : i64} {
  func.func @body(%arg0: i32, %arg1: memref<2x2560x128xf32, #tpu.memory_space<vmem>>, %arg2: memref<2x2560xf32, #tpu.memory_space<vmem>>, %arg3: memref<2560x128xf32, #tpu.memory_space<vmem>>, %arg4: memref<128x128xf32, #tpu.memory_space<vmem>>, %arg5: memref<1x128xf32, #tpu.memory_space<vmem>>, %arg6: memref<128x128xf32, #tpu.memory_space<vmem>>, %arg7: memref<2560x128xf32, #tpu.memory_space<vmem>>) attributes {dimension_semantics = [#tpu.dimension_semantics<arbitrary>], iteration_bounds = array<i64: 4>, scalar_prefetch = 0 : i64, scratch_operands = 0 : i64, tpu.core_type = #tpu.core_type<tc>, window_params = [{transform_indices = @transform_0, window_bounds = array<i64: 2, 2560, 128>}, {transform_indices = @transform_1, window_bounds = array<i64: 2, 2560>}, {transform_indices = @transform_2, window_bounds = array<i64: 2560, 128>}, {pipeline_mode = #tpu.pipeline_mode<synchronous>, transform_indices = @transform_3, window_bounds = array<i64: 128, 128>}, {pipeline_mode = #tpu.pipeline_mode<synchronous>, transform_indices = @transform_4, window_bounds = array<i64: 1, 128>}, {pipeline_mode = #tpu.pipeline_mode<synchronous>, transform_indices = @transform_5, window_bounds = array<i64: 128, 128>}, {transform_indices = @transform_6, window_bounds = array<i64: 2560, 128>}]} {
    %get3A = arith.constant 0 : index
    %get3A_0 = arith.constant 0 : index
    %get3A_1 = arith.constant 0 : index
    %get3A_2 = vector.load %arg1[%get3A, %get3A_0, %get3A_1] : memref<2x2560x128xf32, #tpu.memory_space<vmem>>, vector<2x2560x128xf32>
    %get3A_3 = arith.constant 0 : index
    %get3A_4 = arith.constant 0 : index
    %get3A_5 = vector.load %arg2[%get3A_3, %get3A_4] : memref<2x2560xf32, #tpu.memory_space<vmem>>, vector<2x2560xf32>
    %slice3A = vector.extract_strided_slice %get3A_5 {offsets = [0, 0], sizes = [1, 2560], strides = [1, 1]} : vector<2x2560xf32> to vector<1x2560xf32>
    %squeeze3A = vector.shape_cast %slice3A : vector<1x2560xf32> to vector<2560xf32>
    %slice3A_6 = vector.extract_strided_slice %get3A_5 {offsets = [1, 0], sizes = [1, 2560], strides = [1, 1]} : vector<2x2560xf32> to vector<1x2560xf32>
    %squeeze3A_7 = vector.shape_cast %slice3A_6 : vector<1x2560xf32> to vector<2560xf32>
    %add3A = arith.addf %squeeze3A, %squeeze3A_7 : vector<2560xf32>
    %max3A = arith.constant 1.000000e+00 : f32
    %max3A_8 = vector.broadcast %max3A : f32 to vector<2560xf32>
    %max3A_9 = arith.maximumf %add3A, %max3A_8 : vector<2560xf32>
    %slice3A_10 = vector.extract_strided_slice %get3A_2 {offsets = [0, 0, 0], sizes = [1, 2560, 128], strides = [1, 1, 1]} : vector<2x2560x128xf32> to vector<1x2560x128xf32>
    %squeeze3A_11 = vector.shape_cast %slice3A_10 : vector<1x2560x128xf32> to vector<2560x128xf32>
    %slice3A_12 = vector.extract_strided_slice %get3A_2 {offsets = [1, 0, 0], sizes = [1, 2560, 128], strides = [1, 1, 1]} : vector<2x2560x128xf32> to vector<1x2560x128xf32>
    %squeeze3A_13 = vector.shape_cast %slice3A_12 : vector<1x2560x128xf32> to vector<2560x128xf32>
    %add3A_14 = arith.addf %squeeze3A_11, %squeeze3A_13 : vector<2560x128xf32>
    %broadcast_in_dim3A = vector.shape_cast %max3A_9 : vector<2560xf32> to vector<2560x1xf32>
    %div3A = vector.broadcast %broadcast_in_dim3A : vector<2560x1xf32> to vector<2560x128xf32>
    %div3A_15 = arith.divf %add3A_14, %div3A : vector<2560x128xf32>
    %get3A_16 = arith.constant 0 : index
    %get3A_17 = arith.constant 0 : index
    %get3A_18 = vector.load %arg4[%get3A_16, %get3A_17] : memref<128x128xf32, #tpu.memory_space<vmem>>, vector<128x128xf32>
    %dot_general3A = arith.constant dense<0.000000e+00> : vector<2560x128xf32>
    %dot_general3A_19 = tpu.matmul %div3A_15, %get3A_18, %dot_general3A {dimension_numbers = #tpu.dot_dimension_numbers<[1], [1], [0], [0], [0, 0, 1, 0], [], []>, transpose_lhs_hint = false} : vector<2560x128xf32>, vector<128x128xf32>, vector<2560x128xf32> -> vector<2560x128xf32>
    %get3A_20 = arith.constant 0 : index
    %get3A_21 = arith.constant 0 : index
    %get3A_22 = vector.load %arg5[%get3A_20, %get3A_21] : memref<1x128xf32, #tpu.memory_space<vmem>>, vector<1x128xf32>
    %add3A_23 = vector.broadcast %get3A_22 : vector<1x128xf32> to vector<2560x128xf32>
    %add3A_24 = arith.addf %dot_general3A_19, %add3A_23 : vector<2560x128xf32>
    %get3A_25 = arith.constant 0 : index
    %get3A_26 = arith.constant 0 : index
    %get3A_27 = vector.load %arg3[%get3A_25, %get3A_26] : memref<2560x128xf32, #tpu.memory_space<vmem>>, vector<2560x128xf32>
    %get3A_28 = arith.constant 0 : index
    %get3A_29 = arith.constant 0 : index
    %get3A_30 = vector.load %arg6[%get3A_28, %get3A_29] : memref<128x128xf32, #tpu.memory_space<vmem>>, vector<128x128xf32>
    %dot_general3A_31 = arith.constant dense<0.000000e+00> : vector<2560x128xf32>
    %dot_general3A_32 = tpu.matmul %get3A_27, %get3A_30, %dot_general3A_31 {dimension_numbers = #tpu.dot_dimension_numbers<[1], [1], [0], [0], [0, 0, 1, 0], [], []>, transpose_lhs_hint = false} : vector<2560x128xf32>, vector<128x128xf32>, vector<2560x128xf32> -> vector<2560x128xf32>
    %add3A_33 = arith.addf %add3A_24, %dot_general3A_32 : vector<2560x128xf32>
    %swap3A = arith.constant 0 : index
    %swap3A_34 = arith.constant 0 : index
    %swap3A_35 = vector.load %arg7[%swap3A, %swap3A_34] : memref<2560x128xf32, #tpu.memory_space<vmem>>, vector<2560x128xf32>
    tpu.vector_store %arg7[%swap3A, %swap3A_34], %add3A_33 {strides = array<i32>} : memref<2560x128xf32, #tpu.memory_space<vmem>>, vector<2560x128xf32>,
    return
  }
  func.func @transform_0(%arg0: i32) -> (i32, i32, i32) {
    %c0_i32 = arith.constant 0 : i32
    %c0_i32_0 = arith.constant 0 : i32
    %c0_i32_1 = arith.constant 0 : i32
    return %c0_i32, %arg0, %c0_i32_0 : i32, i32, i32
  }
  func.func @transform_1(%arg0: i32) -> (i32, i32) {
    %c0_i32 = arith.constant 0 : i32
    %c0_i32_0 = arith.constant 0 : i32
    return %c0_i32, %arg0 : i32, i32
  }
  func.func @transform_2(%arg0: i32) -> (i32, i32) {
    %c0_i32 = arith.constant 0 : i32
    %c0_i32_0 = arith.constant 0 : i32
    return %arg0, %c0_i32 : i32, i32
  }
  func.func @transform_3(%arg0: i32) -> (i32, i32) {
    %c0_i32 = arith.constant 0 : i32
    %c0_i32_0 = arith.constant 0 : i32
    %c0_i32_1 = arith.constant 0 : i32
    return %c0_i32, %c0_i32_0 : i32, i32
  }
  func.func @transform_4(%arg0: i32) -> (i32, i32) {
    %c0_i32 = arith.constant 0 : i32
    %c0_i32_0 = arith.constant 0 : i32
    %c0_i32_1 = arith.constant 0 : i32
    return %c0_i32, %c0_i32_0 : i32, i32
  }
  func.func @transform_5(%arg0: i32) -> (i32, i32) {
    %c0_i32 = arith.constant 0 : i32
    %c0_i32_0 = arith.constant 0 : i32
    %c0_i32_1 = arith.constant 0 : i32
    return %c0_i32, %c0_i32_0 : i32, i32
  }
  func.func @transform_6(%arg0: i32) -> (i32, i32) {
    %c0_i32 = arith.constant 0 : i32
    %c0_i32_0 = arith.constant 0 : i32
    return %arg0, %c0_i32 : i32, i32
  }
}

</mosaic_0001>

<sc_bundles>
// kernel: kernel.10.cloned.1.call-start
scs
__scs_entry_jumppad:
0x0: {  	(pc) =	sbr.rel $0x88, $3  }
0x1: {  	(tag) =	ssettag $0x0;
	lr =	simm.s32 $0x1  }
0x2: {  	[smem:$0x3F95] =	sst lr;
	_ =	strace $0xD0000000  }
0x3: {  	_ = 	snop  }
0x4: {  	_ = 	snop  }
0x5: {  	_ = 	snop  }
0x6: {  	_ = 	snop  }
0x7: {  	_ = 	snop  }
__scs_overlays_trampoline_lowered:
0x8: {  	[smem:$0x3FA4] =	sst s0  }
0x9: {  	[smem:$0x3FA5] =	sst s1  }
0xa: {  	[smem:$0x3FA6] =	sst s2  }
0xb: {  	[smem:$0x3FA7] =	sst s3  }
0xc: {  	[smem:$0x3FA8] =	sst s4  }
0xd: {  	[smem:$0x3FA9] =	sst s5  }
0xe: {  	[smem:$0x3FAA] =	sst s6  }
0xf: {  	[smem:$0x3FAB] =	sst s7  }
0x10: {  	[smem:$0x3FAC] =	sst s8  }
0x11: {  	[smem:$0x3FAD] =	sst s9;
	s0 =	simm.s32 @!p0 $0x0  }
0x12: {  	s1 =	sld [smem:$0x3F93];
	s0 =	simm.s32 @p0 $0x1  }
0x13: {  	[smem:$0x3FAE] =	sst s0;
	s0 =	simm.s32 @!p1 $0x0  }
0x14: {  	s2 =	sld [smem:$0x3F92];
	s0 =	simm.s32 @p1 $0x1  }
0x15: {  	[smem:$0x3FAF] =	sst s0;
	s0 =	simm.s32 @!p2 $0x0  }
0x16: {  	s3 =	sld [smem:$0x3FDB];
	s0 =	simm.s32 @p2 $0x1  }
0x17: {  	s4 =	simm.s32 $0x1BF5;
	[smem:$0x3FB1] =	sst s0  }
0x18: {  	s0 =	sld [smem:$0x3F94];
	_ =	swait.ge [sflag:s4], $0x0  }
0x19: {  	s7 =	sld [smem:$0x3F95]  }
0x1a: {  	s8 =	sadd.s32 $0xFFFFE003, lr  }
0x1b: {  	s9 =	sadd.s32 $0xFFFFFEF7, lr;
	s5 =	simm.s32 $0xFFFFFFFF;
	p2 =	slt.u32 s8, $0xFFFFF086  }
0x1c: {  	p1 =	slt.u32 s9, $0xF7A;
	s5 =	simm.s32 @!p2 $0x0  }
0x1d: {  	s5 =	simm.s32 @p1 $0x1;
	p0 =	seq.s32 s7, s2  }
0x1e: {  	s7 =	smul.u32 @!p0 $0xF7A, s2;
	p2 =	seq.s32 @!p0 s5, $0x0  }
0x1f: {  	s9 =	smul.u32 $0xF7A, s1;
	s8 =	simm.s32 @!p0 $0x1BF5;
	p2 =	por !p2, p0  }
0x20: {  	[sflag:s8] =	ssyncset.s32 @!p0 $0xFFFFF086;
	s6 =	sadd.s32 @!p0 s3, s7;
	s7 =	simm.s32 @!p0 $0x108  }
0x21: {  	s3 =	sadd.s32 s3, s9;
	s6 =	sadd.s32 @!p0 $0x88, s6;
	s7 =	simm.s32 @p2 $0x1082  }
0x22: {  	[simem:s7], [sflag:s8] =	dma.local @!p0 [hbm:s6], $0xF7A  }
0x23: {  	s9 =	sor.u32 $0xD0000000, s2;
	s6 =	simm.s32 $0x108;
	_ =	swait.ge @!p0 [sflag:s8], $0x0  }
0x24: {  	s3 =	sadd.s32 $0x88, s3;
	s6 =	simm.s32 @!p1 $0x1082;
	[sflag:s4] =	ssyncset.s32 $0xFFFFF086  }
0x25: {  	[simem:s6], [sflag:s4] =	dma.local [hbm:s3], $0xF7A  }
0x26: {  	[smem:$0x3F95] =	sst s1;
	(tag) =	ssettag s2;
	_ =	strace s9  }
0x27: {  	s1 =	sld [smem:$0x3FA5]  }
0x28: {  	s2 =	sld [smem:$0x3FA6]  }
0x29: {  	s4 =	sld [smem:$0x3FA8]  }
0x2a: {  	p0 =	seq.s32 s5, $0x0;
	s5 =	sld [smem:$0x3FA9]  }
0x2b: {  	s6 =	sld [smem:$0x3FAA]  }
0x2c: {  	s7 =	sld [smem:$0x3FAB]  }
0x2d: {  	s3 =	simm.s32 $0x108;
	s8 =	sld [smem:$0x3FAC]  }
0x2e: {  	s3 =	simm.s32 @!p0 $0x1082;
	s9 =	sld [smem:$0x3FAD]  }
0x2f: {  	lr =	sadd.s32 s0, s3;
	s0 =	sld [smem:$0x3FA4]  }
0x30: {  	s3 =	sld [smem:$0x3FA7]  }
0x31: {  	[smem:$0x3FB0] =	sst s10  }
0x32: {  	s10 =	sld [smem:$0x3FAE];
	_ =	sdelay $0x3  }
0x33: {  	p0 =	seq.s32 s10, $0x1;
	s10 =	sld [smem:$0x3FB0];
	_ =	sdelay $0x3  }
0x34: {  	[smem:$0x3FB0] =	sst s10  }
0x35: {  	s10 =	sld [smem:$0x3FAF];
	_ =	sdelay $0x3  }
0x36: {  	p1 =	seq.s32 s10, $0x1;
	s10 =	sld [smem:$0x3FB0];
	_ =	sdelay $0x3  }
0x37: {  	[smem:$0x3FB0] =	sst s10  }
0x38: {  	s10 =	sld [smem:$0x3FB1]  }
0x39: {  	_ = 	snop;
	(pc) =	sbr.ind lr, $3  }
0x3a: {  	_ = 	snop  }
0x3b: {  	_ = 	snop  }
0x3c: {  	p2 =	seq.s32 s10, $0x1;
	s10 =	sld [smem:$0x3FB0]  }
0x3d: {  	_ =	shalt  }
0x3e: {  	_ =	shalt  }
0x3f: {  	_ =	shalt  }
0x40: {  	_ =	shalt  }
0x41: {  	_ =	shalt  }
0x42: {  	_ =	shalt  }
0x43: {  	_ =	shalt  }
0x44: {  	_ =	shalt  }
0x45: {  	_ =	shalt  }
0x46: {  	_ =	shalt  }
0x47: {  	_ =	shalt  }
0x48: {  	_ =	shalt  }
0x49: {  	_ =	shalt  }
0x4a: {  	_ =	shalt  }
0x4b: {  	_ =	shalt  }
0x4c: {  	_ =	shalt  }
0x4d: {  	_ =	shalt  }
0x4e: {  	_ =	shalt  }
0x4f: {  	_ =	shalt  }
0x50: {  	_ =	shalt  }
0x51: {  	_ =	shalt  }
0x52: {  	_ =	shalt  }
0x53: {  	_ =	shalt  }
0x54: {  	_ =	shalt  }
0x55: {  	_ =	shalt  }
0x56: {  	_ =	shalt  }
0x57: {  	_ =	shalt  }
0x58: {  	_ =	shalt  }
0x59: {  	_ =	shalt  }
0x5a: {  	_ =	shalt  }
0x5b: {  	_ =	shalt  }
0x5c: {  	_ =	shalt  }
0x5d: {  	_ =	shalt  }
0x5e: {  	_ =	shalt  }
0x5f: {  	_ =	shalt  }
0x60: {  	_ =	shalt  }
0x61: {  	_ =	shalt  }
0x62: {  	_ =	shalt  }
0x63: {  	_ =	shalt  }
0x64: {  	_ =	shalt  }
0x65: {  	_ =	shalt  }
0x66: {  	_ =	shalt  }
0x67: {  	_ =	shalt  }
0x68: {  	_ =	shalt  }
0x69: {  	_ =	shalt  }
0x6a: {  	_ =	shalt  }
0x6b: {  	_ =	shalt  }
0x6c: {  	_ =	shalt  }
0x6d: {  	_ =	shalt  }
0x6e: {  	_ =	shalt  }
0x6f: {  	_ =	shalt  }
0x70: {  	_ =	shalt  }
0x71: {  	_ =	shalt  }
0x72: {  	_ =	shalt  }
0x73: {  	_ =	shalt  }
0x74: {  	_ =	shalt  }
0x75: {  	_ =	shalt  }
0x76: {  	_ =	shalt  }
0x77: {  	_ =	shalt  }
0x78: {  	_ =	shalt  }
0x79: {  	_ =	shalt  }
0x7a: {  	_ =	shalt  }
0x7b: {  	_ =	shalt  }
0x7c: {  	_ =	shalt  }
0x7d: {  	_ =	shalt  }
0x7e: {  	_ =	shalt  }
0x7f: {  	_ =	shalt  }
0x80: {  	_ =	shalt  }
0x81: {  	_ =	shalt  }
0x82: {  	_ =	shalt  }
0x83: {  	_ =	shalt  }
0x84: {  	_ =	shalt  }
0x85: {  	_ =	shalt  }
0x86: {  	_ =	shalt  }
0x87: {  	_ =	shalt  }
.Lfunc_end0:
.L_simem_size_0:
called_computation.1_lowered:
.L_overlay_start_0:
0x88: {  	s2 =	sld [smem:$0x3FD9]  }
0x89: {  	s3 =	sld [smem:$0x3FFE];
	_ =	sdelay $0x1  }
0x8a: {  	s1 =	srdreg.scid  }
0x8b: {  	s0 =	sand.u32 $0x1, s1  }
0x8c: {  	s17 =	sshll.u32 s0, $0xA;
	s2 =	sadd.s32 s3, s2  }
0x8d: {  	s2 =	sadd.s32 s2, s17  }
0x8e: {  	[smem:$0x3FBC] =	sst s2  }
0x8f: {  	_ = 	snop  }
0x90: {  	s2 =	sld [smem:$0x3FD0];
	(tm) =	ssettm $0x1  }
0x91: {  	s18 =	sld [smem:$0x3FFB];
	_ =	sdelay $0x3  }
0x92: {  	_ =	strace s18  }
0x93: {  	s3 =	sld [smem:$0x3FFC];
	_ =	sdelay $0x3  }
0x94: {  	_ =	strace s3  }
0x95: {  	s3 =	sld [smem:$0x3FFD];
	_ =	sdelay $0x3  }
0x96: {  	_ =	strace s3  }
0x97: {  	_ =	strace $0x8FFFFFFF  }
0x98: {  	s19 =	sld [smem:$0x3FDB];
	_ =	sdelay $0x1  }
0x99: {  	s4 =	simm.s32 $_scs_section_size  }
0x9a: {  	s5 =	simm.s32 $_size__tile_overlayer_lowered;
	s6 =	simm.s32 $_tile_overlayer_lowered  }
0x9b: {  	s22 =	simm.s32 $0x1BFF;
	s21 =	sshll.u32 s6, $0x1;
	s3 =	sadd.s32 s4, s19  }
0x9c: {  	s7 =	simm.s32 $0x0;
	s20 =	sshll.u32 s5, $0x1;
	s5 =	sadd.s32 s21, s3  }
0x9d: {  	[timem:s7], [sflag:s22] =	dma.local [hbm:s5], s20  }
0x9e: {  	_ =	swait.ge [sflag:s22], s20  }
0x9f: {  	s4 =	ssub.s32 $0x0, s20;
	[sflag:s22] =	ssyncset.done $0x0  }
0xa0: {  	[sflag:s22] =	ssyncadd.s32 s4;
	_ =	sdelay $0x1  }
0xa1: {  	s23 =	simm.s32 $0x1B8B  }
0xa2: {  	_ =	swait.ge [sflag:s23], $0x1  }
0xa3: {  	[sflag:s23] =	ssyncset.done $0x0  }
0xa4: {  	s25 =	simm.s32 $0x1B8E;
	s24 =	sld [smem:$0x3FFE];
	[sflag:s23] =	ssyncadd.s32 $0xFFFFFFFF  }
0xa5: {  	s26 =	simm.s32 $execute0_lowered;
	[smem:$0x3FD2] =	sst s25  }
0xa6: {  	s5 =	sshll.u32 s26, $0x1;
	_ =	strace $0x80000049;
	[dreg:$0x1] =	wrdreg $0xFFFFFFFF  }
0xa7: {  	s28 =	simm.s32 $_size_execute0_lowered;
	s3 =	sadd.s32 s3, s5;
	[dreg:$0x0] =	wrdreg $0x0  }
0xa8: {  	s5 =	sshll.u32 s28, $0x1;
	[dreg:$0x2] =	wrdreg s3  }
0xa9: {  	[dreg:$0x3] =	wrdreg s5  }
0xaa: {  	[dreg:$0x4] =	wrdreg $0xC0  }
0xab: {  	_ =	task [dreg:s7], $0x5FFFF  }
0xac: {  	[dreg:$0x1] =	wrdreg $0xFFFFFFFF  }
0xad: {  	[dreg:$0x0] =	wrdreg $0x60  }
0xae: {  	[dreg:$0x2] =	wrdreg s24  }
0xaf: {  	[dreg:$0x3] =	wrdreg s2  }
0xb0: {  	[dreg:$0x4] =	wrdreg $0xA9000  }
0xb1: {  	[dreg:$0x5] =	wrdreg $0x9  }
0xb2: {  	_ =	task.clear_ibuf [dreg:s7], $0x6FFFF;
	_ =	strace $0x90000049  }
0xb3: {  	s29 =	simm.s32 $0x9;
	_ =	strace $0x8000004B  }
0xb4: {  	_ =	swait.ge [sflag:s29], $0x1  }
0xb5: {  	[sflag:s29] =	ssyncadd.s32 $0xFFFFFFFF  }
0xb6: {  	_ =	strace $0x9000004B  }
0xb7: {  	_ =	sfence  }
0xb8: {  	s30 =	sld [smem:$0x0];
	_ =	sdelay $0x2  }
0xb9: {  	s31 =	sshll.u32 s1, $0xD;
	s1 =	sshrl.u32 s1, $0x2  }
0xba: {  	s3 =	sand.u32 $0x4000, s31;
	s1 =	sadd.s32 s1, s30  }
0xbb: {  	s0 =	sor.u32 s3, s0;
	s1 =	sshll.u32 s1, $0x11  }
0xbc: {  	s0 =	sor.u32 s1, s0  }
0xbd: {  	s0 =	sadd.s32 $0x8F2B, s0  }
0xbe: {  	[sflag:s0] =	ssyncadd.remote.s32 $0x1  }
0xbf: {  	_ =	sfence.sel $0xFFFF  }
0xc0: {  	[dreg:$0x0] =	wrdreg $0xFFFFFFFF;
	(pc) =	sbr.abs _section_cstart, $3  }
0xc1: {  	[dreg:$0x1] =	wrdreg $0xFFFFFFFF  }
0xc2: {  	_ =	task.clear_ibuf [dreg:s7], $0x2FFFF;
	_ =	strace $0x9FFFFFFF  }
0xc3: {  	(tm) =	ssettm $0x7FFFFFFF  }
tec
execute0_lowered:
.L_overlay_start_1:
0x0: {  	(tag) =	ssettag $0x1  }
0x1: {  	s0 =	rddreg [dreg:$0x0]  }
0x2: {  	s3 =	rddreg [dreg:$0x1]  }
0x3: {  	s1 =	rddreg [dreg:$0x2];
	s2 =	simm.s32 $0x0  }
0x4: {  	s5 =	srdreg.scid;
	s21 =	stileid.u32;
	s28 =	simm.s32 $0x3  }
0x5: {  	s29 =	simm.s32 $0x4;
	s30 =	simm.s32 $0x0;
	[smem:$0x7FF] =	sst s2  }
0x6: {  	s4 =	sadd.s32 $0x3000, s0;
	s8 =	sand.u32 $0x1, s5;
	s6 =	smul.u32 $0x50000, s21  }
0x7: {  	s0 =	sadd.s32 $0x2B000, s0;
	s9 =	sshll.u32 s21, $0x1;
	s12 =	smul.u32 $0x14000, s21  }
0x8: {  	s21 =	simm.s32 $0x5;
	_ =	strace $0x8000004A;
	s5 =	ssub.s32 $0x2, s8  }
0x9: {  	s22 =	sor.u32 s8, s9;
	s18 =	smul.u32 $0x140000, s8;
	s7 =	sshrl.u32 s5, $0x1  }
0xa: {  	s6 =	sshrl.u32 s6, $0x2;
	s13 =	sadd.s32 $0x4000, s12;
	s16 =	sadd.s32 $0x8000, s12  }
0xb: {  	s9 =	smul.u32 $0x2800, s22;
	s17 =	sadd.s32 $0xC000, s12;
	s20 =	sadd.s32 $0x10000, s12  }
0xc: {  	s22 =	simm.s32 $0x1400;
	s19 =	ssub.s32 s5, s7;
	s5 =	sadd.s32 s6, s1  }
0xd: {  	s6 =	sadd.s32 s13, s1;
	s7 =	sadd.s32 s16, s1;
	s8 =	sadd.s32 s17, s1  }
0xe: {  	s10 =	sadd.s32 s20, s1;
	s23 =	sadd.s32 s12, s18;
	s15 =	sadd.s32 s18, s13  }
0xf: {  	s25 =	sadd.s32 s18, s16;
	s26 =	sadd.s32 s18, s17;
	s18 =	sadd.s32 s18, s20  }
0x10: {  	s20 =	simm.s32 $0x2800;
	s9 =	sshrl.u32 s9, $0x3;
	s24 =	sshrl.u32 s15, $0x3  }
0x11: {  	s17 =	sshrl.u32 s26, $0x3;
	s31 =	sshrl.u32 s18, $0x3;
	s19 =	smax.u32 s19, $0x1  }
0x12: {  	s26 =	simm.s32 $0x2;
	s9 =	sadd.s32 s3, s9;
	s3 =	sshrl.u32 s23, $0x3  }
0x13: {  	s15 =	sadd.s32 s0, s24;
	s17 =	sadd.s32 s0, s17;
	s18 =	sadd.s32 s0, s31  }
0x14: {  	s23 =	simm.s32 $0x80;
	s24 =	simm.s32 $0x6800;
	s11 =	sadd.s32 $0xA000, s9  }
0x15: {  	s12 =	sadd.s32 $0x280, s9;
	s14 =	sadd.s32 s0, s3;
	s3 =	sshrl.u32 s25, $0x3  }
0x16: {  	v0 =	vimm.f32 $0.0e+00;
	v1 =	vimm.f32 $1.000000000e+00;
	s13 =	sadd.s32 $0xA280, s9;
	s25 =	simm.s32 $0x1;
	s16 =	sadd.s32 s0, s3  }
.LBB2_1:
0x17: {  	s2 =	simm.s32 $0x0  }
0x18: {  	s0 =	sand.u32 $0xFE00, s2  }
0x19: {  	s3 =	sand.u32 $0x70, s2;
	s0 =	sshrl.u32 s0, $0x2  }
0x1a: {  	s31 =	simm.s32 $0x40;
	s3 =	sor.u32 s3, s0;
	s0 =	simm.s32 $0x0  }
.LBB2_2:
0x1b: {  	p0 =	sne.s32 s31, $0xFFC0  }
0x1c: {  	[tilespmem:s3+$0x2800] =	vst v0;
	s0 =	sadd.s32 $0x10, s0;
	s3 =	smov.u32 s31;
	s31 =	sadd.s32 $0x40, s31  }
.Ltmp0:
0x1d: {  	(pc) =	sbr.rel @p0 .LBB2_2-.Ltmp0, $4  }
0x1e: {  	_ = 	snop  }
0x1f: {  	s3 =	sand.u32 $0xFE00, s3  }
0x20: {  	s2 =	sand.u32 $0x70, s0;
	s3 =	sshrl.u32 s3, $0x2  }
0x21: {  	s3 =	sor.u32 s2, s3  }
0x22: {  	[tilespmem:s3+$0x2800] =	vst v0  }
0x23: {  	[tilespmem:$0xA800] =	vst v1  }
0x24: {  	[tilespmem:$0xA880] =	vst v0  }
0x25: {  	[tilespmem:$0xA810] =	vst v1  }
0x26: {  	[tilespmem:$0xA890] =	vst v0  }
0x27: {  	[tilespmem:$0xA820] =	vst v1  }
0x28: {  	[tilespmem:$0xA8A0] =	vst v0  }
0x29: {  	[tilespmem:$0xA830] =	vst v1  }
0x2a: {  	[tilespmem:$0xA8B0] =	vst v0  }
0x2b: {  	[tilespmem:$0xA840] =	vst v1  }
0x2c: {  	[tilespmem:$0xA8C0] =	vst v0  }
0x2d: {  	[tilespmem:$0xA850] =	vst v1  }
0x2e: {  	[tilespmem:$0xA8D0] =	vst v0  }
0x2f: {  	[tilespmem:$0xA860] =	vst v1  }
0x30: {  	[tilespmem:$0xA8E0] =	vst v0  }
0x31: {  	[tilespmem:$0xA870] =	vst v1  }
0x32: {  	[tilespmem:$0xA8F0] =	vst v0  }
0x33: {  	[spmem:s5] =	stream.linear.scatter [tilespmem:s20], [sflag:$0x5], $0x4000, $0x38;
	[tilespmem:$0x1E900] =	vst v63  }
0x34: {  	_ =	swait.ge [sflag:s21], $0x4000  }
0x35: {  	[sflag:s21] =	ssyncset.done $0x0  }
0x36: {  	[sflag:s21] =	ssyncadd.s32 $0xFFFFC000  }
0x37: {  	[spmem:s6] =	stream.linear.scatter [tilespmem:s20], [sflag:$0x5], $0x4000, $0x38;
	[tilespmem:$0x1E900] =	vst v63  }
0x38: {  	_ =	swait.ge [sflag:s21], $0x4000  }
0x39: {  	[sflag:s21] =	ssyncset.done $0x0  }
0x3a: {  	[sflag:s21] =	ssyncadd.s32 $0xFFFFC000  }
0x3b: {  	[spmem:s7] =	stream.linear.scatter [tilespmem:s20], [sflag:$0x5], $0x4000, $0x38;
	[tilespmem:$0x1E900] =	vst v63  }
0x3c: {  	_ =	swait.ge [sflag:s21], $0x4000  }
0x3d: {  	[sflag:s21] =	ssyncset.done $0x0  }
0x3e: {  	[sflag:s21] =	ssyncadd.s32 $0xFFFFC000  }
0x3f: {  	[spmem:s8] =	stream.linear.scatter [tilespmem:s20], [sflag:$0x5], $0x4000, $0x38;
	[tilespmem:$0x1E900] =	vst v63  }
0x40: {  	_ =	swait.ge [sflag:s21], $0x4000  }
0x41: {  	[sflag:s21] =	ssyncset.done $0x0  }
0x42: {  	[sflag:s21] =	ssyncadd.s32 $0xFFFFC000  }
0x43: {  	[spmem:s10] =	stream.linear.scatter [tilespmem:s20], [sflag:$0x5], $0x4000, $0x38;
	[tilespmem:$0x1E900] =	vst v63  }
0x44: {  	_ =	swait.ge [sflag:s21], $0x4000  }
0x45: {  	[sflag:s21] =	ssyncset.done $0x0  }
0x46: {  	[sflag:s21] =	ssyncadd.s32 $0xFFFFC000  }
0x47: {  	s0 =	simm.s32 $0x0;
	[bflag:$0x0] =	sbarrier.arrive $0xFFFF  }
0x48: {  	[tilespmem:s0], [sflag:$0x5] =	stream.linear.gather [hbm4b:s9+s0], $0x1400, $0x38;
	[tilespmem:$0x1E900] =	vst v63  }
0x49: {  	_ =	swait.ge [sflag:s21], $0x1400  }
0x4a: {  	[sflag:s21] =	ssyncset.done $0x0  }
0x4b: {  	[sflag:s21] =	ssyncadd.s32 $0xFFFFEC00  }
0x4c: {  	[tilespmem:s22], [sflag:$0x5] =	stream.linear.gather [hbm4b:s11+s0], $0x1400, $0x38;
	[tilespmem:$0x1E900] =	vst v63  }
0x4d: {  	_ =	swait.ge [sflag:s21], $0x1400  }
0x4e: {  	[sflag:s21] =	ssyncset.done $0x0  }
0x4f: {  	s2 =	simm.s32 $0x0;
	[sflag:s21] =	ssyncadd.s32 $0xFFFFEC00  }
0x50: {  	[tilespmem:s20], [sflag:$0x1] =	stream.indirect.gather [hbm4b:s4+s23], $0x80, s2, s23, $0xb8;
	[tilespmem:$0x1E900] =	vst v63  }
0x51: {  	s3 =	simm.s32 $0x80  }
0x52: {  	[tilespmem:s24], [sflag:$0x2] =	stream.indirect.gather [hbm4b:s4+s23], $0x80, s3, s23, $0xb8;
	[tilespmem:$0x1E900] =	vst v63  }
0x53: {  	_ =	swait.ge [sflag:s25], $0x4000  }
0x54: {  	[sflag:s25] =	ssyncset.done $0x0  }
0x55: {  	s2 =	simm.s32 $0x1400;
	[sflag:s25] =	ssyncadd.s32 $0xFFFFC000  }
0x56: {  	[spmem:s1] =	stream.indirect.scatter.add.f32 [tilespmem:s20], [sflag:$0x3], $0x80, s2, s23, $0xb8;
	[tilespmem:$0x1E900] =	vst v63  }
0x57: {  	_ =	swait.ge [sflag:s26], $0x4000  }
0x58: {  	[sflag:s26] =	ssyncset.done $0x0  }
0x59: {  	s3 =	simm.s32 $0x1480;
	[sflag:s26] =	ssyncadd.s32 $0xFFFFC000  }
0x5a: {  	[spmem:s1] =	stream.indirect.scatter.add.f32 [tilespmem:s24], [sflag:$0x4], $0x80, s3, s23, $0xb8;
	[tilespmem:$0x1E900] =	vst v63  }
0x5b: {  	_ =	swait.ge [sflag:s28], $0x4000  }
0x5c: {  	[sflag:s28] =	ssyncset.done $0x0  }
0x5d: {  	[sflag:s28] =	ssyncadd.s32 $0xFFFFC000  }
0x5e: {  	_ =	swait.ge [sflag:s29], $0x4000  }
0x5f: {  	s31 =	simm.s32 $0x400;
	s0 =	simm.s32 $0x800;
	[sflag:s29] =	ssyncset.done $0x0  }
.LBB2_4:
0x60: {  	s2 =	sshra.s32 s31, $0x2  }
0x61: {  	[sflag:s29] =	ssyncadd.s32 $0xFFFFC000;
	s31 =	smov.u32 s0;
	s3 =	sadd.s32 $0x400, s0  }
0x62: {  	[tilespmem:s20], [sflag:$0x1] =	stream.indirect.gather [hbm4b:s4+s23], $0x80, s2, s23, $0xb8;
	[tilespmem:$0x1E900] =	vst v63  }
0x63: {  	p0 =	sne.s32 s0, $0x4C00;
	s0 =	sadd.s32 $0x80, s2  }
0x64: {  	[tilespmem:s24], [sflag:$0x2] =	stream.indirect.gather [hbm4b:s4+s23], $0x80, s0, s23, $0xb8;
	[tilespmem:$0x1E900] =	vst v63  }
0x65: {  	_ =	swait.ge [sflag:s25], $0x4000  }
0x66: {  	[sflag:s25] =	ssyncset.done $0x0  }
0x67: {  	s0 =	sadd.s32 $0x1400, s2;
	[sflag:s25] =	ssyncadd.s32 $0xFFFFC000  }
0x68: {  	[spmem:s1] =	stream.indirect.scatter.add.f32 [tilespmem:s20], [sflag:$0x3], $0x80, s0, s23, $0xb8;
	[tilespmem:$0x1E900] =	vst v63  }
0x69: {  	_ =	swait.ge [sflag:s26], $0x4000  }
0x6a: {  	[sflag:s26] =	ssyncset.done $0x0  }
0x6b: {  	s0 =	sadd.s32 $0x1480, s2;
	[sflag:s26] =	ssyncadd.s32 $0xFFFFC000  }
0x6c: {  	[spmem:s1] =	stream.indirect.scatter.add.f32 [tilespmem:s24], [sflag:$0x4], $0x80, s0, s23, $0xb8;
	[tilespmem:$0x1E900] =	vst v63  }
.Ltmp1:
0x6d: {  	_ =	swait.ge [sflag:s28], $0x4000;
	(pc) =	sbr.rel @p0 .LBB2_4-.Ltmp1, $4  }
0x6e: {  	[sflag:s28] =	ssyncset.done $0x0  }
0x6f: {  	[sflag:s28] =	ssyncadd.s32 $0xFFFFC000  }
0x70: {  	_ =	swait.ge [sflag:s29], $0x4000  }
0x71: {  	s0 =	smov.u32 s3;
	[sflag:s29] =	ssyncset.done $0x0  }
0x72: {  	s0 =	sshra.s32 s31, $0x2;
	[sflag:s29] =	ssyncadd.s32 $0xFFFFC000  }
0x73: {  	[tilespmem:s20], [sflag:$0x1] =	stream.indirect.gather [hbm4b:s4+s23], $0x80, s0, s23, $0xb8;
	[tilespmem:$0x1E900] =	vst v63  }
0x74: {  	s2 =	sadd.s32 $0x80, s0  }
0x75: {  	[tilespmem:s24], [sflag:$0x2] =	stream.indirect.gather [hbm4b:s4+s23], $0x80, s2, s23, $0xb8;
	[tilespmem:$0x1E900] =	vst v63  }
0x76: {  	_ =	swait.ge [sflag:s25], $0x4000  }
0x77: {  	[sflag:s25] =	ssyncset.done $0x0  }
0x78: {  	s3 =	sadd.s32 $0x1400, s0;
	[sflag:s25] =	ssyncadd.s32 $0xFFFFC000  }
0x79: {  	[spmem:s1] =	stream.indirect.scatter.add.f32 [tilespmem:s20], [sflag:$0x3], $0x80, s3, s23, $0xb8;
	[tilespmem:$0x1E900] =	vst v63  }
0x7a: {  	_ =	swait.ge [sflag:s26], $0x4000  }
0x7b: {  	[sflag:s26] =	ssyncset.done $0x0  }
0x7c: {  	s0 =	sadd.s32 $0x1480, s0;
	[sflag:s26] =	ssyncadd.s32 $0xFFFFC000  }
0x7d: {  	[spmem:s1] =	stream.indirect.scatter.add.f32 [tilespmem:s24], [sflag:$0x4], $0x80, s0, s23, $0xb8;
	[tilespmem:$0x1E900] =	vst v63  }
0x7e: {  	_ =	swait.ge [sflag:s28], $0x4000  }
0x7f: {  	[sflag:s28] =	ssyncset.done $0x0  }
0x80: {  	[sflag:s28] =	ssyncadd.s32 $0xFFFFC000  }
0x81: {  	_ =	swait.ge [sflag:s29], $0x4000  }
0x82: {  	[sflag:s29] =	ssyncset.done $0x0  }
0x83: {  	s3 =	simm.s32 $0x0;
	[sflag:s29] =	ssyncadd.s32 $0xFFFFC000  }
0x84: {  	[tilespmem:s3], [sflag:$0x5] =	stream.linear.gather [hbm4b:s12+s3], $0x1400, $0x38;
	[tilespmem:$0x1E900] =	vst v63  }
0x85: {  	_ =	swait.ge [sflag:s21], $0x1400  }
0x86: {  	[sflag:s21] =	ssyncset.done $0x0  }
0x87: {  	[sflag:s21] =	ssyncadd.s32 $0xFFFFEC00  }
0x88: {  	[tilespmem:s22], [sflag:$0x5] =	stream.linear.gather [hbm4b:s13+s3], $0x1400, $0x38;
	[tilespmem:$0x1E900] =	vst v63  }
0x89: {  	_ =	swait.ge [sflag:s21], $0x1400  }
0x8a: {  	[sflag:s21] =	ssyncset.done $0x0  }
0x8b: {  	s2 =	simm.s32 $0x0;
	[sflag:s21] =	ssyncadd.s32 $0xFFFFEC00  }
0x8c: {  	[tilespmem:s20], [sflag:$0x1] =	stream.indirect.gather [hbm4b:s4+s23], $0x80, s2, s23, $0xb8;
	[tilespmem:$0x1E900] =	vst v63  }
0x8d: {  	s3 =	simm.s32 $0x80  }
0x8e: {  	[tilespmem:s24], [sflag:$0x2] =	stream.indirect.gather [hbm4b:s4+s23], $0x80, s3, s23, $0xb8;
	[tilespmem:$0x1E900] =	vst v63  }
0x8f: {  	_ =	swait.ge [sflag:s25], $0x4000  }
0x90: {  	[sflag:s25] =	ssyncset.done $0x0  }
0x91: {  	s2 =	simm.s32 $0x1400;
	[sflag:s25] =	ssyncadd.s32 $0xFFFFC000  }
0x92: {  	[spmem:s1] =	stream.indirect.scatter.add.f32 [tilespmem:s20], [sflag:$0x3], $0x80, s2, s23, $0xb8;
	[tilespmem:$0x1E900] =	vst v63  }
0x93: {  	_ =	swait.ge [sflag:s26], $0x4000  }
0x94: {  	[sflag:s26] =	ssyncset.done $0x0  }
0x95: {  	s3 =	simm.s32 $0x1480;
	[sflag:s26] =	ssyncadd.s32 $0xFFFFC000  }
0x96: {  	[spmem:s1] =	stream.indirect.scatter.add.f32 [tilespmem:s24], [sflag:$0x4], $0x80, s3, s23, $0xb8;
	[tilespmem:$0x1E900] =	vst v63  }
0x97: {  	_ =	swait.ge [sflag:s28], $0x4000  }
0x98: {  	[sflag:s28] =	ssyncset.done $0x0  }
0x99: {  	[sflag:s28] =	ssyncadd.s32 $0xFFFFC000  }
0x9a: {  	_ =	swait.ge [sflag:s29], $0x4000  }
0x9b: {  	s31 =	simm.s32 $0x400;
	s0 =	simm.s32 $0x800;
	[sflag:s29] =	ssyncset.done $0x0  }
.LBB2_6:
0x9c: {  	s2 =	sshra.s32 s31, $0x2  }
0x9d: {  	[sflag:s29] =	ssyncadd.s32 $0xFFFFC000;
	s31 =	smov.u32 s0;
	s3 =	sadd.s32 $0x400, s0  }
0x9e: {  	[tilespmem:s20], [sflag:$0x1] =	stream.indirect.gather [hbm4b:s4+s23], $0x80, s2, s23, $0xb8;
	[tilespmem:$0x1E900] =	vst v63  }
0x9f: {  	p0 =	sne.s32 s0, $0x4C00;
	s0 =	sadd.s32 $0x80, s2  }
0xa0: {  	[tilespmem:s24], [sflag:$0x2] =	stream.indirect.gather [hbm4b:s4+s23], $0x80, s0, s23, $0xb8;
	[tilespmem:$0x1E900] =	vst v63  }
0xa1: {  	_ =	swait.ge [sflag:s25], $0x4000  }
0xa2: {  	[sflag:s25] =	ssyncset.done $0x0  }
0xa3: {  	s0 =	sadd.s32 $0x1400, s2;
	[sflag:s25] =	ssyncadd.s32 $0xFFFFC000  }
0xa4: {  	[spmem:s1] =	stream.indirect.scatter.add.f32 [tilespmem:s20], [sflag:$0x3], $0x80, s0, s23, $0xb8;
	[tilespmem:$0x1E900] =	vst v63  }
0xa5: {  	_ =	swait.ge [sflag:s26], $0x4000  }
0xa6: {  	[sflag:s26] =	ssyncset.done $0x0  }
0xa7: {  	s0 =	sadd.s32 $0x1480, s2;
	[sflag:s26] =	ssyncadd.s32 $0xFFFFC000  }
0xa8: {  	[spmem:s1] =	stream.indirect.scatter.add.f32 [tilespmem:s24], [sflag:$0x4], $0x80, s0, s23, $0xb8;
	[tilespmem:$0x1E900] =	vst v63  }
.Ltmp2:
0xa9: {  	_ =	swait.ge [sflag:s28], $0x4000;
	(pc) =	sbr.rel @p0 .LBB2_6-.Ltmp2, $4  }
0xaa: {  	[sflag:s28] =	ssyncset.done $0x0  }
0xab: {  	[sflag:s28] =	ssyncadd.s32 $0xFFFFC000  }
0xac: {  	_ =	swait.ge [sflag:s29], $0x4000  }
0xad: {  	s0 =	smov.u32 s3;
	[sflag:s29] =	ssyncset.done $0x0  }
0xae: {  	s0 =	sshra.s32 s31, $0x2;
	[sflag:s29] =	ssyncadd.s32 $0xFFFFC000  }
0xaf: {  	[tilespmem:s20], [sflag:$0x1] =	stream.indirect.gather [hbm4b:s4+s23], $0x80, s0, s23, $0xb8;
	[tilespmem:$0x1E900] =	vst v63  }
0xb0: {  	s2 =	sadd.s32 $0x80, s0  }
0xb1: {  	[tilespmem:s24], [sflag:$0x2] =	stream.indirect.gather [hbm4b:s4+s23], $0x80, s2, s23, $0xb8;
	[tilespmem:$0x1E900] =	vst v63  }
0xb2: {  	_ =	swait.ge [sflag:s25], $0x4000  }
0xb3: {  	[sflag:s25] =	ssyncset.done $0x0  }
0xb4: {  	s31 =	sadd.s32 $0x1400, s0;
	[sflag:s25] =	ssyncadd.s32 $0xFFFFC000  }
0xb5: {  	[spmem:s1] =	stream.indirect.scatter.add.f32 [tilespmem:s20], [sflag:$0x3], $0x80, s31, s23, $0xb8;
	[tilespmem:$0x1E900] =	vst v63  }
0xb6: {  	_ =	swait.ge [sflag:s26], $0x4000  }
0xb7: {  	[sflag:s26] =	ssyncset.done $0x0  }
0xb8: {  	s0 =	sadd.s32 $0x1480, s0;
	[sflag:s26] =	ssyncadd.s32 $0xFFFFC000  }
0xb9: {  	[spmem:s1] =	stream.indirect.scatter.add.f32 [tilespmem:s24], [sflag:$0x4], $0x80, s0, s23, $0xb8;
	[tilespmem:$0x1E900] =	vst v63  }
0xba: {  	_ =	swait.ge [sflag:s28], $0x4000  }
0xbb: {  	[sflag:s28] =	ssyncset.done $0x0  }
0xbc: {  	[sflag:s28] =	ssyncadd.s32 $0xFFFFC000  }
0xbd: {  	_ =	swait.ge [sflag:s29], $0x4000  }
0xbe: {  	s3 =	stileid.u32;
	[sflag:s29] =	ssyncset.done $0x0  }
0xbf: {  	s0 =	sshll.u32 s3, $0x6;
	[sflag:s29] =	ssyncadd.s32 $0xFFFFC000  }
0xc0: {  	s31 =	sshrl.u32 s5, $0x3;
	s0 =	sor.u32 $0x1C05, s0;
	[bflag:$0x0] =	sbarrier.arrive $0xFFFF  }
0xc1: {  	[hbm:s14], [sflag:s0] =	dma.local [spmem:s31], $0x800  }
0xc2: {  	_ =	swait.ge [sflag:s21], $0x800  }
0xc3: {  	[sflag:s21] =	ssyncset.done $0x0  }
0xc4: {  	s3 =	sshrl.u32 s6, $0x3;
	[sflag:s21] =	ssyncadd.s32 $0xFFFFF800  }
0xc5: {  	[hbm:s15], [sflag:s0] =	dma.local [spmem:s3], $0x800  }
0xc6: {  	_ =	swait.ge [sflag:s21], $0x800  }
0xc7: {  	[sflag:s21] =	ssyncset.done $0x0  }
0xc8: {  	s31 =	sshrl.u32 s7, $0x3;
	[sflag:s21] =	ssyncadd.s32 $0xFFFFF800  }
0xc9: {  	[hbm:s16], [sflag:s0] =	dma.local [spmem:s31], $0x800  }
0xca: {  	_ =	swait.ge [sflag:s21], $0x800  }
0xcb: {  	[sflag:s21] =	ssyncset.done $0x0  }
0xcc: {  	s3 =	sshrl.u32 s8, $0x3;
	[sflag:s21] =	ssyncadd.s32 $0xFFFFF800  }
0xcd: {  	[hbm:s17], [sflag:s0] =	dma.local [spmem:s3], $0x800  }
0xce: {  	s30 =	sadd.s32 $0x1, s30;
	_ =	swait.ge [sflag:s21], $0x800  }
0xcf: {  	p0 =	sne.s32 s30, s19;
	[sflag:s21] =	ssyncset.done $0x0  }
.Ltmp3:
0xd0: {  	s31 =	sshrl.u32 s10, $0x3;
	[sflag:s21] =	ssyncadd.s32 $0xFFFFF800;
	(pc) =	sbr.rel @p0 .LBB2_1-.Ltmp3, $4  }
0xd1: {  	[hbm:s18], [sflag:s0] =	dma.local [spmem:s31], $0x800  }
0xd2: {  	_ =	swait.ge [sflag:s21], $0x800  }
0xd3: {  	[sflag:s21] =	ssyncset.done $0x0  }
0xd4: {  	[sflag:s21] =	ssyncadd.s32 $0xFFFFF800  }
0xd5: {  	_ =	sfence.sel $0x180000  }
0xd6: {  	[bflag:$0x0] =	sbarrier.arrive $0xFFFF  }
0xd7: {  	_ =	strace $0x9000004A  }
0xd8: {  	s0 =	stileid.u32;
	[bflag:$0x2] =	sbarrier.arrive $0xFFFF  }
0xd9: {  	p0 =	sne.s32 s0, $0x0;
	s0 =	rddreg [dreg:$0x3]  }
0xda: {  	s0 =	sadd.s32 @!p0 $0x100000, s0  }
0xdb: {  	[sflag:s0] =	ssyncadd.tile.s32 @!p0 $0x1;
	_ =	shalt  }
.Lfunc_end2:
_tile_overlayer_lowered:
.L_overlay_start_2:
0xdc: {  	(tag) =	ssettag $0x2  }
0xdd: {  	s0 =	rddreg [dreg:$0x0];
	s2 =	stileid.u32  }
0xde: {  	s1 =	rddreg [dreg:$0x1];
	p0 =	sne.s32 s2, $0x0  }
0xdf: {  	s3 =	rddreg [dreg:$0x2];
	[bflag:$0x3] =	sbarrier.arrive $0xFFFF;
	s2 =	simm.s32 @!p0 $0x1C05  }
0xe0: {  	[timem:s3], [sflag:s2] =	dma.local @!p0 [hbm:s0], s1  }
0xe1: {  	s0 =	simm.s32 @!p0 $0x5  }
0xe2: {  	_ =	swait.ge @!p0 [sflag:s0], s1  }
0xe3: {  	s1 =	ssub.s32 @!p0 $0x0, s1;
	[sflag:s0] =	ssyncset.done @!p0 $0x0  }
0xe4: {  	[sflag:s0] =	ssyncadd.s32 @!p0 s1  }
0xe5: {  	[bflag:$0x3] =	sbarrier.arrive $0xFFFF  }
0xe6: {  	_ =	shalt  }

// kernel: kernel.7.cloned.1.call-start
scs
__scs_entry_jumppad:
0x0: {  	(pc) =	sbr.rel $0x88, $3  }
0x1: {  	(tag) =	ssettag $0x0;
	lr =	simm.s32 $0x1  }
0x2: {  	[smem:$0x3F95] =	sst lr;
	_ =	strace $0xD0000000  }
0x3: {  	_ = 	snop  }
0x4: {  	_ = 	snop  }
0x5: {  	_ = 	snop  }
0x6: {  	_ = 	snop  }
0x7: {  	_ = 	snop  }
__scs_overlays_trampoline_lowered:
0x8: {  	[smem:$0x3FA4] =	sst s0  }
0x9: {  	[smem:$0x3FA5] =	sst s1  }
0xa: {  	[smem:$0x3FA6] =	sst s2  }
0xb: {  	[smem:$0x3FA7] =	sst s3  }
0xc: {  	[smem:$0x3FA8] =	sst s4  }
0xd: {  	[smem:$0x3FA9] =	sst s5  }
0xe: {  	[smem:$0x3FAA] =	sst s6  }
0xf: {  	[smem:$0x3FAB] =	sst s7  }
0x10: {  	[smem:$0x3FAC] =	sst s8  }
0x11: {  	[smem:$0x3FAD] =	sst s9;
	s0 =	simm.s32 @!p0 $0x0  }
0x12: {  	s1 =	sld [smem:$0x3F93];
	s0 =	simm.s32 @p0 $0x1  }
0x13: {  	[smem:$0x3FAE] =	sst s0;
	s0 =	simm.s32 @!p1 $0x0  }
0x14: {  	s2 =	sld [smem:$0x3F92];
	s0 =	simm.s32 @p1 $0x1  }
0x15: {  	[smem:$0x3FAF] =	sst s0;
	s0 =	simm.s32 @!p2 $0x0  }
0x16: {  	s3 =	sld [smem:$0x3FDB];
	s0 =	simm.s32 @p2 $0x1  }
0x17: {  	s4 =	simm.s32 $0x1BF5;
	[smem:$0x3FB1] =	sst s0  }
0x18: {  	s0 =	sld [smem:$0x3F94];
	_ =	swait.ge [sflag:s4], $0x0  }
0x19: {  	s7 =	sld [smem:$0x3F95]  }
0x1a: {  	s8 =	sadd.s32 $0xFFFFE003, lr  }
0x1b: {  	s9 =	sadd.s32 $0xFFFFFEF7, lr;
	s5 =	simm.s32 $0xFFFFFFFF;
	p2 =	slt.u32 s8, $0xFFFFF086  }
0x1c: {  	p1 =	slt.u32 s9, $0xF7A;
	s5 =	simm.s32 @!p2 $0x0  }
0x1d: {  	s5 =	simm.s32 @p1 $0x1;
	p0 =	seq.s32 s7, s2  }
0x1e: {  	s7 =	smul.u32 @!p0 $0xF7A, s2;
	p2 =	seq.s32 @!p0 s5, $0x0  }
0x1f: {  	s9 =	smul.u32 $0xF7A, s1;
	s8 =	simm.s32 @!p0 $0x1BF5;
	p2 =	por !p2, p0  }
0x20: {  	[sflag:s8] =	ssyncset.s32 @!p0 $0xFFFFF086;
	s6 =	sadd.s32 @!p0 s3, s7;
	s7 =	simm.s32 @!p0 $0x108  }
0x21: {  	s3 =	sadd.s32 s3, s9;
	s6 =	sadd.s32 @!p0 $0x88, s6;
	s7 =	simm.s32 @p2 $0x1082  }
0x22: {  	[simem:s7], [sflag:s8] =	dma.local @!p0 [hbm:s6], $0xF7A  }
0x23: {  	s9 =	sor.u32 $0xD0000000, s2;
	s6 =	simm.s32 $0x108;
	_ =	swait.ge @!p0 [sflag:s8], $0x0  }
0x24: {  	s3 =	sadd.s32 $0x88, s3;
	s6 =	simm.s32 @!p1 $0x1082;
	[sflag:s4] =	ssyncset.s32 $0xFFFFF086  }
0x25: {  	[simem:s6], [sflag:s4] =	dma.local [hbm:s3], $0xF7A  }
0x26: {  	[smem:$0x3F95] =	sst s1;
	(tag) =	ssettag s2;
	_ =	strace s9  }
0x27: {  	s1 =	sld [smem:$0x3FA5]  }
0x28: {  	s2 =	sld [smem:$0x3FA6]  }
0x29: {  	s4 =	sld [smem:$0x3FA8]  }
0x2a: {  	p0 =	seq.s32 s5, $0x0;
	s5 =	sld [smem:$0x3FA9]  }
0x2b: {  	s6 =	sld [smem:$0x3FAA]  }
0x2c: {  	s7 =	sld [smem:$0x3FAB]  }
0x2d: {  	s3 =	simm.s32 $0x108;
	s8 =	sld [smem:$0x3FAC]  }
0x2e: {  	s3 =	simm.s32 @!p0 $0x1082;
	s9 =	sld [smem:$0x3FAD]  }
0x2f: {  	lr =	sadd.s32 s0, s3;
	s0 =	sld [smem:$0x3FA4]  }
0x30: {  	s3 =	sld [smem:$0x3FA7]  }
0x31: {  	[smem:$0x3FB0] =	sst s10  }
0x32: {  	s10 =	sld [smem:$0x3FAE];
	_ =	sdelay $0x3  }
0x33: {  	p0 =	seq.s32 s10, $0x1;
	s10 =	sld [smem:$0x3FB0];
	_ =	sdelay $0x3  }
0x34: {  	[smem:$0x3FB0] =	sst s10  }
0x35: {  	s10 =	sld [smem:$0x3FAF];
	_ =	sdelay $0x3  }
0x36: {  	p1 =	seq.s32 s10, $0x1;
	s10 =	sld [smem:$0x3FB0];
	_ =	sdelay $0x3  }
0x37: {  	[smem:$0x3FB0] =	sst s10  }
0x38: {  	s10 =	sld [smem:$0x3FB1]  }
0x39: {  	_ = 	snop;
	(pc) =	sbr.ind lr, $3  }
0x3a: {  	_ = 	snop  }
0x3b: {  	_ = 	snop  }
0x3c: {  	p2 =	seq.s32 s10, $0x1;
	s10 =	sld [smem:$0x3FB0]  }
0x3d: {  	_ =	shalt  }
0x3e: {  	_ =	shalt  }
0x3f: {  	_ =	shalt  }
0x40: {  	_ =	shalt  }
0x41: {  	_ =	shalt  }
0x42: {  	_ =	shalt  }
0x43: {  	_ =	shalt  }
0x44: {  	_ =	shalt  }
0x45: {  	_ =	shalt  }
0x46: {  	_ =	shalt  }
0x47: {  	_ =	shalt  }
0x48: {  	_ =	shalt  }
0x49: {  	_ =	shalt  }
0x4a: {  	_ =	shalt  }
0x4b: {  	_ =	shalt  }
0x4c: {  	_ =	shalt  }
0x4d: {  	_ =	shalt  }
0x4e: {  	_ =	shalt  }
0x4f: {  	_ =	shalt  }
0x50: {  	_ =	shalt  }
0x51: {  	_ =	shalt  }
0x52: {  	_ =	shalt  }
0x53: {  	_ =	shalt  }
0x54: {  	_ =	shalt  }
0x55: {  	_ =	shalt  }
0x56: {  	_ =	shalt  }
0x57: {  	_ =	shalt  }
0x58: {  	_ =	shalt  }
0x59: {  	_ =	shalt  }
0x5a: {  	_ =	shalt  }
0x5b: {  	_ =	shalt  }
0x5c: {  	_ =	shalt  }
0x5d: {  	_ =	shalt  }
0x5e: {  	_ =	shalt  }
0x5f: {  	_ =	shalt  }
0x60: {  	_ =	shalt  }
0x61: {  	_ =	shalt  }
0x62: {  	_ =	shalt  }
0x63: {  	_ =	shalt  }
0x64: {  	_ =	shalt  }
0x65: {  	_ =	shalt  }
0x66: {  	_ =	shalt  }
0x67: {  	_ =	shalt  }
0x68: {  	_ =	shalt  }
0x69: {  	_ =	shalt  }
0x6a: {  	_ =	shalt  }
0x6b: {  	_ =	shalt  }
0x6c: {  	_ =	shalt  }
0x6d: {  	_ =	shalt  }
0x6e: {  	_ =	shalt  }
0x6f: {  	_ =	shalt  }
0x70: {  	_ =	shalt  }
0x71: {  	_ =	shalt  }
0x72: {  	_ =	shalt  }
0x73: {  	_ =	shalt  }
0x74: {  	_ =	shalt  }
0x75: {  	_ =	shalt  }
0x76: {  	_ =	shalt  }
0x77: {  	_ =	shalt  }
0x78: {  	_ =	shalt  }
0x79: {  	_ =	shalt  }
0x7a: {  	_ =	shalt  }
0x7b: {  	_ =	shalt  }
0x7c: {  	_ =	shalt  }
0x7d: {  	_ =	shalt  }
0x7e: {  	_ =	shalt  }
0x7f: {  	_ =	shalt  }
0x80: {  	_ =	shalt  }
0x81: {  	_ =	shalt  }
0x82: {  	_ =	shalt  }
0x83: {  	_ =	shalt  }
0x84: {  	_ =	shalt  }
0x85: {  	_ =	shalt  }
0x86: {  	_ =	shalt  }
0x87: {  	_ =	shalt  }
.Lfunc_end0:
.L_simem_size_0:
called_computation_lowered:
.L_overlay_start_0:
0x88: {  	s2 =	sld [smem:$0x3FD9]  }
0x89: {  	s3 =	sld [smem:$0x3FFE];
	_ =	sdelay $0x1  }
0x8a: {  	s1 =	srdreg.scid  }
0x8b: {  	s0 =	sand.u32 $0x1, s1  }
0x8c: {  	s17 =	sshll.u32 s0, $0xA;
	s2 =	sadd.s32 s3, s2  }
0x8d: {  	s2 =	sadd.s32 s2, s17  }
0x8e: {  	[smem:$0x3FBC] =	sst s2  }
0x8f: {  	_ = 	snop  }
0x90: {  	s2 =	sld [smem:$0x3FD0];
	(tm) =	ssettm $0x1  }
0x91: {  	s18 =	sld [smem:$0x3FFB];
	_ =	sdelay $0x3  }
0x92: {  	_ =	strace s18  }
0x93: {  	s3 =	sld [smem:$0x3FFC];
	_ =	sdelay $0x3  }
0x94: {  	_ =	strace s3  }
0x95: {  	s3 =	sld [smem:$0x3FFD];
	_ =	sdelay $0x3  }
0x96: {  	_ =	strace s3  }
0x97: {  	_ =	strace $0x8FFFFFFF  }
0x98: {  	s19 =	sld [smem:$0x3FDB];
	_ =	sdelay $0x1  }
0x99: {  	s4 =	simm.s32 $_scs_section_size  }
0x9a: {  	s5 =	simm.s32 $_size__tile_overlayer_lowered;
	s6 =	simm.s32 $_tile_overlayer_lowered  }
0x9b: {  	s22 =	simm.s32 $0x1BFF;
	s21 =	sshll.u32 s6, $0x1;
	s3 =	sadd.s32 s4, s19  }
0x9c: {  	s7 =	simm.s32 $0x0;
	s20 =	sshll.u32 s5, $0x1;
	s5 =	sadd.s32 s21, s3  }
0x9d: {  	[timem:s7], [sflag:s22] =	dma.local [hbm:s5], s20  }
0x9e: {  	_ =	swait.ge [sflag:s22], s20  }
0x9f: {  	s4 =	ssub.s32 $0x0, s20;
	[sflag:s22] =	ssyncset.done $0x0  }
0xa0: {  	[sflag:s22] =	ssyncadd.s32 s4;
	_ =	sdelay $0x1  }
0xa1: {  	s23 =	simm.s32 $0x1B8B  }
0xa2: {  	_ =	swait.ge [sflag:s23], $0x1  }
0xa3: {  	[sflag:s23] =	ssyncset.done $0x0  }
0xa4: {  	s25 =	simm.s32 $0x1B8E;
	s24 =	sld [smem:$0x3FFE];
	[sflag:s23] =	ssyncadd.s32 $0xFFFFFFFF  }
0xa5: {  	s26 =	simm.s32 $execute0_lowered;
	[smem:$0x3FD2] =	sst s25  }
0xa6: {  	s5 =	sshll.u32 s26, $0x1;
	_ =	strace $0x80000046;
	[dreg:$0x1] =	wrdreg $0xFFFFFFFF  }
0xa7: {  	s28 =	simm.s32 $_size_execute0_lowered;
	s3 =	sadd.s32 s3, s5;
	[dreg:$0x0] =	wrdreg $0x0  }
0xa8: {  	s5 =	sshll.u32 s28, $0x1;
	[dreg:$0x2] =	wrdreg s3  }
0xa9: {  	[dreg:$0x3] =	wrdreg s5  }
0xaa: {  	[dreg:$0x4] =	wrdreg $0xC0  }
0xab: {  	_ =	task [dreg:s7], $0x5FFFF  }
0xac: {  	[dreg:$0x1] =	wrdreg $0xFFFFFFFF  }
0xad: {  	[dreg:$0x0] =	wrdreg $0x60  }
0xae: {  	[dreg:$0x2] =	wrdreg s24  }
0xaf: {  	[dreg:$0x3] =	wrdreg s2  }
0xb0: {  	[dreg:$0x4] =	wrdreg $0xA9000  }
0xb1: {  	[dreg:$0x5] =	wrdreg $0x1E9000  }
0xb2: {  	[dreg:$0x6] =	wrdreg $0x9  }
0xb3: {  	_ =	task.clear_ibuf [dreg:s7], $0x7FFFF;
	_ =	strace $0x90000046  }
0xb4: {  	s29 =	simm.s32 $0x9;
	_ =	strace $0x80000048  }
0xb5: {  	_ =	swait.ge [sflag:s29], $0x1  }
0xb6: {  	[sflag:s29] =	ssyncadd.s32 $0xFFFFFFFF  }
0xb7: {  	_ =	strace $0x90000048  }
0xb8: {  	_ =	sfence  }
0xb9: {  	s30 =	sld [smem:$0x0];
	_ =	sdelay $0x2  }
0xba: {  	s31 =	sshll.u32 s1, $0xD;
	s1 =	sshrl.u32 s1, $0x2  }
0xbb: {  	s3 =	sand.u32 $0x4000, s31;
	s1 =	sadd.s32 s1, s30  }
0xbc: {  	s0 =	sor.u32 s3, s0;
	s1 =	sshll.u32 s1, $0x11  }
0xbd: {  	s0 =	sor.u32 s1, s0  }
0xbe: {  	s0 =	sadd.s32 $0x8F2B, s0  }
0xbf: {  	[sflag:s0] =	ssyncadd.remote.s32 $0x1  }
0xc0: {  	_ =	sfence.sel $0xFFFF  }
0xc1: {  	[dreg:$0x0] =	wrdreg $0xFFFFFFFF;
	(pc) =	sbr.abs _section_cstart, $3  }
0xc2: {  	[dreg:$0x1] =	wrdreg $0xFFFFFFFF  }
0xc3: {  	_ =	task.clear_ibuf [dreg:s7], $0x2FFFF;
	_ =	strace $0x9FFFFFFF  }
0xc4: {  	(tm) =	ssettm $0x7FFFFFFF  }
0xc5: {  	_ =	shalt  }
tec
execute0_lowered:
.L_overlay_start_1:
0x0: {  	(tag) =	ssettag $0x1  }
0x1: {  	s0 =	rddreg [dreg:$0x0]  }
0x2: {  	s3 =	rddreg [dreg:$0x1]  }
0x3: {  	s1 =	rddreg [dreg:$0x2]  }
0x4: {  	s4 =	simm.s32 $0x0;
	s2 =	srdreg.scid;
	s17 =	stileid.u32  }
0x5: {  	[smem:$0x7FF] =	sst s4;
	s4 =	smul.u32 $0x280, s17  }
0x6: {  	s5 =	sand.u32 $0x1, s2;
	s6 =	sshll.u32 s17, $0x1;
	s13 =	smul.u32 $0x14000, s17  }
0x7: {  	s7 =	sadd.s32 $0x2B000, s0;
	s24 =	smul.u32 $0x500, s17;
	s2 =	ssub.s32 $0x2, s5  }
0x8: {  	s6 =	sor.u32 s5, s6;
	s11 =	smul.u32 $0x140000, s5;
	s5 =	sshll.u32 s5, $0x7  }
0x9: {  	s8 =	sshrl.u32 s2, $0x1;
	s6 =	smul.u32 $0x2800, s6;
	s10 =	sadd.s32 $0x100, s4  }
0xa: {  	s14 =	sadd.s32 $0x180, s4;
	s26 =	sadd.s32 $0x200, s4;
	s29 =	sor.u32 s5, s24  }
0xb: {  	s2 =	ssub.s32 s2, s8;
	s8 =	sadd.s32 $0x80, s4;
	s12 =	sshll.u32 s10, $0x7  }
0xc: {  	s15 =	sshll.u32 s14, $0x7;
	s21 =	sshll.u32 s26, $0x7;
	s9 =	sshll.u32 s8, $0x7  }
0xd: {  	s6 =	sshrl.u32 s6, $0x3;
	s16 =	sadd.s32 s11, s12;
	s22 =	sadd.s32 s11, s15  }
0xe: {  	s23 =	sadd.s32 s11, s21;
	s21 =	sadd.s32 s21, s1;
	s28 =	sadd.s32 s3, s6  }
0xf: {  	s6 =	sadd.s32 s13, s11;
	s13 =	sadd.s32 s11, s9;
	s19 =	sshrl.u32 s16, $0x3  }
0x10: {  	s25 =	sshrl.u32 s23, $0x3;
	s16 =	sshll.u32 s8, $0x1;
	s3 =	sshrl.u32 s6, $0x3  }
0x11: {  	s18 =	sshrl.u32 s13, $0x3;
	s20 =	sadd.s32 s7, s19;
	s6 =	sor.u32 s5, s16  }
0x12: {  	s19 =	sshll.u32 s14, $0x1;
	s16 =	sadd.s32 $0x7B000, s0;
	s13 =	rddreg [dreg:$0x3]  }
0x13: {  	s30 =	smov.u32 s28;
	s31 =	sadd.s32 $0xA280, s28;
	s3 =	sadd.s32 s7, s3  }
0x14: {  	[dreg:$0x7] =	wrdreg s20;
	s11 =	sor.u32 s5, s19;
	s20 =	sshll.u32 s26, $0x1  }
0x15: {  	s19 =	sadd.s32 s12, s1;
	[dreg:$0x5] =	wrdreg s3;
	s3 =	sadd.s32 s7, s18  }
0x16: {  	s26 =	sadd.s32 s26, s13;
	[dreg:$0x6] =	wrdreg s3;
	s3 =	sshrl.u32 s22, $0x3  }
0x17: {  	s12 =	simm.s32 $0x2800;
	s18 =	sshll.u32 s10, $0x1;
	s3 =	sadd.s32 s7, s3  }
0x18: {  	s22 =	sshrl.u32 s6, $0x3;
	s6 =	simm.s32 $0x6800;
	[dreg:$0x8] =	wrdreg s3  }
0x19: {  	s3 =	sadd.s32 s7, s25;
	s7 =	sor.u32 s5, s18;
	s5 =	sor.u32 s5, s20  }
0x1a: {  	s25 =	sshrl.u32 s11, $0x3;
	s18 =	sadd.s32 s9, s1;
	s20 =	sadd.s32 s15, s1  }
0x1b: {  	s15 =	sadd.s32 $0xA000, s28;
	s9 =	simm.s32 $0x2;
	[dreg:$0x9] =	wrdreg s3  }
0x1c: {  	s3 =	sshrl.u32 s29, $0x3;
	s23 =	sshrl.u32 s7, $0x3;
	s5 =	sshrl.u32 s5, $0x3  }
0x1d: {  	s29 =	smul.u32 $0x50000, s17;
	s3 =	sadd.s32 s16, s3;
	s24 =	sadd.s32 s16, s23  }
0x1e: {  	s7 =	sadd.s32 s16, s5;
	s23 =	sadd.s32 s8, s13;
	[dreg:$0xa] =	wrdreg s3  }
0x1f: {  	s5 =	simm.s32 $0x80;
	s8 =	simm.s32 $0xA800;
	[dreg:$0xc] =	wrdreg s24  }
0x20: {  	s3 =	sadd.s32 s16, s22;
	[dreg:$0xe] =	wrdreg s7;
	s11 =	sshrl.u32 s29, $0x2  }
0x21: {  	s22 =	sadd.s32 s4, s13;
	s24 =	sadd.s32 s10, s13;
	s29 =	sadd.s32 $0x280, s28  }
0x22: {  	s7 =	simm.s32 $0x1;
	s10 =	simm.s32 $0x3;
	[dreg:$0xb] =	wrdreg s3  }
0x23: {  	s3 =	sadd.s32 s16, s25;
	s16 =	sadd.s32 $0x3000, s0;
	s17 =	sadd.s32 s11, s1  }
0x24: {  	s25 =	sadd.s32 s14, s13;
	s14 =	smax.u32 s2, $0x1;
	[dreg:$0xd] =	wrdreg s3  }
0x25: {  	s0 =	simm.s32 $0x6;
	_ =	strace $0x80000047;
	[dreg:$0xf] =	wrdreg s14  }
0x26: {  	s2 =	simm.s32 $0xA880;
	s11 =	simm.s32 $0x5;
	[dreg:$0x10] =	wrdreg s15  }
0x27: {  	v0 =	vimm.f32 $0.0e+00;
	v1 =	vimm.f32 $1.000000000e+00;
	[dreg:$0x11] =	wrdreg s29;
	s14 =	simm.s32 $0x4;
	s15 =	simm.s32 $0x0  }
.LBB2_1:
0x28: {  	s4 =	simm.s32 $0x0  }
0x29: {  	s3 =	sand.u32 $0xFE00, s4  }
0x2a: {  	s4 =	sand.u32 $0x70, s4;
	s28 =	sshrl.u32 s3, $0x2  }
0x2b: {  	s3 =	simm.s32 $0x40;
	s4 =	sor.u32 s4, s28;
	s28 =	simm.s32 $0x0  }
.LBB2_2:
0x2c: {  	p0 =	sne.s32 s3, $0xFFC0  }
0x2d: {  	[tilespmem:s4+$0x2800] =	vst v0;
	s28 =	sadd.s32 $0x10, s28;
	s4 =	smov.u32 s3;
	s3 =	sadd.s32 $0x40, s3  }
.Ltmp0:
0x2e: {  	(pc) =	sbr.rel @p0 .LBB2_2-.Ltmp0, $4  }
0x2f: {  	_ = 	snop  }
0x30: {  	s4 =	sand.u32 $0xFE00, s4  }
0x31: {  	s29 =	sand.u32 $0x70, s28;
	s4 =	sshrl.u32 s4, $0x2  }
0x32: {  	s4 =	sor.u32 s29, s4  }
0x33: {  	[tilespmem:s4+$0x2800] =	vst v0  }
0x34: {  	[tilespmem:$0xA800] =	vst v1  }
0x35: {  	[tilespmem:$0xA880] =	vst v0  }
0x36: {  	[tilespmem:$0xA810] =	vst v1  }
0x37: {  	[tilespmem:$0xA890] =	vst v0  }
0x38: {  	[tilespmem:$0xA820] =	vst v1  }
0x39: {  	[tilespmem:$0xA8A0] =	vst v0  }
0x3a: {  	[tilespmem:$0xA830] =	vst v1  }
0x3b: {  	[tilespmem:$0xA8B0] =	vst v0  }
0x3c: {  	[tilespmem:$0xA840] =	vst v1  }
0x3d: {  	[tilespmem:$0xA8C0] =	vst v0  }
0x3e: {  	[tilespmem:$0xA850] =	vst v1  }
0x3f: {  	[tilespmem:$0xA8D0] =	vst v0  }
0x40: {  	[tilespmem:$0xA860] =	vst v1  }
0x41: {  	[tilespmem:$0xA8E0] =	vst v0  }
0x42: {  	[tilespmem:$0xA870] =	vst v1  }
0x43: {  	[tilespmem:$0xA8F0] =	vst v0  }
0x44: {  	[spmem:s17] =	stream.linear.scatter [tilespmem:s12], [sflag:$0x6], $0x4000, $0x38;
	[tilespmem:$0x1EB80] =	vst v63  }
0x45: {  	_ =	swait.ge [sflag:s0], $0x4000  }
0x46: {  	[sflag:s0] =	ssyncset.done $0x0  }
0x47: {  	[sflag:s0] =	ssyncadd.s32 $0xFFFFC000  }
0x48: {  	[spmem:s18] =	stream.linear.scatter [tilespmem:s12], [sflag:$0x6], $0x4000, $0x38;
	[tilespmem:$0x1EB80] =	vst v63  }
0x49: {  	_ =	swait.ge [sflag:s0], $0x4000  }
0x4a: {  	[sflag:s0] =	ssyncset.done $0x0  }
0x4b: {  	[sflag:s0] =	ssyncadd.s32 $0xFFFFC000  }
0x4c: {  	[spmem:s19] =	stream.linear.scatter [tilespmem:s12], [sflag:$0x6], $0x4000, $0x38;
	[tilespmem:$0x1EB80] =	vst v63  }
0x4d: {  	_ =	swait.ge [sflag:s0], $0x4000  }
0x4e: {  	[sflag:s0] =	ssyncset.done $0x0  }
0x4f: {  	[sflag:s0] =	ssyncadd.s32 $0xFFFFC000  }
0x50: {  	[spmem:s20] =	stream.linear.scatter [tilespmem:s12], [sflag:$0x6], $0x4000, $0x38;
	[tilespmem:$0x1EB80] =	vst v63  }
0x51: {  	_ =	swait.ge [sflag:s0], $0x4000  }
0x52: {  	[sflag:s0] =	ssyncset.done $0x0  }
0x53: {  	[sflag:s0] =	ssyncadd.s32 $0xFFFFC000  }
0x54: {  	[spmem:s21] =	stream.linear.scatter [tilespmem:s12], [sflag:$0x6], $0x4000, $0x38;
	[tilespmem:$0x1EB80] =	vst v63  }
0x55: {  	_ =	swait.ge [sflag:s0], $0x4000  }
0x56: {  	[sflag:s0] =	ssyncset.done $0x0  }
0x57: {  	[sflag:s0] =	ssyncadd.s32 $0xFFFFC000  }
0x58: {  	[spmem:s22] =	stream.linear.scatter [tilespmem:s2], [sflag:$0x6], $0x80, $0x38;
	[tilespmem:$0x1EB80] =	vst v63  }
0x59: {  	_ =	swait.ge [sflag:s0], $0x80  }
0x5a: {  	[sflag:s0] =	ssyncset.done $0x0  }
0x5b: {  	[sflag:s0] =	ssyncadd.s32 $0xFFFFFF80  }
0x5c: {  	[spmem:s23] =	stream.linear.scatter [tilespmem:s2], [sflag:$0x6], $0x80, $0x38;
	[tilespmem:$0x1EB80] =	vst v63  }
0x5d: {  	_ =	swait.ge [sflag:s0], $0x80  }
0x5e: {  	[sflag:s0] =	ssyncset.done $0x0  }
0x5f: {  	[sflag:s0] =	ssyncadd.s32 $0xFFFFFF80  }
0x60: {  	[spmem:s24] =	stream.linear.scatter [tilespmem:s2], [sflag:$0x6], $0x80, $0x38;
	[tilespmem:$0x1EB80] =	vst v63  }
0x61: {  	_ =	swait.ge [sflag:s0], $0x80  }
0x62: {  	[sflag:s0] =	ssyncset.done $0x0  }
0x63: {  	[sflag:s0] =	ssyncadd.s32 $0xFFFFFF80  }
0x64: {  	[spmem:s25] =	stream.linear.scatter [tilespmem:s2], [sflag:$0x6], $0x80, $0x38;
	[tilespmem:$0x1EB80] =	vst v63  }
0x65: {  	_ =	swait.ge [sflag:s0], $0x80  }
0x66: {  	[sflag:s0] =	ssyncset.done $0x0  }
0x67: {  	[sflag:s0] =	ssyncadd.s32 $0xFFFFFF80  }
0x68: {  	[spmem:s26] =	stream.linear.scatter [tilespmem:s2], [sflag:$0x6], $0x80, $0x38;
	[tilespmem:$0x1EB80] =	vst v63  }
0x69: {  	_ =	swait.ge [sflag:s0], $0x80  }
0x6a: {  	[sflag:s0] =	ssyncset.done $0x0  }
0x6b: {  	[sflag:s0] =	ssyncadd.s32 $0xFFFFFF80  }
0x6c: {  	s3 =	simm.s32 $0x0;
	[bflag:$0x0] =	sbarrier.arrive $0xFFFF  }
0x6d: {  	[tilespmem:s3], [sflag:$0x6] =	stream.linear.gather [hbm4b:s30+s3], $0x1400, $0x38;
	[tilespmem:$0x1EB80] =	vst v63  }
0x6e: {  	_ =	swait.ge [sflag:s0], $0x1400  }
0x6f: {  	[sflag:s0] =	ssyncset.done $0x0  }
0x70: {  	s28 =	simm.s32 $0x1400;
	s29 =	rddreg [dreg:$0x10];
	[sflag:s0] =	ssyncadd.s32 $0xFFFFEC00  }
0x71: {  	[tilespmem:s28], [sflag:$0x6] =	stream.linear.gather [hbm4b:s29+s3], $0x1400, $0x38;
	[tilespmem:$0x1EB80] =	vst v63  }
0x72: {  	_ =	swait.ge [sflag:s0], $0x1400  }
0x73: {  	[sflag:s0] =	ssyncset.done $0x0  }
0x74: {  	s4 =	simm.s32 $0x0;
	[sflag:s0] =	ssyncadd.s32 $0xFFFFEC00  }
0x75: {  	[tilespmem:s12], [sflag:$0x1] =	stream.indirect.gather [hbm4b:s16+s5], $0x80, s4, s5, $0xb8;
	[tilespmem:$0x1EB80] =	vst v63  }
0x76: {  	s29 =	simm.s32 $0x80  }
0x77: {  	[tilespmem:s6], [sflag:$0x2] =	stream.indirect.gather [hbm4b:s16+s5], $0x80, s29, s5, $0xb8;
	[tilespmem:$0x1EB80] =	vst v63  }
0x78: {  	_ =	swait.ge [sflag:s7], $0x4000  }
0x79: {  	[sflag:s7] =	ssyncset.done $0x0  }
0x7a: {  	s4 =	simm.s32 $0x1400;
	[sflag:s7] =	ssyncadd.s32 $0xFFFFC000  }
0x7b: {  	[spmem:s1] =	stream.indirect.scatter.add.f32 [tilespmem:s12], [sflag:$0x3], $0x80, s4, s5, $0xb8;
	[tilespmem:$0x1EB80] =	vst v63  }
0x7c: {  	_ = 	snop  }
0x7d: {  	[spmem:s13] =	stream.indirect.scatter.add.f32 [tilespmem:s8], [sflag:$0x5], $0x1, s4, s5, $0xb8;
	[tilespmem:$0x1EB80] =	vst v63  }
0x7e: {  	_ =	swait.ge [sflag:s9], $0x4000  }
0x7f: {  	[sflag:s9] =	ssyncset.done $0x0  }
0x80: {  	s29 =	simm.s32 $0x1480;
	[sflag:s9] =	ssyncadd.s32 $0xFFFFC000  }
0x81: {  	[spmem:s1] =	stream.indirect.scatter.add.f32 [tilespmem:s6], [sflag:$0x4], $0x80, s29, s5, $0xb8;
	[tilespmem:$0x1EB80] =	vst v63  }
0x82: {  	_ = 	snop  }
0x83: {  	[spmem:s13] =	stream.indirect.scatter.add.f32 [tilespmem:s8], [sflag:$0x5], $0x1, s29, s5, $0xb8;
	[tilespmem:$0x1EB80] =	vst v63  }
0x84: {  	_ =	swait.ge [sflag:s10], $0x4000  }
0x85: {  	[sflag:s10] =	ssyncset.done $0x0  }
0x86: {  	[sflag:s10] =	ssyncadd.s32 $0xFFFFC000  }
0x87: {  	_ =	swait.ge [sflag:s11], $0x80  }
0x88: {  	[sflag:s11] =	ssyncset.done $0x0  }
0x89: {  	[sflag:s11] =	ssyncadd.s32 $0xFFFFFF80  }
0x8a: {  	_ =	swait.ge [sflag:s14], $0x4000  }
0x8b: {  	[sflag:s14] =	ssyncset.done $0x0  }
0x8c: {  	[sflag:s14] =	ssyncadd.s32 $0xFFFFC000  }
0x8d: {  	_ =	swait.ge [sflag:s11], $0x80  }
0x8e: {  	s3 =	simm.s32 $0x400;
	s28 =	simm.s32 $0x800;
	[sflag:s11] =	ssyncset.done $0x0  }
.LBB2_4:
0x8f: {  	s4 =	sshra.s32 s3, $0x2  }
0x90: {  	[sflag:s11] =	ssyncadd.s32 $0xFFFFFF80;
	s3 =	smov.u32 s28;
	s29 =	sadd.s32 $0x400, s28  }
0x91: {  	[tilespmem:s12], [sflag:$0x1] =	stream.indirect.gather [hbm4b:s16+s5], $0x80, s4, s5, $0xb8;
	[tilespmem:$0x1EB80] =	vst v63  }
0x92: {  	p0 =	sne.s32 s28, $0x4C00;
	s28 =	sadd.s32 $0x80, s4  }
0x93: {  	[tilespmem:s6], [sflag:$0x2] =	stream.indirect.gather [hbm4b:s16+s5], $0x80, s28, s5, $0xb8;
	[tilespmem:$0x1EB80] =	vst v63  }
0x94: {  	_ =	swait.ge [sflag:s7], $0x4000  }
0x95: {  	[sflag:s7] =	ssyncset.done $0x0  }
0x96: {  	s28 =	sadd.s32 $0x1400, s4;
	[sflag:s7] =	ssyncadd.s32 $0xFFFFC000  }
0x97: {  	[spmem:s1] =	stream.indirect.scatter.add.f32 [tilespmem:s12], [sflag:$0x3], $0x80, s28, s5, $0xb8;
	[tilespmem:$0x1EB80] =	vst v63  }
0x98: {  	_ = 	snop  }
0x99: {  	[spmem:s13] =	stream.indirect.scatter.add.f32 [tilespmem:s8], [sflag:$0x5], $0x1, s28, s5, $0xb8;
	[tilespmem:$0x1EB80] =	vst v63  }
0x9a: {  	_ =	swait.ge [sflag:s9], $0x4000  }
0x9b: {  	[sflag:s9] =	ssyncset.done $0x0  }
0x9c: {  	s4 =	sadd.s32 $0x1480, s4;
	[sflag:s9] =	ssyncadd.s32 $0xFFFFC000  }
0x9d: {  	[spmem:s1] =	stream.indirect.scatter.add.f32 [tilespmem:s6], [sflag:$0x4], $0x80, s4, s5, $0xb8;
	[tilespmem:$0x1EB80] =	vst v63  }
0x9e: {  	_ = 	snop  }
0x9f: {  	[spmem:s13] =	stream.indirect.scatter.add.f32 [tilespmem:s8], [sflag:$0x5], $0x1, s4, s5, $0xb8;
	[tilespmem:$0x1EB80] =	vst v63  }
0xa0: {  	_ =	swait.ge [sflag:s10], $0x4000  }
0xa1: {  	[sflag:s10] =	ssyncset.done $0x0  }
0xa2: {  	[sflag:s10] =	ssyncadd.s32 $0xFFFFC000  }
0xa3: {  	_ =	swait.ge [sflag:s11], $0x80  }
0xa4: {  	[sflag:s11] =	ssyncset.done $0x0  }
0xa5: {  	[sflag:s11] =	ssyncadd.s32 $0xFFFFFF80  }
.Ltmp1:
0xa6: {  	_ =	swait.ge [sflag:s14], $0x4000;
	(pc) =	sbr.rel @p0 .LBB2_4-.Ltmp1, $4  }
0xa7: {  	[sflag:s14] =	ssyncset.done $0x0  }
0xa8: {  	[sflag:s14] =	ssyncadd.s32 $0xFFFFC000  }
0xa9: {  	_ =	swait.ge [sflag:s11], $0x80  }
0xaa: {  	s28 =	smov.u32 s29;
	[sflag:s11] =	ssyncset.done $0x0  }
0xab: {  	s3 =	sshra.s32 s3, $0x2;
	[sflag:s11] =	ssyncadd.s32 $0xFFFFFF80  }
0xac: {  	[tilespmem:s12], [sflag:$0x1] =	stream.indirect.gather [hbm4b:s16+s5], $0x80, s3, s5, $0xb8;
	[tilespmem:$0x1EB80] =	vst v63  }
0xad: {  	s4 =	sadd.s32 $0x80, s3  }
0xae: {  	[tilespmem:s6], [sflag:$0x2] =	stream.indirect.gather [hbm4b:s16+s5], $0x80, s4, s5, $0xb8;
	[tilespmem:$0x1EB80] =	vst v63  }
0xaf: {  	_ =	swait.ge [sflag:s7], $0x4000  }
0xb0: {  	[sflag:s7] =	ssyncset.done $0x0  }
0xb1: {  	s29 =	sadd.s32 $0x1400, s3;
	[sflag:s7] =	ssyncadd.s32 $0xFFFFC000  }
0xb2: {  	[spmem:s1] =	stream.indirect.scatter.add.f32 [tilespmem:s12], [sflag:$0x3], $0x80, s29, s5, $0xb8;
	[tilespmem:$0x1EB80] =	vst v63  }
0xb3: {  	_ = 	snop  }
0xb4: {  	[spmem:s13] =	stream.indirect.scatter.add.f32 [tilespmem:s8], [sflag:$0x5], $0x1, s29, s5, $0xb8;
	[tilespmem:$0x1EB80] =	vst v63  }
0xb5: {  	_ =	swait.ge [sflag:s9], $0x4000  }
0xb6: {  	[sflag:s9] =	ssyncset.done $0x0  }
0xb7: {  	s3 =	sadd.s32 $0x1480, s3;
	[sflag:s9] =	ssyncadd.s32 $0xFFFFC000  }
0xb8: {  	[spmem:s1] =	stream.indirect.scatter.add.f32 [tilespmem:s6], [sflag:$0x4], $0x80, s3, s5, $0xb8;
	[tilespmem:$0x1EB80] =	vst v63  }
0xb9: {  	_ = 	snop  }
0xba: {  	[spmem:s13] =	stream.indirect.scatter.add.f32 [tilespmem:s8], [sflag:$0x5], $0x1, s3, s5, $0xb8;
	[tilespmem:$0x1EB80] =	vst v63  }
0xbb: {  	_ =	swait.ge [sflag:s10], $0x4000  }
0xbc: {  	[sflag:s10] =	ssyncset.done $0x0  }
0xbd: {  	[sflag:s10] =	ssyncadd.s32 $0xFFFFC000  }
0xbe: {  	_ =	swait.ge [sflag:s11], $0x80  }
0xbf: {  	[sflag:s11] =	ssyncset.done $0x0  }
0xc0: {  	[sflag:s11] =	ssyncadd.s32 $0xFFFFFF80  }
0xc1: {  	_ =	swait.ge [sflag:s14], $0x4000  }
0xc2: {  	[sflag:s14] =	ssyncset.done $0x0  }
0xc3: {  	[sflag:s14] =	ssyncadd.s32 $0xFFFFC000  }
0xc4: {  	_ =	swait.ge [sflag:s11], $0x80  }
0xc5: {  	[sflag:s11] =	ssyncset.done $0x0  }
0xc6: {  	s3 =	simm.s32 $0x0;
	s29 =	rddreg [dreg:$0x11];
	[sflag:s11] =	ssyncadd.s32 $0xFFFFFF80  }
0xc7: {  	[tilespmem:s3], [sflag:$0x6] =	stream.linear.gather [hbm4b:s29+s3], $0x1400, $0x38;
	[tilespmem:$0x1EB80] =	vst v63  }
0xc8: {  	_ =	swait.ge [sflag:s0], $0x1400  }
0xc9: {  	[sflag:s0] =	ssyncset.done $0x0  }
0xca: {  	s29 =	simm.s32 $0x1400;
	[sflag:s0] =	ssyncadd.s32 $0xFFFFEC00  }
0xcb: {  	[tilespmem:s29], [sflag:$0x6] =	stream.linear.gather [hbm4b:s31+s3], $0x1400, $0x38;
	[tilespmem:$0x1EB80] =	vst v63  }
0xcc: {  	_ =	swait.ge [sflag:s0], $0x1400  }
0xcd: {  	[sflag:s0] =	ssyncset.done $0x0  }
0xce: {  	s4 =	simm.s32 $0x0;
	[sflag:s0] =	ssyncadd.s32 $0xFFFFEC00  }
0xcf: {  	[tilespmem:s12], [sflag:$0x1] =	stream.indirect.gather [hbm4b:s16+s5], $0x80, s4, s5, $0xb8;
	[tilespmem:$0x1EB80] =	vst v63  }
0xd0: {  	s29 =	simm.s32 $0x80  }
0xd1: {  	[tilespmem:s6], [sflag:$0x2] =	stream.indirect.gather [hbm4b:s16+s5], $0x80, s29, s5, $0xb8;
	[tilespmem:$0x1EB80] =	vst v63  }
0xd2: {  	_ =	swait.ge [sflag:s7], $0x4000  }
0xd3: {  	[sflag:s7] =	ssyncset.done $0x0  }
0xd4: {  	s4 =	simm.s32 $0x1400;
	[sflag:s7] =	ssyncadd.s32 $0xFFFFC000  }
0xd5: {  	[spmem:s1] =	stream.indirect.scatter.add.f32 [tilespmem:s12], [sflag:$0x3], $0x80, s4, s5, $0xb8;
	[tilespmem:$0x1EB80] =	vst v63  }
0xd6: {  	_ = 	snop  }
0xd7: {  	[spmem:s13] =	stream.indirect.scatter.add.f32 [tilespmem:s8], [sflag:$0x5], $0x1, s4, s5, $0xb8;
	[tilespmem:$0x1EB80] =	vst v63  }
0xd8: {  	_ =	swait.ge [sflag:s9], $0x4000  }
0xd9: {  	[sflag:s9] =	ssyncset.done $0x0  }
0xda: {  	s29 =	simm.s32 $0x1480;
	[sflag:s9] =	ssyncadd.s32 $0xFFFFC000  }
0xdb: {  	[spmem:s1] =	stream.indirect.scatter.add.f32 [tilespmem:s6], [sflag:$0x4], $0x80, s29, s5, $0xb8;
	[tilespmem:$0x1EB80] =	vst v63  }
0xdc: {  	_ = 	snop  }
0xdd: {  	[spmem:s13] =	stream.indirect.scatter.add.f32 [tilespmem:s8], [sflag:$0x5], $0x1, s29, s5, $0xb8;
	[tilespmem:$0x1EB80] =	vst v63  }
0xde: {  	_ =	swait.ge [sflag:s10], $0x4000  }
0xdf: {  	[sflag:s10] =	ssyncset.done $0x0  }
0xe0: {  	[sflag:s10] =	ssyncadd.s32 $0xFFFFC000  }
0xe1: {  	_ =	swait.ge [sflag:s11], $0x80  }
0xe2: {  	[sflag:s11] =	ssyncset.done $0x0  }
0xe3: {  	[sflag:s11] =	ssyncadd.s32 $0xFFFFFF80  }
0xe4: {  	_ =	swait.ge [sflag:s14], $0x4000  }
0xe5: {  	[sflag:s14] =	ssyncset.done $0x0  }
0xe6: {  	[sflag:s14] =	ssyncadd.s32 $0xFFFFC000  }
0xe7: {  	_ =	swait.ge [sflag:s11], $0x80  }
0xe8: {  	s28 =	simm.s32 $0x800;
	s3 =	simm.s32 $0x400;
	[sflag:s11] =	ssyncset.done $0x0  }
.LBB2_6:
0xe9: {  	s4 =	sshra.s32 s3, $0x2  }
0xea: {  	[sflag:s11] =	ssyncadd.s32 $0xFFFFFF80;
	s3 =	smov.u32 s28;
	s29 =	sadd.s32 $0x400, s28  }
0xeb: {  	[tilespmem:s12], [sflag:$0x1] =	stream.indirect.gather [hbm4b:s16+s5], $0x80, s4, s5, $0xb8;
	[tilespmem:$0x1EB80] =	vst v63  }
0xec: {  	p0 =	sne.s32 s28, $0x4C00;
	s28 =	sadd.s32 $0x80, s4  }
0xed: {  	[tilespmem:s6], [sflag:$0x2] =	stream.indirect.gather [hbm4b:s16+s5], $0x80, s28, s5, $0xb8;
	[tilespmem:$0x1EB80] =	vst v63  }
0xee: {  	_ =	swait.ge [sflag:s7], $0x4000  }
0xef: {  	[sflag:s7] =	ssyncset.done $0x0  }
0xf0: {  	s28 =	sadd.s32 $0x1400, s4;
	[sflag:s7] =	ssyncadd.s32 $0xFFFFC000  }
0xf1: {  	[spmem:s1] =	stream.indirect.scatter.add.f32 [tilespmem:s12], [sflag:$0x3], $0x80, s28, s5, $0xb8;
	[tilespmem:$0x1EB80] =	vst v63  }
0xf2: {  	_ = 	snop  }
0xf3: {  	[spmem:s13] =	stream.indirect.scatter.add.f32 [tilespmem:s8], [sflag:$0x5], $0x1, s28, s5, $0xb8;
	[tilespmem:$0x1EB80] =	vst v63  }
0xf4: {  	_ =	swait.ge [sflag:s9], $0x4000  }
0xf5: {  	[sflag:s9] =	ssyncset.done $0x0  }
0xf6: {  	s4 =	sadd.s32 $0x1480, s4;
	[sflag:s9] =	ssyncadd.s32 $0xFFFFC000  }
0xf7: {  	[spmem:s1] =	stream.indirect.scatter.add.f32 [tilespmem:s6], [sflag:$0x4], $0x80, s4, s5, $0xb8;
	[tilespmem:$0x1EB80] =	vst v63  }
0xf8: {  	_ = 	snop  }
0xf9: {  	[spmem:s13] =	stream.indirect.scatter.add.f32 [tilespmem:s8], [sflag:$0x5], $0x1, s4, s5, $0xb8;
	[tilespmem:$0x1EB80] =	vst v63  }
0xfa: {  	_ =	swait.ge [sflag:s10], $0x4000  }
0xfb: {  	[sflag:s10] =	ssyncset.done $0x0  }
0xfc: {  	[sflag:s10] =	ssyncadd.s32 $0xFFFFC000  }
0xfd: {  	_ =	swait.ge [sflag:s11], $0x80  }
0xfe: {  	[sflag:s11] =	ssyncset.done $0x0  }
0xff: {  	[sflag:s11] =	ssyncadd.s32 $0xFFFFFF80  }
.Ltmp2:
0x100: {  	_ =	swait.ge [sflag:s14], $0x4000;
	(pc) =	sbr.rel @p0 .LBB2_6-.Ltmp2, $4  }
0x101: {  	[sflag:s14] =	ssyncset.done $0x0  }
0x102: {  	[sflag:s14] =	ssyncadd.s32 $0xFFFFC000  }
0x103: {  	_ =	swait.ge [sflag:s11], $0x80  }
0x104: {  	s28 =	smov.u32 s29;
	[sflag:s11] =	ssyncset.done $0x0  }
0x105: {  	s3 =	sshra.s32 s3, $0x2;
	[sflag:s11] =	ssyncadd.s32 $0xFFFFFF80  }
0x106: {  	[tilespmem:s12], [sflag:$0x1] =	stream.indirect.gather [hbm4b:s16+s5], $0x80, s3, s5, $0xb8;
	[tilespmem:$0x1EB80] =	vst v63  }
0x107: {  	s4 =	sadd.s32 $0x80, s3  }
0x108: {  	[tilespmem:s6], [sflag:$0x2] =	stream.indirect.gather [hbm4b:s16+s5], $0x80, s4, s5, $0xb8;
	[tilespmem:$0x1EB80] =	vst v63  }
0x109: {  	_ =	swait.ge [sflag:s7], $0x4000  }
0x10a: {  	[sflag:s7] =	ssyncset.done $0x0  }
0x10b: {  	s29 =	sadd.s32 $0x1400, s3;
	[sflag:s7] =	ssyncadd.s32 $0xFFFFC000  }
0x10c: {  	[spmem:s1] =	stream.indirect.scatter.add.f32 [tilespmem:s12], [sflag:$0x3], $0x80, s29, s5, $0xb8;
	[tilespmem:$0x1EB80] =	vst v63  }
0x10d: {  	_ = 	snop  }
0x10e: {  	[spmem:s13] =	stream.indirect.scatter.add.f32 [tilespmem:s8], [sflag:$0x5], $0x1, s29, s5, $0xb8;
	[tilespmem:$0x1EB80] =	vst v63  }
0x10f: {  	_ =	swait.ge [sflag:s9], $0x4000  }
0x110: {  	[sflag:s9] =	ssyncset.done $0x0  }
0x111: {  	s3 =	sadd.s32 $0x1480, s3;
	[sflag:s9] =	ssyncadd.s32 $0xFFFFC000  }
0x112: {  	[spmem:s1] =	stream.indirect.scatter.add.f32 [tilespmem:s6], [sflag:$0x4], $0x80, s3, s5, $0xb8;
	[tilespmem:$0x1EB80] =	vst v63  }
0x113: {  	_ = 	snop  }
0x114: {  	[spmem:s13] =	stream.indirect.scatter.add.f32 [tilespmem:s8], [sflag:$0x5], $0x1, s3, s5, $0xb8;
	[tilespmem:$0x1EB80] =	vst v63  }
0x115: {  	_ =	swait.ge [sflag:s10], $0x4000  }
0x116: {  	[sflag:s10] =	ssyncset.done $0x0  }
0x117: {  	[sflag:s10] =	ssyncadd.s32 $0xFFFFC000  }
0x118: {  	_ =	swait.ge [sflag:s11], $0x80  }
0x119: {  	[sflag:s11] =	ssyncset.done $0x0  }
0x11a: {  	[sflag:s11] =	ssyncadd.s32 $0xFFFFFF80  }
0x11b: {  	_ =	swait.ge [sflag:s14], $0x4000  }
0x11c: {  	[sflag:s14] =	ssyncset.done $0x0  }
0x11d: {  	[sflag:s14] =	ssyncadd.s32 $0xFFFFC000  }
0x11e: {  	_ =	swait.ge [sflag:s11], $0x80  }
0x11f: {  	[sflag:s11] =	ssyncset.done $0x0  }
0x120: {  	s28 =	stileid.u32;
	[sflag:s11] =	ssyncadd.s32 $0xFFFFFF80  }
0x121: {  	s3 =	sshll.u32 s28, $0x6;
	[bflag:$0x0] =	sbarrier.arrive $0xFFFF  }
0x122: {  	s29 =	sshrl.u32 s17, $0x3;
	s3 =	sor.u32 $0x1C06, s3;
	s28 =	rddreg [dreg:$0x5]  }
0x123: {  	[hbm:s28], [sflag:s3] =	dma.local [spmem:s29], $0x800  }
0x124: {  	_ =	swait.ge [sflag:s0], $0x800  }
0x125: {  	[sflag:s0] =	ssyncset.done $0x0  }
0x126: {  	s4 =	sshrl.u32 s18, $0x3;
	s29 =	rddreg [dreg:$0x6];
	[sflag:s0] =	ssyncadd.s32 $0xFFFFF800  }
0x127: {  	[hbm:s29], [sflag:s3] =	dma.local [spmem:s4], $0x800  }
0x128: {  	_ =	swait.ge [sflag:s0], $0x800  }
0x129: {  	[sflag:s0] =	ssyncset.done $0x0  }
0x12a: {  	s4 =	sshrl.u32 s19, $0x3;
	s29 =	rddreg [dreg:$0x7];
	[sflag:s0] =	ssyncadd.s32 $0xFFFFF800  }
0x12b: {  	[hbm:s29], [sflag:s3] =	dma.local [spmem:s4], $0x800  }
0x12c: {  	_ =	swait.ge [sflag:s0], $0x800  }
0x12d: {  	[sflag:s0] =	ssyncset.done $0x0  }
0x12e: {  	s4 =	sshrl.u32 s20, $0x3;
	s29 =	rddreg [dreg:$0x8];
	[sflag:s0] =	ssyncadd.s32 $0xFFFFF800  }
0x12f: {  	[hbm:s29], [sflag:s3] =	dma.local [spmem:s4], $0x800  }
0x130: {  	_ =	swait.ge [sflag:s0], $0x800  }
0x131: {  	[sflag:s0] =	ssyncset.done $0x0  }
0x132: {  	s4 =	sshrl.u32 s21, $0x3;
	s29 =	rddreg [dreg:$0x9];
	[sflag:s0] =	ssyncadd.s32 $0xFFFFF800  }
0x133: {  	[hbm:s29], [sflag:s3] =	dma.local [spmem:s4], $0x800  }
0x134: {  	_ =	swait.ge [sflag:s0], $0x800  }
0x135: {  	[sflag:s0] =	ssyncset.done $0x0  }
0x136: {  	s4 =	sshrl.u32 s22, $0x3;
	s29 =	rddreg [dreg:$0xa];
	[sflag:s0] =	ssyncadd.s32 $0xFFFFF800  }
0x137: {  	[hbm:s29], [sflag:s3] =	dma.local [spmem:s4], $0x10  }
0x138: {  	_ =	swait.ge [sflag:s0], $0x10  }
0x139: {  	[sflag:s0] =	ssyncset.done $0x0  }
0x13a: {  	s4 =	sshrl.u32 s23, $0x3;
	s29 =	rddreg [dreg:$0xb];
	[sflag:s0] =	ssyncadd.s32 $0xFFFFFFF0  }
0x13b: {  	[hbm:s29], [sflag:s3] =	dma.local [spmem:s4], $0x10  }
0x13c: {  	_ =	swait.ge [sflag:s0], $0x10  }
0x13d: {  	[sflag:s0] =	ssyncset.done $0x0  }
0x13e: {  	s4 =	sshrl.u32 s24, $0x3;
	s29 =	rddreg [dreg:$0xc];
	[sflag:s0] =	ssyncadd.s32 $0xFFFFFFF0  }
0x13f: {  	[hbm:s29], [sflag:s3] =	dma.local [spmem:s4], $0x10  }
0x140: {  	_ =	swait.ge [sflag:s0], $0x10  }
0x141: {  	[sflag:s0] =	ssyncset.done $0x0  }
0x142: {  	s4 =	sshrl.u32 s25, $0x3;
	s29 =	rddreg [dreg:$0xd];
	[sflag:s0] =	ssyncadd.s32 $0xFFFFFFF0  }
0x143: {  	[hbm:s29], [sflag:s3] =	dma.local [spmem:s4], $0x10  }
0x144: {  	_ =	swait.ge [sflag:s0], $0x10  }
0x145: {  	[sflag:s0] =	ssyncset.done $0x0  }
0x146: {  	s4 =	sshrl.u32 s26, $0x3;
	s29 =	rddreg [dreg:$0xe];
	[sflag:s0] =	ssyncadd.s32 $0xFFFFFFF0  }
0x147: {  	[hbm:s29], [sflag:s3] =	dma.local [spmem:s4], $0x10  }
0x148: {  	_ =	swait.ge [sflag:s0], $0x10  }
0x149: {  	s15 =	sadd.s32 $0x1, s15;
	s29 =	rddreg [dreg:$0xf]  }
0x14a: {  	p0 =	sne.s32 s15, s29  }
.Ltmp3:
0x14b: {  	_ = 	snop;
	(pc) =	sbr.rel @p0 .LBB2_1-.Ltmp3, $3  }
0x14c: {  	_ =	sdelay $0x1  }
0x14d: {  	[sflag:s0] =	ssyncset.done $0x0  }
0x14e: {  	[sflag:s0] =	ssyncadd.s32 $0xFFFFFFF0  }
0x14f: {  	_ =	sfence.sel $0x180000  }
0x150: {  	[bflag:$0x0] =	sbarrier.arrive $0xFFFF  }
0x151: {  	_ =	strace $0x90000047  }
0x152: {  	s0 =	stileid.u32;
	[bflag:$0x2] =	sbarrier.arrive $0xFFFF  }
0x153: {  	p0 =	sne.s32 s0, $0x0;
	s0 =	rddreg [dreg:$0x4]  }
0x154: {  	s0 =	sadd.s32 @!p0 $0x100000, s0  }
0x155: {  	[sflag:s0] =	ssyncadd.tile.s32 @!p0 $0x1;
	_ =	shalt  }
.Lfunc_end2:
_tile_overlayer_lowered:
.L_overlay_start_2:
0x156: {  	(tag) =	ssettag $0x2  }
0x157: {  	s0 =	rddreg [dreg:$0x0];
	s2 =	stileid.u32  }
0x158: {  	s1 =	rddreg [dreg:$0x1];
	p0 =	sne.s32 s2, $0x0  }
0x159: {  	s3 =	rddreg [dreg:$0x2];
	[bflag:$0x3] =	sbarrier.arrive $0xFFFF;
	s2 =	simm.s32 @!p0 $0x1C06  }
0x15a: {  	[timem:s3], [sflag:s2] =	dma.local @!p0 [hbm:s0], s1  }
0x15b: {  	s0 =	simm.s32 @!p0 $0x6  }
0x15c: {  	_ =	swait.ge @!p0 [sflag:s0], s1  }
0x15d: {  	s1 =	ssub.s32 @!p0 $0x0, s1;
	[sflag:s0] =	ssyncset.done @!p0 $0x0  }
0x15e: {  	[sflag:s0] =	ssyncadd.s32 @!p0 s1  }
0x15f: {  	[bflag:$0x3] =	sbarrier.arrive $0xFFFF  }
0x160: {  	_ =	shalt  }

</sc_bundles>
